<compile_context>
chip_gen: v7x
topology: tpu7x:2x2x1
jax: 0.10.2.dev20260603
libtpu: 0.0.44.dev20260713+nightly
codegen_flags: <defaults>
</compile_context>

<pallas_src>
import functools

import jax
import jax.numpy as jnp
from jax import lax
from jax.experimental import pallas as pl
from jax.experimental.pallas import tpu as pltpu
from jax.experimental.pallas import tpu_sc as plsc

NUM_ENTITY = 1000000
NUM_RELATION = 18
DIM = 32
MARGIN = 1.0
BATCH = 16384

NUM_CORES = 2
NUM_SUBCORES = 16
LANES = 16
NW = NUM_CORES * NUM_SUBCORES
B_PER_W = BATCH // NW
CHUNK = 64
N_CHUNKS = B_PER_W // CHUNK
GROUPS = CHUNK // LANES


def _rsqrt(x):
    i = lax.bitcast_convert_type(x, jnp.int32)
    i = 0x5F3759DF - lax.shift_right_logical(i, 1)
    y = lax.bitcast_convert_type(i, jnp.float32)
    for _ in range(3):
        y = y * (1.5 - 0.5 * x * y * y)
    return y


def _safe_norm(sumsq):
    s = jnp.maximum(sumsq, 1e-24)
    return s * _rsqrt(s)


def _relu(x):
    return jnp.maximum(x, 0.0)


def _score(vd, tr, lb, rb, is_hypo, is_hyper, is_syn):
    hypo = _relu(vd - (lb - rb))
    hyper = _relu(vd - (rb - lb))
    syn = vd + jnp.abs(lb - rb)
    return jnp.where(is_hypo, hypo,
                     jnp.where(is_hyper, hyper,
                               jnp.where(is_syn, syn, tr)))


def _sc_body(left_hbm, right_hbm, rel_hbm, negl_hbm, negr_hbm,
             vec_hbm, relemb_hbm, out_hbm,
             li_v, ri_v, nli_v, nri_v, rel_v,
             l0_v, r0_v, nl0_v, nr0_v,
             l1_v, r1_v, nl1_v, nr1_v,
             relemb_v, acc_v, sem, sem0, sem1):
    wid = lax.axis_index("s") * NUM_CORES + lax.axis_index("c")
    base = wid * B_PER_W

    pltpu.sync_copy(left_hbm.at[pl.ds(base, B_PER_W)], li_v)
    pltpu.sync_copy(right_hbm.at[pl.ds(base, B_PER_W)], ri_v)
    pltpu.sync_copy(negl_hbm.at[pl.ds(base, B_PER_W)], nli_v)
    pltpu.sync_copy(negr_hbm.at[pl.ds(base, B_PER_W)], nri_v)
    pltpu.sync_copy(rel_hbm.at[pl.ds(base, B_PER_W)], rel_v)
    for rr in range(NUM_RELATION):
        pltpu.async_copy(relemb_hbm.at[pl.ds(rr, 1), :],
                         relemb_v.at[pl.ds(rr, 1), :], sem)
    pltpu.make_async_copy(relemb_hbm, relemb_v, sem).wait()

    iota16 = lax.iota(jnp.int32, 16)
    zf = jnp.zeros((LANES,), jnp.float32)
    bufs0 = (l0_v, r0_v, nl0_v, nr0_v)
    bufs1 = (l1_v, r1_v, nl1_v, nr1_v)
    idx4 = (li_v, ri_v, nli_v, nri_v)

    def issue(c, bufs, sm):
        cbase = c * CHUNK
        for idx_ref, vdst in zip(idx4, bufs):
            pltpu.async_copy(vec_hbm.at[idx_ref.at[pl.ds(cbase, CHUNK)]],
                             vdst, sm)

    def drain(bufs, sm):
        for vdst in bufs:
            pltpu.make_async_copy(vec_hbm.at[pl.ds(0, CHUNK), :], vdst,
                                  sm).wait()

    def compute_chunk(c, bufs, total):
        cbase = c * CHUNK
        l_v, r_v, nl_v, nr_v = bufs

        def group_body(g, cost_acc):
            rows = g * LANES + iota16
            gbase = cbase + g * LANES
            rel_idx = rel_v[pl.ds(gbase, LANES)]
            bcol = jnp.full((LANES,), DIM, jnp.int32)
            lb = plsc.load_gather(l_v, [rows, bcol])
            rb = plsc.load_gather(r_v, [rows, bcol])
            nlb = plsc.load_gather(nl_v, [rows, bcol])
            nrb = plsc.load_gather(nr_v, [rows, bcol])

            def dim_body(d, accs):
                a1, a2, a3, a4, a5, a6 = accs
                dcol = jnp.full((LANES,), d, jnp.int32)
                l = plsc.load_gather(l_v, [rows, dcol])
                r = plsc.load_gather(r_v, [rows, dcol])
                nl = plsc.load_gather(nl_v, [rows, dcol])
                nr = plsc.load_gather(nr_v, [rows, dcol])
                s = plsc.load_gather(relemb_v, [rel_idx, dcol])
                t1 = l - r
                t2 = nl - r
                t3 = l - nr
                u1 = t1 + s
                u2 = t2 + s
                u3 = t3 + s
                return (a1 + t1 * t1, a2 + u1 * u1, a3 + t2 * t2,
                        a4 + u2 * u2, a5 + t3 * t3, a6 + u3 * u3)

            a1, a2, a3, a4, a5, a6 = lax.fori_loop(
                0, DIM, dim_body, (zf, zf, zf, zf, zf, zf), unroll=8)

            is_hypo = (rel_idx == 4) | (rel_idx == 6)
            is_hyper = (rel_idx == 3) | (rel_idx == 5)
            is_syn = ((rel_idx == 0) | (rel_idx == 1) |
                      (rel_idx == 13) | (rel_idx == 17))

            crt = _score(_safe_norm(a1), _safe_norm(a2), lb, rb,
                         is_hypo, is_hyper, is_syn)
            crtln = _score(_safe_norm(a3), _safe_norm(a4), nlb, rb,
                           is_hypo, is_hyper, is_syn)
            crtrn = _score(_safe_norm(a5), _safe_norm(a6), lb, nrb,
                           is_hypo, is_hyper, is_syn)
            cost = _relu(crt - crtln + MARGIN) + _relu(crt - crtrn + MARGIN)
            return cost_acc + cost

        return lax.fori_loop(0, GROUPS, group_body, total)

    issue(0, bufs0, sem0)

    def pair_body(p, total):
        c0 = 2 * p
        c1 = 2 * p + 1
        issue(c1, bufs1, sem1)
        drain(bufs0, sem0)
        total = compute_chunk(c0, bufs0, total)

        @pl.when(c1 + 1 < N_CHUNKS)
        def _():
            issue(c1 + 1, bufs0, sem0)
        drain(bufs1, sem1)
        return compute_chunk(c1, bufs1, total)

    cost_acc = lax.fori_loop(0, N_CHUNKS // 2, pair_body, zf)
    acc_v[...] = cost_acc
    pltpu.sync_copy(acc_v, out_hbm.at[pl.ds(wid * LANES, LANES)])


_sc_call = functools.partial(
    pl.kernel,
    out_type=jax.ShapeDtypeStruct((NW * LANES,), jnp.float32),
    mesh=plsc.VectorSubcoreMesh(core_axis_name="c", subcore_axis_name="s"),
    compiler_params=pltpu.CompilerParams(needs_layout_passes=False),
    scratch_types=[
        pltpu.VMEM((B_PER_W,), jnp.int32),
        pltpu.VMEM((B_PER_W,), jnp.int32),
        pltpu.VMEM((B_PER_W,), jnp.int32),
        pltpu.VMEM((B_PER_W,), jnp.int32),
        pltpu.VMEM((B_PER_W,), jnp.int32),
        pltpu.VMEM((CHUNK, 128), jnp.float32),
        pltpu.VMEM((CHUNK, 128), jnp.float32),
        pltpu.VMEM((CHUNK, 128), jnp.float32),
        pltpu.VMEM((CHUNK, 128), jnp.float32),
        pltpu.VMEM((CHUNK, 128), jnp.float32),
        pltpu.VMEM((CHUNK, 128), jnp.float32),
        pltpu.VMEM((CHUNK, 128), jnp.float32),
        pltpu.VMEM((CHUNK, 128), jnp.float32),
        pltpu.VMEM((NUM_RELATION, DIM), jnp.float32),
        pltpu.VMEM((LANES,), jnp.float32),
        pltpu.SemaphoreType.DMA,
        pltpu.SemaphoreType.DMA,
        pltpu.SemaphoreType.DMA,
    ],
)(_sc_body)


@jax.jit
def kernel(leftEnIndices, rightEnIndices, relIndices, negLeftEnIndices,
           negRightEnIndices, predVec, predBias, relationEmbedding):
    li = leftEnIndices.astype(jnp.int32)
    ri = rightEnIndices.astype(jnp.int32)
    nli = negLeftEnIndices.astype(jnp.int32)
    nri = negRightEnIndices.astype(jnp.int32)
    aug = jnp.concatenate([predVec, predBias], axis=1)
    relayout = (jnp.eye(DIM + 1, 128, dtype=jnp.float32)
                + jnp.full((DIM + 1, 128), 1e-30, jnp.float32))
    vec_rm = aug @ relayout
    partials = _sc_call(
        li, ri, relIndices.astype(jnp.int32), nli, nri,
        vec_rm, relationEmbedding)
    return jnp.sum(partials) / BATCH

# --- scband reference (transcript-rebuilt; emitter-appended) ---
"""Pipeline reference for scband-new-model-66176856097442 (READ-ONLY COPY).

The authoritative reference and input builder live on the scoring server;
editing this copy changes nothing except your own understanding.
"""

import jax, jax.numpy as jnp
import numpy as np

NUM_ENTITY = 1000000
NUM_RELATION = 18
DIM = 32
MARGIN = 1.0
BATCH = 16384


def setup_inputs(seed: int = 0) -> dict:
    key = jax.random.key(seed)
    k1, k2, k3, k4, k5, k6, k7, k8 = jax.random.split(key, 8)
    k_root = DIM ** 0.5
    predVec = jax.random.uniform(k1, (NUM_ENTITY, DIM), minval=-6.0 / k_root, maxval=6.0 / k_root, dtype=jnp.float32)
    predVec = predVec / jnp.maximum(jnp.linalg.norm(predVec, axis=1, keepdims=True), 1e-12)
    predBias = jax.random.uniform(k2, (NUM_ENTITY, 1), minval=-6.0 / k_root, maxval=6.0 / k_root, dtype=jnp.float32)
    relationEmbedding = jax.random.uniform(k3, (NUM_RELATION, DIM), minval=-6.0 / k_root, maxval=6.0 / k_root, dtype=jnp.float32)
    relationEmbedding = relationEmbedding / jnp.maximum(jnp.linalg.norm(relationEmbedding, axis=1, keepdims=True), 1e-12)
    leftEnIndices = jax.random.randint(k4, (BATCH,), 0, NUM_ENTITY, dtype=jnp.int64 if jax.config.jax_enable_x64 else jnp.int32)
    rightEnIndices = jax.random.randint(k5, (BATCH,), 0, NUM_ENTITY, dtype=leftEnIndices.dtype)
    relIndices = jax.random.randint(k6, (BATCH,), 0, NUM_RELATION, dtype=leftEnIndices.dtype)
    negLeftEnIndices = jax.random.randint(k7, (BATCH,), 0, NUM_ENTITY, dtype=leftEnIndices.dtype)
    negRightEnIndices = jax.random.randint(k8, (BATCH,), 0, NUM_ENTITY, dtype=leftEnIndices.dtype)
    return {
        'leftEnIndices': leftEnIndices,
        'rightEnIndices': rightEnIndices,
        'relIndices': relIndices,
        'negLeftEnIndices': negLeftEnIndices,
        'negRightEnIndices': negRightEnIndices,
        'predVec': predVec,
        'predBias': predBias,
        'relationEmbedding': relationEmbedding,
    }


def _l2norm_rows(x):
    # safe L2 norm over last axis (rawScore uses sqrt(sum(sq)))
    return jnp.sqrt(jnp.maximum(jnp.sum(jnp.square(x), axis=-1), 1e-24))


def _crt(leftVec, leftBias, relIdx, rightVec, rightBias, relationEmbedding):
    lb = leftBias[:, 0]
    rb = rightBias[:, 0]
    vecDiff = _l2norm_rows(leftVec - rightVec)
    # hyponym {4,6}: relu(vecDiff - (lb - rb))
    hypo = jax.nn.relu(vecDiff - (lb - rb))
    # hypernym {3,5}: relu(vecDiff - (rb - lb))
    hyper = jax.nn.relu(vecDiff - (rb - lb))
    # synonym {0,1,13,17}: vecDiff + |lb - rb|
    syn = vecDiff + jnp.abs(lb - rb)
    # translation (everything else): ||l + r_emb - r||
    relEmb = jnp.take(relationEmbedding, relIdx, axis=0)
    trans = _l2norm_rows(leftVec + relEmb - rightVec)
    is_hypo = (relIdx == 4) | (relIdx == 6)
    is_hyper = (relIdx == 3) | (relIdx == 5)
    is_syn = (relIdx == 0) | (relIdx == 1) | (relIdx == 13) | (relIdx == 17)
    return jnp.where(is_hypo, hypo, jnp.where(is_hyper, hyper, jnp.where(is_syn, syn, trans)))


def reference(leftEnIndices, rightEnIndices, relIndices, negLeftEnIndices, negRightEnIndices, predVec, predBias, relationEmbedding):
    leftEnVec = jnp.take(predVec, leftEnIndices, axis=0)
    leftEnBias = jnp.take(predBias, leftEnIndices, axis=0)
    rightEnVec = jnp.take(predVec, rightEnIndices, axis=0)
    rightEnBias = jnp.take(predBias, rightEnIndices, axis=0)
    negLeftEnVec = jnp.take(predVec, negLeftEnIndices, axis=0)
    negLeftEnBias = jnp.take(predBias, negLeftEnIndices, axis=0)
    negRightEnVec = jnp.take(predVec, negRightEnIndices, axis=0)
    negRightEnBias = jnp.take(predBias, negRightEnIndices, axis=0)
    crt = _crt(leftEnVec, leftEnBias, relIndices, rightEnVec, rightEnBias, relationEmbedding)
    crtln = _crt(negLeftEnVec, negLeftEnBias, relIndices, rightEnVec, rightEnBias, relationEmbedding)
    crtrn = _crt(leftEnVec, leftEnBias, relIndices, negRightEnVec, negRightEnBias, relationEmbedding)
    costl = jax.nn.relu(crt - crtln + MARGIN)
    costr = jax.nn.relu(crt - crtrn + MARGIN)
    cost = costl + costr
    return jnp.mean(cost)

if __name__ == "__main__":
    import jax
    _d = setup_inputs()
    print(jax.jit(kernel)(*tuple(_d.values())))

</pallas_src>

<mosaic_0001>
#map = affine_map<(d0, d1) -> (0)>
#map1 = affine_map<(d0, d1) -> (0, 0)>
module attributes {stable_mosaic.version = 14 : i64} {
  func.func @_sc_body(%arg0: i32, %arg1: i32, %arg2: memref<16384xi32, #tpu.memory_space<hbm>>, %arg3: memref<16384xi32, #tpu.memory_space<hbm>>, %arg4: memref<16384xi32, #tpu.memory_space<hbm>>, %arg5: memref<16384xi32, #tpu.memory_space<hbm>>, %arg6: memref<16384xi32, #tpu.memory_space<hbm>>, %arg7: memref<1000000x128xf32, #tpu.memory_space<hbm>>, %arg8: memref<18x32xf32, #tpu.memory_space<hbm>>, %arg9: memref<512xf32, #tpu.memory_space<hbm>>, %arg10: memref<512xi32, #tpu.memory_space<vmem>>, %arg11: memref<512xi32, #tpu.memory_space<vmem>>, %arg12: memref<512xi32, #tpu.memory_space<vmem>>, %arg13: memref<512xi32, #tpu.memory_space<vmem>>, %arg14: memref<512xi32, #tpu.memory_space<vmem>>, %arg15: memref<64x128xf32, #tpu.memory_space<vmem>>, %arg16: memref<64x128xf32, #tpu.memory_space<vmem>>, %arg17: memref<64x128xf32, #tpu.memory_space<vmem>>, %arg18: memref<64x128xf32, #tpu.memory_space<vmem>>, %arg19: memref<64x128xf32, #tpu.memory_space<vmem>>, %arg20: memref<64x128xf32, #tpu.memory_space<vmem>>, %arg21: memref<64x128xf32, #tpu.memory_space<vmem>>, %arg22: memref<64x128xf32, #tpu.memory_space<vmem>>, %arg23: memref<18x32xf32, #tpu.memory_space<vmem>>, %arg24: memref<16xf32, #tpu.memory_space<vmem>>, %arg25: memref<!tpu.dma_semaphore, #tpu.memory_space<semaphore_mem>>, %arg26: memref<!tpu.dma_semaphore, #tpu.memory_space<semaphore_mem>>, %arg27: memref<!tpu.dma_semaphore, #tpu.memory_space<semaphore_mem>>) attributes {dimension_semantics = [#tpu.dimension_semantics<core_parallel>, #tpu.dimension_semantics<subcore_parallel>], iteration_bounds = array<i64: 2, 16>, scalar_prefetch = 0 : i64, scratch_operands = 18 : i64, tpu.core_type = #tpu.core_type<sc_vector_subcore>, window_params = [{transform_indices = #map}, {transform_indices = #map}, {transform_indices = #map}, {transform_indices = #map}, {transform_indices = #map}, {transform_indices = #map1}, {transform_indices = #map1}, {transform_indices = #map}]} {
    %mul3A = arith.constant 2 : i32
    %mul3A_0 = arith.muli %arg1, %mul3A : i32
    %add3A = arith.addi %mul3A_0, %arg0 : i32
    %mul3A_1 = arith.constant 512 : i32
    %mul3A_2 = arith.muli %add3A, %mul3A_1 : i32
    "tpu.region"() ({
      %run_scoped3A = tpu.sem_alloc : memref<!tpu.dma_semaphore, #tpu.memory_space<semaphore_mem>>
      %dma_start3A_247 = tpu.memref_slice %arg2[%mul3A_2] : memref<16384xi32, #tpu.memory_space<hbm>> -> memref<512xi32, #tpu.memory_space<hbm>>
      %dma_start3A_248 = tpu.memref_slice %arg2[%mul3A_2] : memref<16384xi32, #tpu.memory_space<hbm>> -> memref<512xi32, #tpu.memory_space<hbm>>
      tpu.enqueue_dma source(%dma_start3A_248 : memref<512xi32, #tpu.memory_space<hbm>>) target(%arg10 : memref<512xi32, #tpu.memory_space<vmem>>) target_semaphore(%run_scoped3A : memref<!tpu.dma_semaphore, #tpu.memory_space<semaphore_mem>>)
      %dma_wait3A = tpu.memref_slice %arg2[%mul3A_2] : memref<16384xi32, #tpu.memory_space<hbm>> -> memref<512xi32, #tpu.memory_space<hbm>>
      %dma_wait3A_249 = tpu.memref_slice %arg2[%mul3A_2] : memref<16384xi32, #tpu.memory_space<hbm>> -> memref<512xi32, #tpu.memory_space<hbm>>
      tpu.wait_dma2 semaphore(%run_scoped3A : memref<!tpu.dma_semaphore, #tpu.memory_space<semaphore_mem>>) src(%dma_wait3A_249 : memref<512xi32, #tpu.memory_space<hbm>>) dst(%arg10 : memref<512xi32, #tpu.memory_space<vmem>>)
      tpu.yield
    }) : () -> ()
    "tpu.region"() ({
      %run_scoped3A = tpu.sem_alloc : memref<!tpu.dma_semaphore, #tpu.memory_space<semaphore_mem>>
      %dma_start3A_247 = tpu.memref_slice %arg3[%mul3A_2] : memref<16384xi32, #tpu.memory_space<hbm>> -> memref<512xi32, #tpu.memory_space<hbm>>
      %dma_start3A_248 = tpu.memref_slice %arg3[%mul3A_2] : memref<16384xi32, #tpu.memory_space<hbm>> -> memref<512xi32, #tpu.memory_space<hbm>>
      tpu.enqueue_dma source(%dma_start3A_248 : memref<512xi32, #tpu.memory_space<hbm>>) target(%arg11 : memref<512xi32, #tpu.memory_space<vmem>>) target_semaphore(%run_scoped3A : memref<!tpu.dma_semaphore, #tpu.memory_space<semaphore_mem>>)
      %dma_wait3A = tpu.memref_slice %arg3[%mul3A_2] : memref<16384xi32, #tpu.memory_space<hbm>> -> memref<512xi32, #tpu.memory_space<hbm>>
      %dma_wait3A_249 = tpu.memref_slice %arg3[%mul3A_2] : memref<16384xi32, #tpu.memory_space<hbm>> -> memref<512xi32, #tpu.memory_space<hbm>>
      tpu.wait_dma2 semaphore(%run_scoped3A : memref<!tpu.dma_semaphore, #tpu.memory_space<semaphore_mem>>) src(%dma_wait3A_249 : memref<512xi32, #tpu.memory_space<hbm>>) dst(%arg11 : memref<512xi32, #tpu.memory_space<vmem>>)
      tpu.yield
    }) : () -> ()
    "tpu.region"() ({
      %run_scoped3A = tpu.sem_alloc : memref<!tpu.dma_semaphore, #tpu.memory_space<semaphore_mem>>
      %dma_start3A_247 = tpu.memref_slice %arg5[%mul3A_2] : memref<16384xi32, #tpu.memory_space<hbm>> -> memref<512xi32, #tpu.memory_space<hbm>>
      %dma_start3A_248 = tpu.memref_slice %arg5[%mul3A_2] : memref<16384xi32, #tpu.memory_space<hbm>> -> memref<512xi32, #tpu.memory_space<hbm>>
      tpu.enqueue_dma source(%dma_start3A_248 : memref<512xi32, #tpu.memory_space<hbm>>) target(%arg12 : memref<512xi32, #tpu.memory_space<vmem>>) target_semaphore(%run_scoped3A : memref<!tpu.dma_semaphore, #tpu.memory_space<semaphore_mem>>)
      %dma_wait3A = tpu.memref_slice %arg5[%mul3A_2] : memref<16384xi32, #tpu.memory_space<hbm>> -> memref<512xi32, #tpu.memory_space<hbm>>
      %dma_wait3A_249 = tpu.memref_slice %arg5[%mul3A_2] : memref<16384xi32, #tpu.memory_space<hbm>> -> memref<512xi32, #tpu.memory_space<hbm>>
      tpu.wait_dma2 semaphore(%run_scoped3A : memref<!tpu.dma_semaphore, #tpu.memory_space<semaphore_mem>>) src(%dma_wait3A_249 : memref<512xi32, #tpu.memory_space<hbm>>) dst(%arg12 : memref<512xi32, #tpu.memory_space<vmem>>)
      tpu.yield
    }) : () -> ()
    "tpu.region"() ({
      %run_scoped3A = tpu.sem_alloc : memref<!tpu.dma_semaphore, #tpu.memory_space<semaphore_mem>>
      %dma_start3A_247 = tpu.memref_slice %arg6[%mul3A_2] : memref<16384xi32, #tpu.memory_space<hbm>> -> memref<512xi32, #tpu.memory_space<hbm>>
      %dma_start3A_248 = tpu.memref_slice %arg6[%mul3A_2] : memref<16384xi32, #tpu.memory_space<hbm>> -> memref<512xi32, #tpu.memory_space<hbm>>
      tpu.enqueue_dma source(%dma_start3A_248 : memref<512xi32, #tpu.memory_space<hbm>>) target(%arg13 : memref<512xi32, #tpu.memory_space<vmem>>) target_semaphore(%run_scoped3A : memref<!tpu.dma_semaphore, #tpu.memory_space<semaphore_mem>>)
      %dma_wait3A = tpu.memref_slice %arg6[%mul3A_2] : memref<16384xi32, #tpu.memory_space<hbm>> -> memref<512xi32, #tpu.memory_space<hbm>>
      %dma_wait3A_249 = tpu.memref_slice %arg6[%mul3A_2] : memref<16384xi32, #tpu.memory_space<hbm>> -> memref<512xi32, #tpu.memory_space<hbm>>
      tpu.wait_dma2 semaphore(%run_scoped3A : memref<!tpu.dma_semaphore, #tpu.memory_space<semaphore_mem>>) src(%dma_wait3A_249 : memref<512xi32, #tpu.memory_space<hbm>>) dst(%arg13 : memref<512xi32, #tpu.memory_space<vmem>>)
      tpu.yield
    }) : () -> ()
    "tpu.region"() ({
      %run_scoped3A = tpu.sem_alloc : memref<!tpu.dma_semaphore, #tpu.memory_space<semaphore_mem>>
      %dma_start3A_247 = tpu.memref_slice %arg4[%mul3A_2] : memref<16384xi32, #tpu.memory_space<hbm>> -> memref<512xi32, #tpu.memory_space<hbm>>
      %dma_start3A_248 = tpu.memref_slice %arg4[%mul3A_2] : memref<16384xi32, #tpu.memory_space<hbm>> -> memref<512xi32, #tpu.memory_space<hbm>>
      tpu.enqueue_dma source(%dma_start3A_248 : memref<512xi32, #tpu.memory_space<hbm>>) target(%arg14 : memref<512xi32, #tpu.memory_space<vmem>>) target_semaphore(%run_scoped3A : memref<!tpu.dma_semaphore, #tpu.memory_space<semaphore_mem>>)
      %dma_wait3A = tpu.memref_slice %arg4[%mul3A_2] : memref<16384xi32, #tpu.memory_space<hbm>> -> memref<512xi32, #tpu.memory_space<hbm>>
      %dma_wait3A_249 = tpu.memref_slice %arg4[%mul3A_2] : memref<16384xi32, #tpu.memory_space<hbm>> -> memref<512xi32, #tpu.memory_space<hbm>>
      tpu.wait_dma2 semaphore(%run_scoped3A : memref<!tpu.dma_semaphore, #tpu.memory_space<semaphore_mem>>) src(%dma_wait3A_249 : memref<512xi32, #tpu.memory_space<hbm>>) dst(%arg14 : memref<512xi32, #tpu.memory_space<vmem>>)
      tpu.yield
    }) : () -> ()
    %dma_start3A = arith.constant 0 : i32
    %dma_start3A_3 = arith.constant 0 : i32
    %dma_start3A_4 = tpu.memref_slice %arg23[%dma_start3A, %dma_start3A_3] : memref<18x32xf32, #tpu.memory_space<vmem>> -> memref<1x32xf32, #tpu.memory_space<vmem>>
    %dma_start3A_5 = arith.constant 0 : i32
    %dma_start3A_6 = arith.constant 0 : i32
    %dma_start3A_7 = tpu.memref_slice %arg8[%dma_start3A_5, %dma_start3A_6] : memref<18x32xf32, #tpu.memory_space<hbm>> -> memref<1x32xf32, #tpu.memory_space<hbm>>
    %dma_start3A_8 = arith.constant 0 : i32
    %dma_start3A_9 = arith.constant 0 : i32
    %dma_start3A_10 = tpu.memref_slice %arg23[%dma_start3A_8, %dma_start3A_9] : memref<18x32xf32, #tpu.memory_space<vmem>> -> memref<1x32xf32, #tpu.memory_space<vmem>>
    %dma_start3A_11 = arith.constant 0 : i32
    %dma_start3A_12 = arith.constant 0 : i32
    %dma_start3A_13 = tpu.memref_slice %arg8[%dma_start3A_11, %dma_start3A_12] : memref<18x32xf32, #tpu.memory_space<hbm>> -> memref<1x32xf32, #tpu.memory_space<hbm>>
    tpu.enqueue_dma source(%dma_start3A_13 : memref<1x32xf32, #tpu.memory_space<hbm>>) target(%dma_start3A_10 : memref<1x32xf32, #tpu.memory_space<vmem>>) target_semaphore(%arg25 : memref<!tpu.dma_semaphore, #tpu.memory_space<semaphore_mem>>)
    %dma_start3A_14 = arith.constant 1 : i32
    %dma_start3A_15 = arith.constant 0 : i32
    %dma_start3A_16 = tpu.memref_slice %arg23[%dma_start3A_14, %dma_start3A_15] : memref<18x32xf32, #tpu.memory_space<vmem>> -> memref<1x32xf32, #tpu.memory_space<vmem>>
    %dma_start3A_17 = arith.constant 1 : i32
    %dma_start3A_18 = arith.constant 0 : i32
    %dma_start3A_19 = tpu.memref_slice %arg8[%dma_start3A_17, %dma_start3A_18] : memref<18x32xf32, #tpu.memory_space<hbm>> -> memref<1x32xf32, #tpu.memory_space<hbm>>
    %dma_start3A_20 = arith.constant 1 : i32
    %dma_start3A_21 = arith.constant 0 : i32
    %dma_start3A_22 = tpu.memref_slice %arg23[%dma_start3A_20, %dma_start3A_21] : memref<18x32xf32, #tpu.memory_space<vmem>> -> memref<1x32xf32, #tpu.memory_space<vmem>>
    %dma_start3A_23 = arith.constant 1 : i32
    %dma_start3A_24 = arith.constant 0 : i32
    %dma_start3A_25 = tpu.memref_slice %arg8[%dma_start3A_23, %dma_start3A_24] : memref<18x32xf32, #tpu.memory_space<hbm>> -> memref<1x32xf32, #tpu.memory_space<hbm>>
    tpu.enqueue_dma source(%dma_start3A_25 : memref<1x32xf32, #tpu.memory_space<hbm>>) target(%dma_start3A_22 : memref<1x32xf32, #tpu.memory_space<vmem>>) target_semaphore(%arg25 : memref<!tpu.dma_semaphore, #tpu.memory_space<semaphore_mem>>)
    %dma_start3A_26 = arith.constant 2 : i32
    %dma_start3A_27 = arith.constant 0 : i32
    %dma_start3A_28 = tpu.memref_slice %arg23[%dma_start3A_26, %dma_start3A_27] : memref<18x32xf32, #tpu.memory_space<vmem>> -> memref<1x32xf32, #tpu.memory_space<vmem>>
    %dma_start3A_29 = arith.constant 2 : i32
    %dma_start3A_30 = arith.constant 0 : i32
    %dma_start3A_31 = tpu.memref_slice %arg8[%dma_start3A_29, %dma_start3A_30] : memref<18x32xf32, #tpu.memory_space<hbm>> -> memref<1x32xf32, #tpu.memory_space<hbm>>
    %dma_start3A_32 = arith.constant 2 : i32
    %dma_start3A_33 = arith.constant 0 : i32
    %dma_start3A_34 = tpu.memref_slice %arg23[%dma_start3A_32, %dma_start3A_33] : memref<18x32xf32, #tpu.memory_space<vmem>> -> memref<1x32xf32, #tpu.memory_space<vmem>>
    %dma_start3A_35 = arith.constant 2 : i32
    %dma_start3A_36 = arith.constant 0 : i32
    %dma_start3A_37 = tpu.memref_slice %arg8[%dma_start3A_35, %dma_start3A_36] : memref<18x32xf32, #tpu.memory_space<hbm>> -> memref<1x32xf32, #tpu.memory_space<hbm>>
    tpu.enqueue_dma source(%dma_start3A_37 : memref<1x32xf32, #tpu.memory_space<hbm>>) target(%dma_start3A_34 : memref<1x32xf32, #tpu.memory_space<vmem>>) target_semaphore(%arg25 : memref<!tpu.dma_semaphore, #tpu.memory_space<semaphore_mem>>)
    %dma_start3A_38 = arith.constant 3 : i32
    %dma_start3A_39 = arith.constant 0 : i32
    %dma_start3A_40 = tpu.memref_slice %arg23[%dma_start3A_38, %dma_start3A_39] : memref<18x32xf32, #tpu.memory_space<vmem>> -> memref<1x32xf32, #tpu.memory_space<vmem>>
    %dma_start3A_41 = arith.constant 3 : i32
    %dma_start3A_42 = arith.constant 0 : i32
    %dma_start3A_43 = tpu.memref_slice %arg8[%dma_start3A_41, %dma_start3A_42] : memref<18x32xf32, #tpu.memory_space<hbm>> -> memref<1x32xf32, #tpu.memory_space<hbm>>
    %dma_start3A_44 = arith.constant 3 : i32
    %dma_start3A_45 = arith.constant 0 : i32
    %dma_start3A_46 = tpu.memref_slice %arg23[%dma_start3A_44, %dma_start3A_45] : memref<18x32xf32, #tpu.memory_space<vmem>> -> memref<1x32xf32, #tpu.memory_space<vmem>>
    %dma_start3A_47 = arith.constant 3 : i32
    %dma_start3A_48 = arith.constant 0 : i32
    %dma_start3A_49 = tpu.memref_slice %arg8[%dma_start3A_47, %dma_start3A_48] : memref<18x32xf32, #tpu.memory_space<hbm>> -> memref<1x32xf32, #tpu.memory_space<hbm>>
    tpu.enqueue_dma source(%dma_start3A_49 : memref<1x32xf32, #tpu.memory_space<hbm>>) target(%dma_start3A_46 : memref<1x32xf32, #tpu.memory_space<vmem>>) target_semaphore(%arg25 : memref<!tpu.dma_semaphore, #tpu.memory_space<semaphore_mem>>)
    %dma_start3A_50 = arith.constant 4 : i32
    %dma_start3A_51 = arith.constant 0 : i32
    %dma_start3A_52 = tpu.memref_slice %arg23[%dma_start3A_50, %dma_start3A_51] : memref<18x32xf32, #tpu.memory_space<vmem>> -> memref<1x32xf32, #tpu.memory_space<vmem>>
    %dma_start3A_53 = arith.constant 4 : i32
    %dma_start3A_54 = arith.constant 0 : i32
    %dma_start3A_55 = tpu.memref_slice %arg8[%dma_start3A_53, %dma_start3A_54] : memref<18x32xf32, #tpu.memory_space<hbm>> -> memref<1x32xf32, #tpu.memory_space<hbm>>
    %dma_start3A_56 = arith.constant 4 : i32
    %dma_start3A_57 = arith.constant 0 : i32
    %dma_start3A_58 = tpu.memref_slice %arg23[%dma_start3A_56, %dma_start3A_57] : memref<18x32xf32, #tpu.memory_space<vmem>> -> memref<1x32xf32, #tpu.memory_space<vmem>>
    %dma_start3A_59 = arith.constant 4 : i32
    %dma_start3A_60 = arith.constant 0 : i32
    %dma_start3A_61 = tpu.memref_slice %arg8[%dma_start3A_59, %dma_start3A_60] : memref<18x32xf32, #tpu.memory_space<hbm>> -> memref<1x32xf32, #tpu.memory_space<hbm>>
    tpu.enqueue_dma source(%dma_start3A_61 : memref<1x32xf32, #tpu.memory_space<hbm>>) target(%dma_start3A_58 : memref<1x32xf32, #tpu.memory_space<vmem>>) target_semaphore(%arg25 : memref<!tpu.dma_semaphore, #tpu.memory_space<semaphore_mem>>)
    %dma_start3A_62 = arith.constant 5 : i32
    %dma_start3A_63 = arith.constant 0 : i32
    %dma_start3A_64 = tpu.memref_slice %arg23[%dma_start3A_62, %dma_start3A_63] : memref<18x32xf32, #tpu.memory_space<vmem>> -> memref<1x32xf32, #tpu.memory_space<vmem>>
    %dma_start3A_65 = arith.constant 5 : i32
    %dma_start3A_66 = arith.constant 0 : i32
    %dma_start3A_67 = tpu.memref_slice %arg8[%dma_start3A_65, %dma_start3A_66] : memref<18x32xf32, #tpu.memory_space<hbm>> -> memref<1x32xf32, #tpu.memory_space<hbm>>
    %dma_start3A_68 = arith.constant 5 : i32
    %dma_start3A_69 = arith.constant 0 : i32
    %dma_start3A_70 = tpu.memref_slice %arg23[%dma_start3A_68, %dma_start3A_69] : memref<18x32xf32, #tpu.memory_space<vmem>> -> memref<1x32xf32, #tpu.memory_space<vmem>>
    %dma_start3A_71 = arith.constant 5 : i32
    %dma_start3A_72 = arith.constant 0 : i32
    %dma_start3A_73 = tpu.memref_slice %arg8[%dma_start3A_71, %dma_start3A_72] : memref<18x32xf32, #tpu.memory_space<hbm>> -> memref<1x32xf32, #tpu.memory_space<hbm>>
    tpu.enqueue_dma source(%dma_start3A_73 : memref<1x32xf32, #tpu.memory_space<hbm>>) target(%dma_start3A_70 : memref<1x32xf32, #tpu.memory_space<vmem>>) target_semaphore(%arg25 : memref<!tpu.dma_semaphore, #tpu.memory_space<semaphore_mem>>)
    %dma_start3A_74 = arith.constant 6 : i32
    %dma_start3A_75 = arith.constant 0 : i32
    %dma_start3A_76 = tpu.memref_slice %arg23[%dma_start3A_74, %dma_start3A_75] : memref<18x32xf32, #tpu.memory_space<vmem>> -> memref<1x32xf32, #tpu.memory_space<vmem>>
    %dma_start3A_77 = arith.constant 6 : i32
    %dma_start3A_78 = arith.constant 0 : i32
    %dma_start3A_79 = tpu.memref_slice %arg8[%dma_start3A_77, %dma_start3A_78] : memref<18x32xf32, #tpu.memory_space<hbm>> -> memref<1x32xf32, #tpu.memory_space<hbm>>
    %dma_start3A_80 = arith.constant 6 : i32
    %dma_start3A_81 = arith.constant 0 : i32
    %dma_start3A_82 = tpu.memref_slice %arg23[%dma_start3A_80, %dma_start3A_81] : memref<18x32xf32, #tpu.memory_space<vmem>> -> memref<1x32xf32, #tpu.memory_space<vmem>>
    %dma_start3A_83 = arith.constant 6 : i32
    %dma_start3A_84 = arith.constant 0 : i32
    %dma_start3A_85 = tpu.memref_slice %arg8[%dma_start3A_83, %dma_start3A_84] : memref<18x32xf32, #tpu.memory_space<hbm>> -> memref<1x32xf32, #tpu.memory_space<hbm>>
    tpu.enqueue_dma source(%dma_start3A_85 : memref<1x32xf32, #tpu.memory_space<hbm>>) target(%dma_start3A_82 : memref<1x32xf32, #tpu.memory_space<vmem>>) target_semaphore(%arg25 : memref<!tpu.dma_semaphore, #tpu.memory_space<semaphore_mem>>)
    %dma_start3A_86 = arith.constant 7 : i32
    %dma_start3A_87 = arith.constant 0 : i32
    %dma_start3A_88 = tpu.memref_slice %arg23[%dma_start3A_86, %dma_start3A_87] : memref<18x32xf32, #tpu.memory_space<vmem>> -> memref<1x32xf32, #tpu.memory_space<vmem>>
    %dma_start3A_89 = arith.constant 7 : i32
    %dma_start3A_90 = arith.constant 0 : i32
    %dma_start3A_91 = tpu.memref_slice %arg8[%dma_start3A_89, %dma_start3A_90] : memref<18x32xf32, #tpu.memory_space<hbm>> -> memref<1x32xf32, #tpu.memory_space<hbm>>
    %dma_start3A_92 = arith.constant 7 : i32
    %dma_start3A_93 = arith.constant 0 : i32
    %dma_start3A_94 = tpu.memref_slice %arg23[%dma_start3A_92, %dma_start3A_93] : memref<18x32xf32, #tpu.memory_space<vmem>> -> memref<1x32xf32, #tpu.memory_space<vmem>>
    %dma_start3A_95 = arith.constant 7 : i32
    %dma_start3A_96 = arith.constant 0 : i32
    %dma_start3A_97 = tpu.memref_slice %arg8[%dma_start3A_95, %dma_start3A_96] : memref<18x32xf32, #tpu.memory_space<hbm>> -> memref<1x32xf32, #tpu.memory_space<hbm>>
    tpu.enqueue_dma source(%dma_start3A_97 : memref<1x32xf32, #tpu.memory_space<hbm>>) target(%dma_start3A_94 : memref<1x32xf32, #tpu.memory_space<vmem>>) target_semaphore(%arg25 : memref<!tpu.dma_semaphore, #tpu.memory_space<semaphore_mem>>)
    %dma_start3A_98 = arith.constant 8 : i32
    %dma_start3A_99 = arith.constant 0 : i32
    %dma_start3A_100 = tpu.memref_slice %arg23[%dma_start3A_98, %dma_start3A_99] : memref<18x32xf32, #tpu.memory_space<vmem>> -> memref<1x32xf32, #tpu.memory_space<vmem>>
    %dma_start3A_101 = arith.constant 8 : i32
    %dma_start3A_102 = arith.constant 0 : i32
    %dma_start3A_103 = tpu.memref_slice %arg8[%dma_start3A_101, %dma_start3A_102] : memref<18x32xf32, #tpu.memory_space<hbm>> -> memref<1x32xf32, #tpu.memory_space<hbm>>
    %dma_start3A_104 = arith.constant 8 : i32
    %dma_start3A_105 = arith.constant 0 : i32
    %dma_start3A_106 = tpu.memref_slice %arg23[%dma_start3A_104, %dma_start3A_105] : memref<18x32xf32, #tpu.memory_space<vmem>> -> memref<1x32xf32, #tpu.memory_space<vmem>>
    %dma_start3A_107 = arith.constant 8 : i32
    %dma_start3A_108 = arith.constant 0 : i32
    %dma_start3A_109 = tpu.memref_slice %arg8[%dma_start3A_107, %dma_start3A_108] : memref<18x32xf32, #tpu.memory_space<hbm>> -> memref<1x32xf32, #tpu.memory_space<hbm>>
    tpu.enqueue_dma source(%dma_start3A_109 : memref<1x32xf32, #tpu.memory_space<hbm>>) target(%dma_start3A_106 : memref<1x32xf32, #tpu.memory_space<vmem>>) target_semaphore(%arg25 : memref<!tpu.dma_semaphore, #tpu.memory_space<semaphore_mem>>)
    %dma_start3A_110 = arith.constant 9 : i32
    %dma_start3A_111 = arith.constant 0 : i32
    %dma_start3A_112 = tpu.memref_slice %arg23[%dma_start3A_110, %dma_start3A_111] : memref<18x32xf32, #tpu.memory_space<vmem>> -> memref<1x32xf32, #tpu.memory_space<vmem>>
    %dma_start3A_113 = arith.constant 9 : i32
    %dma_start3A_114 = arith.constant 0 : i32
    %dma_start3A_115 = tpu.memref_slice %arg8[%dma_start3A_113, %dma_start3A_114] : memref<18x32xf32, #tpu.memory_space<hbm>> -> memref<1x32xf32, #tpu.memory_space<hbm>>
    %dma_start3A_116 = arith.constant 9 : i32
    %dma_start3A_117 = arith.constant 0 : i32
    %dma_start3A_118 = tpu.memref_slice %arg23[%dma_start3A_116, %dma_start3A_117] : memref<18x32xf32, #tpu.memory_space<vmem>> -> memref<1x32xf32, #tpu.memory_space<vmem>>
    %dma_start3A_119 = arith.constant 9 : i32
    %dma_start3A_120 = arith.constant 0 : i32
    %dma_start3A_121 = tpu.memref_slice %arg8[%dma_start3A_119, %dma_start3A_120] : memref<18x32xf32, #tpu.memory_space<hbm>> -> memref<1x32xf32, #tpu.memory_space<hbm>>
    tpu.enqueue_dma source(%dma_start3A_121 : memref<1x32xf32, #tpu.memory_space<hbm>>) target(%dma_start3A_118 : memref<1x32xf32, #tpu.memory_space<vmem>>) target_semaphore(%arg25 : memref<!tpu.dma_semaphore, #tpu.memory_space<semaphore_mem>>)
    %dma_start3A_122 = arith.constant 10 : i32
    %dma_start3A_123 = arith.constant 0 : i32
    %dma_start3A_124 = tpu.memref_slice %arg23[%dma_start3A_122, %dma_start3A_123] : memref<18x32xf32, #tpu.memory_space<vmem>> -> memref<1x32xf32, #tpu.memory_space<vmem>>
    %dma_start3A_125 = arith.constant 10 : i32
    %dma_start3A_126 = arith.constant 0 : i32
    %dma_start3A_127 = tpu.memref_slice %arg8[%dma_start3A_125, %dma_start3A_126] : memref<18x32xf32, #tpu.memory_space<hbm>> -> memref<1x32xf32, #tpu.memory_space<hbm>>
    %dma_start3A_128 = arith.constant 10 : i32
    %dma_start3A_129 = arith.constant 0 : i32
    %dma_start3A_130 = tpu.memref_slice %arg23[%dma_start3A_128, %dma_start3A_129] : memref<18x32xf32, #tpu.memory_space<vmem>> -> memref<1x32xf32, #tpu.memory_space<vmem>>
    %dma_start3A_131 = arith.constant 10 : i32
    %dma_start3A_132 = arith.constant 0 : i32
    %dma_start3A_133 = tpu.memref_slice %arg8[%dma_start3A_131, %dma_start3A_132] : memref<18x32xf32, #tpu.memory_space<hbm>> -> memref<1x32xf32, #tpu.memory_space<hbm>>
    tpu.enqueue_dma source(%dma_start3A_133 : memref<1x32xf32, #tpu.memory_space<hbm>>) target(%dma_start3A_130 : memref<1x32xf32, #tpu.memory_space<vmem>>) target_semaphore(%arg25 : memref<!tpu.dma_semaphore, #tpu.memory_space<semaphore_mem>>)
    %dma_start3A_134 = arith.constant 11 : i32
    %dma_start3A_135 = arith.constant 0 : i32
    %dma_start3A_136 = tpu.memref_slice %arg23[%dma_start3A_134, %dma_start3A_135] : memref<18x32xf32, #tpu.memory_space<vmem>> -> memref<1x32xf32, #tpu.memory_space<vmem>>
    %dma_start3A_137 = arith.constant 11 : i32
    %dma_start3A_138 = arith.constant 0 : i32
    %dma_start3A_139 = tpu.memref_slice %arg8[%dma_start3A_137, %dma_start3A_138] : memref<18x32xf32, #tpu.memory_space<hbm>> -> memref<1x32xf32, #tpu.memory_space<hbm>>
    %dma_start3A_140 = arith.constant 11 : i32
    %dma_start3A_141 = arith.constant 0 : i32
    %dma_start3A_142 = tpu.memref_slice %arg23[%dma_start3A_140, %dma_start3A_141] : memref<18x32xf32, #tpu.memory_space<vmem>> -> memref<1x32xf32, #tpu.memory_space<vmem>>
    %dma_start3A_143 = arith.constant 11 : i32
    %dma_start3A_144 = arith.constant 0 : i32
    %dma_start3A_145 = tpu.memref_slice %arg8[%dma_start3A_143, %dma_start3A_144] : memref<18x32xf32, #tpu.memory_space<hbm>> -> memref<1x32xf32, #tpu.memory_space<hbm>>
    tpu.enqueue_dma source(%dma_start3A_145 : memref<1x32xf32, #tpu.memory_space<hbm>>) target(%dma_start3A_142 : memref<1x32xf32, #tpu.memory_space<vmem>>) target_semaphore(%arg25 : memref<!tpu.dma_semaphore, #tpu.memory_space<semaphore_mem>>)
    %dma_start3A_146 = arith.constant 12 : i32
    %dma_start3A_147 = arith.constant 0 : i32
    %dma_start3A_148 = tpu.memref_slice %arg23[%dma_start3A_146, %dma_start3A_147] : memref<18x32xf32, #tpu.memory_space<vmem>> -> memref<1x32xf32, #tpu.memory_space<vmem>>
    %dma_start3A_149 = arith.constant 12 : i32
    %dma_start3A_150 = arith.constant 0 : i32
    %dma_start3A_151 = tpu.memref_slice %arg8[%dma_start3A_149, %dma_start3A_150] : memref<18x32xf32, #tpu.memory_space<hbm>> -> memref<1x32xf32, #tpu.memory_space<hbm>>
    %dma_start3A_152 = arith.constant 12 : i32
    %dma_start3A_153 = arith.constant 0 : i32
    %dma_start3A_154 = tpu.memref_slice %arg23[%dma_start3A_152, %dma_start3A_153] : memref<18x32xf32, #tpu.memory_space<vmem>> -> memref<1x32xf32, #tpu.memory_space<vmem>>
    %dma_start3A_155 = arith.constant 12 : i32
    %dma_start3A_156 = arith.constant 0 : i32
    %dma_start3A_157 = tpu.memref_slice %arg8[%dma_start3A_155, %dma_start3A_156] : memref<18x32xf32, #tpu.memory_space<hbm>> -> memref<1x32xf32, #tpu.memory_space<hbm>>
    tpu.enqueue_dma source(%dma_start3A_157 : memref<1x32xf32, #tpu.memory_space<hbm>>) target(%dma_start3A_154 : memref<1x32xf32, #tpu.memory_space<vmem>>) target_semaphore(%arg25 : memref<!tpu.dma_semaphore, #tpu.memory_space<semaphore_mem>>)
    %dma_start3A_158 = arith.constant 13 : i32
    %dma_start3A_159 = arith.constant 0 : i32
    %dma_start3A_160 = tpu.memref_slice %arg23[%dma_start3A_158, %dma_start3A_159] : memref<18x32xf32, #tpu.memory_space<vmem>> -> memref<1x32xf32, #tpu.memory_space<vmem>>
    %dma_start3A_161 = arith.constant 13 : i32
    %dma_start3A_162 = arith.constant 0 : i32
    %dma_start3A_163 = tpu.memref_slice %arg8[%dma_start3A_161, %dma_start3A_162] : memref<18x32xf32, #tpu.memory_space<hbm>> -> memref<1x32xf32, #tpu.memory_space<hbm>>
    %dma_start3A_164 = arith.constant 13 : i32
    %dma_start3A_165 = arith.constant 0 : i32
    %dma_start3A_166 = tpu.memref_slice %arg23[%dma_start3A_164, %dma_start3A_165] : memref<18x32xf32, #tpu.memory_space<vmem>> -> memref<1x32xf32, #tpu.memory_space<vmem>>
    %dma_start3A_167 = arith.constant 13 : i32
    %dma_start3A_168 = arith.constant 0 : i32
    %dma_start3A_169 = tpu.memref_slice %arg8[%dma_start3A_167, %dma_start3A_168] : memref<18x32xf32, #tpu.memory_space<hbm>> -> memref<1x32xf32, #tpu.memory_space<hbm>>
    tpu.enqueue_dma source(%dma_start3A_169 : memref<1x32xf32, #tpu.memory_space<hbm>>) target(%dma_start3A_166 : memref<1x32xf32, #tpu.memory_space<vmem>>) target_semaphore(%arg25 : memref<!tpu.dma_semaphore, #tpu.memory_space<semaphore_mem>>)
    %dma_start3A_170 = arith.constant 14 : i32
    %dma_start3A_171 = arith.constant 0 : i32
    %dma_start3A_172 = tpu.memref_slice %arg23[%dma_start3A_170, %dma_start3A_171] : memref<18x32xf32, #tpu.memory_space<vmem>> -> memref<1x32xf32, #tpu.memory_space<vmem>>
    %dma_start3A_173 = arith.constant 14 : i32
    %dma_start3A_174 = arith.constant 0 : i32
    %dma_start3A_175 = tpu.memref_slice %arg8[%dma_start3A_173, %dma_start3A_174] : memref<18x32xf32, #tpu.memory_space<hbm>> -> memref<1x32xf32, #tpu.memory_space<hbm>>
    %dma_start3A_176 = arith.constant 14 : i32
    %dma_start3A_177 = arith.constant 0 : i32
    %dma_start3A_178 = tpu.memref_slice %arg23[%dma_start3A_176, %dma_start3A_177] : memref<18x32xf32, #tpu.memory_space<vmem>> -> memref<1x32xf32, #tpu.memory_space<vmem>>
    %dma_start3A_179 = arith.constant 14 : i32
    %dma_start3A_180 = arith.constant 0 : i32
    %dma_start3A_181 = tpu.memref_slice %arg8[%dma_start3A_179, %dma_start3A_180] : memref<18x32xf32, #tpu.memory_space<hbm>> -> memref<1x32xf32, #tpu.memory_space<hbm>>
    tpu.enqueue_dma source(%dma_start3A_181 : memref<1x32xf32, #tpu.memory_space<hbm>>) target(%dma_start3A_178 : memref<1x32xf32, #tpu.memory_space<vmem>>) target_semaphore(%arg25 : memref<!tpu.dma_semaphore, #tpu.memory_space<semaphore_mem>>)
    %dma_start3A_182 = arith.constant 15 : i32
    %dma_start3A_183 = arith.constant 0 : i32
    %dma_start3A_184 = tpu.memref_slice %arg23[%dma_start3A_182, %dma_start3A_183] : memref<18x32xf32, #tpu.memory_space<vmem>> -> memref<1x32xf32, #tpu.memory_space<vmem>>
    %dma_start3A_185 = arith.constant 15 : i32
    %dma_start3A_186 = arith.constant 0 : i32
    %dma_start3A_187 = tpu.memref_slice %arg8[%dma_start3A_185, %dma_start3A_186] : memref<18x32xf32, #tpu.memory_space<hbm>> -> memref<1x32xf32, #tpu.memory_space<hbm>>
    %dma_start3A_188 = arith.constant 15 : i32
    %dma_start3A_189 = arith.constant 0 : i32
    %dma_start3A_190 = tpu.memref_slice %arg23[%dma_start3A_188, %dma_start3A_189] : memref<18x32xf32, #tpu.memory_space<vmem>> -> memref<1x32xf32, #tpu.memory_space<vmem>>
    %dma_start3A_191 = arith.constant 15 : i32
    %dma_start3A_192 = arith.constant 0 : i32
    %dma_start3A_193 = tpu.memref_slice %arg8[%dma_start3A_191, %dma_start3A_192] : memref<18x32xf32, #tpu.memory_space<hbm>> -> memref<1x32xf32, #tpu.memory_space<hbm>>
    tpu.enqueue_dma source(%dma_start3A_193 : memref<1x32xf32, #tpu.memory_space<hbm>>) target(%dma_start3A_190 : memref<1x32xf32, #tpu.memory_space<vmem>>) target_semaphore(%arg25 : memref<!tpu.dma_semaphore, #tpu.memory_space<semaphore_mem>>)
    %dma_start3A_194 = arith.constant 16 : i32
    %dma_start3A_195 = arith.constant 0 : i32
    %dma_start3A_196 = tpu.memref_slice %arg23[%dma_start3A_194, %dma_start3A_195] : memref<18x32xf32, #tpu.memory_space<vmem>> -> memref<1x32xf32, #tpu.memory_space<vmem>>
    %dma_start3A_197 = arith.constant 16 : i32
    %dma_start3A_198 = arith.constant 0 : i32
    %dma_start3A_199 = tpu.memref_slice %arg8[%dma_start3A_197, %dma_start3A_198] : memref<18x32xf32, #tpu.memory_space<hbm>> -> memref<1x32xf32, #tpu.memory_space<hbm>>
    %dma_start3A_200 = arith.constant 16 : i32
    %dma_start3A_201 = arith.constant 0 : i32
    %dma_start3A_202 = tpu.memref_slice %arg23[%dma_start3A_200, %dma_start3A_201] : memref<18x32xf32, #tpu.memory_space<vmem>> -> memref<1x32xf32, #tpu.memory_space<vmem>>
    %dma_start3A_203 = arith.constant 16 : i32
    %dma_start3A_204 = arith.constant 0 : i32
    %dma_start3A_205 = tpu.memref_slice %arg8[%dma_start3A_203, %dma_start3A_204] : memref<18x32xf32, #tpu.memory_space<hbm>> -> memref<1x32xf32, #tpu.memory_space<hbm>>
    tpu.enqueue_dma source(%dma_start3A_205 : memref<1x32xf32, #tpu.memory_space<hbm>>) target(%dma_start3A_202 : memref<1x32xf32, #tpu.memory_space<vmem>>) target_semaphore(%arg25 : memref<!tpu.dma_semaphore, #tpu.memory_space<semaphore_mem>>)
    %dma_start3A_206 = arith.constant 17 : i32
    %dma_start3A_207 = arith.constant 0 : i32
    %dma_start3A_208 = tpu.memref_slice %arg23[%dma_start3A_206, %dma_start3A_207] : memref<18x32xf32, #tpu.memory_space<vmem>> -> memref<1x32xf32, #tpu.memory_space<vmem>>
    %dma_start3A_209 = arith.constant 17 : i32
    %dma_start3A_210 = arith.constant 0 : i32
    %dma_start3A_211 = tpu.memref_slice %arg8[%dma_start3A_209, %dma_start3A_210] : memref<18x32xf32, #tpu.memory_space<hbm>> -> memref<1x32xf32, #tpu.memory_space<hbm>>
    %dma_start3A_212 = arith.constant 17 : i32
    %dma_start3A_213 = arith.constant 0 : i32
    %dma_start3A_214 = tpu.memref_slice %arg23[%dma_start3A_212, %dma_start3A_213] : memref<18x32xf32, #tpu.memory_space<vmem>> -> memref<1x32xf32, #tpu.memory_space<vmem>>
    %dma_start3A_215 = arith.constant 17 : i32
    %dma_start3A_216 = arith.constant 0 : i32
    %dma_start3A_217 = tpu.memref_slice %arg8[%dma_start3A_215, %dma_start3A_216] : memref<18x32xf32, #tpu.memory_space<hbm>> -> memref<1x32xf32, #tpu.memory_space<hbm>>
    tpu.enqueue_dma source(%dma_start3A_217 : memref<1x32xf32, #tpu.memory_space<hbm>>) target(%dma_start3A_214 : memref<1x32xf32, #tpu.memory_space<vmem>>) target_semaphore(%arg25 : memref<!tpu.dma_semaphore, #tpu.memory_space<semaphore_mem>>)
    tpu.wait_dma2 semaphore(%arg25 : memref<!tpu.dma_semaphore, #tpu.memory_space<semaphore_mem>>) src(%arg8 : memref<18x32xf32, #tpu.memory_space<hbm>>) dst(%arg23 : memref<18x32xf32, #tpu.memory_space<vmem>>)
    %iota3A = tpu.iota {dimensions = array<i32: 0>} : vector<16xi32>
    %broadcast_in_dim3A = arith.constant 0.000000e+00 : f32
    %broadcast_in_dim3A_218 = vector.broadcast %broadcast_in_dim3A : f32 to vector<16xf32>
    %dma_start3A_219 = arith.constant 0 : i32
    %dma_start3A_220 = tpu.memref_slice %arg10[%dma_start3A_219] : memref<512xi32, #tpu.memory_space<vmem>> -> memref<64xi32, #tpu.memory_space<vmem>>
    %dma_start3A_221 = arith.constant 0 : i32
    %dma_start3A_222 = arith.constant 0 : i32
    %dma_start3A_223 = tpu.memref_slice %arg7[%dma_start3A_221, %dma_start3A_222] : memref<1000000x128xf32, #tpu.memory_space<hbm>> -> memref<1000000x128xf32, #tpu.memory_space<hbm>>
    tpu.enqueue_indirect_dma source(%dma_start3A_223 : memref<1000000x128xf32, #tpu.memory_space<hbm>>) target(%arg15 : memref<64x128xf32, #tpu.memory_space<vmem>>) offsets(%dma_start3A_220 : memref<64xi32, #tpu.memory_space<vmem>>) semaphore(%arg26 : memref<!tpu.dma_semaphore, #tpu.memory_space<semaphore_mem>>)
    %dma_start3A_224 = arith.constant 0 : i32
    %dma_start3A_225 = tpu.memref_slice %arg11[%dma_start3A_224] : memref<512xi32, #tpu.memory_space<vmem>> -> memref<64xi32, #tpu.memory_space<vmem>>
    %dma_start3A_226 = arith.constant 0 : i32
    %dma_start3A_227 = arith.constant 0 : i32
    %dma_start3A_228 = tpu.memref_slice %arg7[%dma_start3A_226, %dma_start3A_227] : memref<1000000x128xf32, #tpu.memory_space<hbm>> -> memref<1000000x128xf32, #tpu.memory_space<hbm>>
    tpu.enqueue_indirect_dma source(%dma_start3A_228 : memref<1000000x128xf32, #tpu.memory_space<hbm>>) target(%arg16 : memref<64x128xf32, #tpu.memory_space<vmem>>) offsets(%dma_start3A_225 : memref<64xi32, #tpu.memory_space<vmem>>) semaphore(%arg26 : memref<!tpu.dma_semaphore, #tpu.memory_space<semaphore_mem>>)
    %dma_start3A_229 = arith.constant 0 : i32
    %dma_start3A_230 = tpu.memref_slice %arg12[%dma_start3A_229] : memref<512xi32, #tpu.memory_space<vmem>> -> memref<64xi32, #tpu.memory_space<vmem>>
    %dma_start3A_231 = arith.constant 0 : i32
    %dma_start3A_232 = arith.constant 0 : i32
    %dma_start3A_233 = tpu.memref_slice %arg7[%dma_start3A_231, %dma_start3A_232] : memref<1000000x128xf32, #tpu.memory_space<hbm>> -> memref<1000000x128xf32, #tpu.memory_space<hbm>>
    tpu.enqueue_indirect_dma source(%dma_start3A_233 : memref<1000000x128xf32, #tpu.memory_space<hbm>>) target(%arg17 : memref<64x128xf32, #tpu.memory_space<vmem>>) offsets(%dma_start3A_230 : memref<64xi32, #tpu.memory_space<vmem>>) semaphore(%arg26 : memref<!tpu.dma_semaphore, #tpu.memory_space<semaphore_mem>>)
    %dma_start3A_234 = arith.constant 0 : i32
    %dma_start3A_235 = tpu.memref_slice %arg13[%dma_start3A_234] : memref<512xi32, #tpu.memory_space<vmem>> -> memref<64xi32, #tpu.memory_space<vmem>>
    %dma_start3A_236 = arith.constant 0 : i32
    %dma_start3A_237 = arith.constant 0 : i32
    %dma_start3A_238 = tpu.memref_slice %arg7[%dma_start3A_236, %dma_start3A_237] : memref<1000000x128xf32, #tpu.memory_space<hbm>> -> memref<1000000x128xf32, #tpu.memory_space<hbm>>
    tpu.enqueue_indirect_dma source(%dma_start3A_238 : memref<1000000x128xf32, #tpu.memory_space<hbm>>) target(%arg18 : memref<64x128xf32, #tpu.memory_space<vmem>>) offsets(%dma_start3A_235 : memref<64xi32, #tpu.memory_space<vmem>>) semaphore(%arg26 : memref<!tpu.dma_semaphore, #tpu.memory_space<semaphore_mem>>)
    %scan3A = arith.constant 0 : i32
    %scan3A_239 = arith.constant 4 : i32
    %scan3A_240 = arith.addi %scan3A, %scan3A_239 : i32
    %scan3A_241 = arith.constant 1 : i32
    %scan3A_242 = scf.for %scan3A_247 = %scan3A to %scan3A_240 step %scan3A_241 iter_args(%scan3A_248 = %broadcast_in_dim3A_218) -> (vector<16xf32>)  : i32 {
      %mul3A_249 = arith.constant 2 : i32
      %mul3A_250 = arith.muli %mul3A_249, %scan3A_247 : i32
      %mul3A_251 = arith.constant 2 : i32
      %mul3A_252 = arith.muli %mul3A_251, %scan3A_247 : i32
      %add3A_253 = arith.constant 1 : i32
      %add3A_254 = arith.addi %mul3A_252, %add3A_253 : i32
      %mul3A_255 = arith.constant 64 : i32
      %mul3A_256 = arith.muli %add3A_254, %mul3A_255 : i32
      %dma_start3A_257 = tpu.memref_slice %arg10[%mul3A_256] : memref<512xi32, #tpu.memory_space<vmem>> -> memref<64xi32, #tpu.memory_space<vmem>>
      %dma_start3A_258 = arith.constant 0 : i32
      %dma_start3A_259 = arith.constant 0 : i32
      %dma_start3A_260 = tpu.memref_slice %arg7[%dma_start3A_258, %dma_start3A_259] : memref<1000000x128xf32, #tpu.memory_space<hbm>> -> memref<1000000x128xf32, #tpu.memory_space<hbm>>
      tpu.enqueue_indirect_dma source(%dma_start3A_260 : memref<1000000x128xf32, #tpu.memory_space<hbm>>) target(%arg19 : memref<64x128xf32, #tpu.memory_space<vmem>>) offsets(%dma_start3A_257 : memref<64xi32, #tpu.memory_space<vmem>>) semaphore(%arg27 : memref<!tpu.dma_semaphore, #tpu.memory_space<semaphore_mem>>)
      %dma_start3A_261 = tpu.memref_slice %arg11[%mul3A_256] : memref<512xi32, #tpu.memory_space<vmem>> -> memref<64xi32, #tpu.memory_space<vmem>>
      %dma_start3A_262 = arith.constant 0 : i32
      %dma_start3A_263 = arith.constant 0 : i32
      %dma_start3A_264 = tpu.memref_slice %arg7[%dma_start3A_262, %dma_start3A_263] : memref<1000000x128xf32, #tpu.memory_space<hbm>> -> memref<1000000x128xf32, #tpu.memory_space<hbm>>
      tpu.enqueue_indirect_dma source(%dma_start3A_264 : memref<1000000x128xf32, #tpu.memory_space<hbm>>) target(%arg20 : memref<64x128xf32, #tpu.memory_space<vmem>>) offsets(%dma_start3A_261 : memref<64xi32, #tpu.memory_space<vmem>>) semaphore(%arg27 : memref<!tpu.dma_semaphore, #tpu.memory_space<semaphore_mem>>)
      %dma_start3A_265 = tpu.memref_slice %arg12[%mul3A_256] : memref<512xi32, #tpu.memory_space<vmem>> -> memref<64xi32, #tpu.memory_space<vmem>>
      %dma_start3A_266 = arith.constant 0 : i32
      %dma_start3A_267 = arith.constant 0 : i32
      %dma_start3A_268 = tpu.memref_slice %arg7[%dma_start3A_266, %dma_start3A_267] : memref<1000000x128xf32, #tpu.memory_space<hbm>> -> memref<1000000x128xf32, #tpu.memory_space<hbm>>
      tpu.enqueue_indirect_dma source(%dma_start3A_268 : memref<1000000x128xf32, #tpu.memory_space<hbm>>) target(%arg21 : memref<64x128xf32, #tpu.memory_space<vmem>>) offsets(%dma_start3A_265 : memref<64xi32, #tpu.memory_space<vmem>>) semaphore(%arg27 : memref<!tpu.dma_semaphore, #tpu.memory_space<semaphore_mem>>)
      %dma_start3A_269 = tpu.memref_slice %arg13[%mul3A_256] : memref<512xi32, #tpu.memory_space<vmem>> -> memref<64xi32, #tpu.memory_space<vmem>>
      %dma_start3A_270 = arith.constant 0 : i32
      %dma_start3A_271 = arith.constant 0 : i32
      %dma_start3A_272 = tpu.memref_slice %arg7[%dma_start3A_270, %dma_start3A_271] : memref<1000000x128xf32, #tpu.memory_space<hbm>> -> memref<1000000x128xf32, #tpu.memory_space<hbm>>
      tpu.enqueue_indirect_dma source(%dma_start3A_272 : memref<1000000x128xf32, #tpu.memory_space<hbm>>) target(%arg22 : memref<64x128xf32, #tpu.memory_space<vmem>>) offsets(%dma_start3A_269 : memref<64xi32, #tpu.memory_space<vmem>>) semaphore(%arg27 : memref<!tpu.dma_semaphore, #tpu.memory_space<semaphore_mem>>)
      %dma_wait3A = arith.constant 0 : i32
      %dma_wait3A_273 = arith.constant 0 : i32
      %dma_wait3A_274 = tpu.memref_slice %arg7[%dma_wait3A, %dma_wait3A_273] : memref<1000000x128xf32, #tpu.memory_space<hbm>> -> memref<64x128xf32, #tpu.memory_space<hbm>>
      %dma_wait3A_275 = arith.constant 0 : i32
      %dma_wait3A_276 = arith.constant 0 : i32
      %dma_wait3A_277 = tpu.memref_slice %arg7[%dma_wait3A_275, %dma_wait3A_276] : memref<1000000x128xf32, #tpu.memory_space<hbm>> -> memref<64x128xf32, #tpu.memory_space<hbm>>
      tpu.wait_dma2 semaphore(%arg26 : memref<!tpu.dma_semaphore, #tpu.memory_space<semaphore_mem>>) src(%dma_wait3A_277 : memref<64x128xf32, #tpu.memory_space<hbm>>) dst(%arg15 : memref<64x128xf32, #tpu.memory_space<vmem>>)
      %dma_wait3A_278 = arith.constant 0 : i32
      %dma_wait3A_279 = arith.constant 0 : i32
      %dma_wait3A_280 = tpu.memref_slice %arg7[%dma_wait3A_278, %dma_wait3A_279] : memref<1000000x128xf32, #tpu.memory_space<hbm>> -> memref<64x128xf32, #tpu.memory_space<hbm>>
      %dma_wait3A_281 = arith.constant 0 : i32
      %dma_wait3A_282 = arith.constant 0 : i32
      %dma_wait3A_283 = tpu.memref_slice %arg7[%dma_wait3A_281, %dma_wait3A_282] : memref<1000000x128xf32, #tpu.memory_space<hbm>> -> memref<64x128xf32, #tpu.memory_space<hbm>>
      tpu.wait_dma2 semaphore(%arg26 : memref<!tpu.dma_semaphore, #tpu.memory_space<semaphore_mem>>) src(%dma_wait3A_283 : memref<64x128xf32, #tpu.memory_space<hbm>>) dst(%arg16 : memref<64x128xf32, #tpu.memory_space<vmem>>)
      %dma_wait3A_284 = arith.constant 0 : i32
      %dma_wait3A_285 = arith.constant 0 : i32
      %dma_wait3A_286 = tpu.memref_slice %arg7[%dma_wait3A_284, %dma_wait3A_285] : memref<1000000x128xf32, #tpu.memory_space<hbm>> -> memref<64x128xf32, #tpu.memory_space<hbm>>
      %dma_wait3A_287 = arith.constant 0 : i32
      %dma_wait3A_288 = arith.constant 0 : i32
      %dma_wait3A_289 = tpu.memref_slice %arg7[%dma_wait3A_287, %dma_wait3A_288] : memref<1000000x128xf32, #tpu.memory_space<hbm>> -> memref<64x128xf32, #tpu.memory_space<hbm>>
      tpu.wait_dma2 semaphore(%arg26 : memref<!tpu.dma_semaphore, #tpu.memory_space<semaphore_mem>>) src(%dma_wait3A_289 : memref<64x128xf32, #tpu.memory_space<hbm>>) dst(%arg17 : memref<64x128xf32, #tpu.memory_space<vmem>>)
      %dma_wait3A_290 = arith.constant 0 : i32
      %dma_wait3A_291 = arith.constant 0 : i32
      %dma_wait3A_292 = tpu.memref_slice %arg7[%dma_wait3A_290, %dma_wait3A_291] : memref<1000000x128xf32, #tpu.memory_space<hbm>> -> memref<64x128xf32, #tpu.memory_space<hbm>>
      %dma_wait3A_293 = arith.constant 0 : i32
      %dma_wait3A_294 = arith.constant 0 : i32
      %dma_wait3A_295 = tpu.memref_slice %arg7[%dma_wait3A_293, %dma_wait3A_294] : memref<1000000x128xf32, #tpu.memory_space<hbm>> -> memref<64x128xf32, #tpu.memory_space<hbm>>
      tpu.wait_dma2 semaphore(%arg26 : memref<!tpu.dma_semaphore, #tpu.memory_space<semaphore_mem>>) src(%dma_wait3A_295 : memref<64x128xf32, #tpu.memory_space<hbm>>) dst(%arg18 : memref<64x128xf32, #tpu.memory_space<vmem>>)
      %mul3A_296 = arith.constant 64 : i32
      %mul3A_297 = arith.muli %mul3A_250, %mul3A_296 : i32
      %scan3A_298 = arith.constant 0 : i32
      %scan3A_299 = arith.constant 4 : i32
      %scan3A_300 = arith.addi %scan3A_298, %scan3A_299 : i32
      %scan3A_301 = arith.constant 1 : i32
      %scan3A_302 = scf.for %scan3A_340 = %scan3A_298 to %scan3A_300 step %scan3A_301 iter_args(%scan3A_341 = %scan3A_248) -> (vector<16xf32>)  : i32 {
        %mul3A_342 = arith.constant 16 : i32
        %mul3A_343 = arith.muli %scan3A_340, %mul3A_342 : i32
        %add3A_344 = vector.broadcast %mul3A_343 : i32 to vector<16xi32>
        %add3A_345 = arith.addi %add3A_344, %iota3A : vector<16xi32>
        %mul3A_346 = arith.constant 16 : i32
        %mul3A_347 = arith.muli %scan3A_340, %mul3A_346 : i32
        %add3A_348 = arith.addi %mul3A_297, %mul3A_347 : i32
        %get3A = arith.index_cast %add3A_348 : i32 to index
        %get3A_349 = tpu.vector_load %arg14[%get3A] {strides = array<i32>} : memref<512xi32, #tpu.memory_space<vmem>>, vector<16xi32>,
        %broadcast_in_dim3A_350 = arith.constant 32 : i32
        %broadcast_in_dim3A_351 = vector.broadcast %broadcast_in_dim3A_350 : i32 to vector<16xi32>
        %gather3A = tpu.vector_load_idx %arg15[%add3A_345, %broadcast_in_dim3A_351] : memref<64x128xf32, #tpu.memory_space<vmem>>[vector<16xi32>, vector<16xi32>], vector<16xf32>,
        %gather3A_352 = tpu.vector_load_idx %arg16[%add3A_345, %broadcast_in_dim3A_351] : memref<64x128xf32, #tpu.memory_space<vmem>>[vector<16xi32>, vector<16xi32>], vector<16xf32>,
        %gather3A_353 = tpu.vector_load_idx %arg17[%add3A_345, %broadcast_in_dim3A_351] : memref<64x128xf32, #tpu.memory_space<vmem>>[vector<16xi32>, vector<16xi32>], vector<16xf32>,
        %gather3A_354 = tpu.vector_load_idx %arg18[%add3A_345, %broadcast_in_dim3A_351] : memref<64x128xf32, #tpu.memory_space<vmem>>[vector<16xi32>, vector<16xi32>], vector<16xf32>,
        %scan3A_355 = arith.constant 0 : i32
        %scan3A_356 = arith.constant 32 : i32
        %scan3A_357 = arith.addi %scan3A_355, %scan3A_356 : i32
        %scan3A_358 = arith.constant 8 : i32
        %scan3A_359:6 = scf.for %scan3A_680 = %scan3A_355 to %scan3A_357 step %scan3A_358 iter_args(%scan3A_681 = %broadcast_in_dim3A_218, %scan3A_682 = %broadcast_in_dim3A_218, %scan3A_683 = %broadcast_in_dim3A_218, %scan3A_684 = %broadcast_in_dim3A_218, %scan3A_685 = %broadcast_in_dim3A_218, %scan3A_686 = %broadcast_in_dim3A_218) -> (vector<16xf32>, vector<16xf32>, vector<16xf32>, vector<16xf32>, vector<16xf32>, vector<16xf32>)  : i32 {
          %broadcast_in_dim3A_687 = vector.broadcast %scan3A_680 : i32 to vector<16xi32>
          %gather3A_688 = tpu.vector_load_idx %arg15[%add3A_345, %broadcast_in_dim3A_687] : memref<64x128xf32, #tpu.memory_space<vmem>>[vector<16xi32>, vector<16xi32>], vector<16xf32>,
          %gather3A_689 = tpu.vector_load_idx %arg16[%add3A_345, %broadcast_in_dim3A_687] : memref<64x128xf32, #tpu.memory_space<vmem>>[vector<16xi32>, vector<16xi32>], vector<16xf32>,
          %gather3A_690 = tpu.vector_load_idx %arg17[%add3A_345, %broadcast_in_dim3A_687] : memref<64x128xf32, #tpu.memory_space<vmem>>[vector<16xi32>, vector<16xi32>], vector<16xf32>,
          %gather3A_691 = tpu.vector_load_idx %arg18[%add3A_345, %broadcast_in_dim3A_687] : memref<64x128xf32, #tpu.memory_space<vmem>>[vector<16xi32>, vector<16xi32>], vector<16xf32>,
          %gather3A_692 = tpu.vector_load_idx %arg23[%get3A_349, %broadcast_in_dim3A_687] : memref<18x32xf32, #tpu.memory_space<vmem>>[vector<16xi32>, vector<16xi32>], vector<16xf32>,
          %sub3A_693 = arith.subf %gather3A_688, %gather3A_689 : vector<16xf32>
          %sub3A_694 = arith.subf %gather3A_690, %gather3A_689 : vector<16xf32>
          %sub3A_695 = arith.subf %gather3A_688, %gather3A_691 : vector<16xf32>
          %add3A_696 = arith.addf %sub3A_693, %gather3A_692 : vector<16xf32>
          %add3A_697 = arith.addf %sub3A_694, %gather3A_692 : vector<16xf32>
          %add3A_698 = arith.addf %sub3A_695, %gather3A_692 : vector<16xf32>
          %mul3A_699 = arith.mulf %sub3A_693, %sub3A_693 : vector<16xf32>
          %add3A_700 = arith.addf %scan3A_681, %mul3A_699 : vector<16xf32>
          %mul3A_701 = arith.mulf %add3A_696, %add3A_696 : vector<16xf32>
          %add3A_702 = arith.addf %scan3A_682, %mul3A_701 : vector<16xf32>
          %mul3A_703 = arith.mulf %sub3A_694, %sub3A_694 : vector<16xf32>
          %add3A_704 = arith.addf %scan3A_683, %mul3A_703 : vector<16xf32>
          %mul3A_705 = arith.mulf %add3A_697, %add3A_697 : vector<16xf32>
          %add3A_706 = arith.addf %scan3A_684, %mul3A_705 : vector<16xf32>
          %mul3A_707 = arith.mulf %sub3A_695, %sub3A_695 : vector<16xf32>
          %add3A_708 = arith.addf %scan3A_685, %mul3A_707 : vector<16xf32>
          %mul3A_709 = arith.mulf %add3A_698, %add3A_698 : vector<16xf32>
          %add3A_710 = arith.addf %scan3A_686, %mul3A_709 : vector<16xf32>
          %scan3A_711 = arith.constant 1 : i32
          %scan3A_712 = arith.addi %scan3A_680, %scan3A_711 : i32
          %broadcast_in_dim3A_713 = vector.broadcast %scan3A_712 : i32 to vector<16xi32>
          %gather3A_714 = tpu.vector_load_idx %arg15[%add3A_345, %broadcast_in_dim3A_713] : memref<64x128xf32, #tpu.memory_space<vmem>>[vector<16xi32>, vector<16xi32>], vector<16xf32>,
          %gather3A_715 = tpu.vector_load_idx %arg16[%add3A_345, %broadcast_in_dim3A_713] : memref<64x128xf32, #tpu.memory_space<vmem>>[vector<16xi32>, vector<16xi32>], vector<16xf32>,
          %gather3A_716 = tpu.vector_load_idx %arg17[%add3A_345, %broadcast_in_dim3A_713] : memref<64x128xf32, #tpu.memory_space<vmem>>[vector<16xi32>, vector<16xi32>], vector<16xf32>,
          %gather3A_717 = tpu.vector_load_idx %arg18[%add3A_345, %broadcast_in_dim3A_713] : memref<64x128xf32, #tpu.memory_space<vmem>>[vector<16xi32>, vector<16xi32>], vector<16xf32>,
          %gather3A_718 = tpu.vector_load_idx %arg23[%get3A_349, %broadcast_in_dim3A_713] : memref<18x32xf32, #tpu.memory_space<vmem>>[vector<16xi32>, vector<16xi32>], vector<16xf32>,
          %sub3A_719 = arith.subf %gather3A_714, %gather3A_715 : vector<16xf32>
          %sub3A_720 = arith.subf %gather3A_716, %gather3A_715 : vector<16xf32>
          %sub3A_721 = arith.subf %gather3A_714, %gather3A_717 : vector<16xf32>
          %add3A_722 = arith.addf %sub3A_719, %gather3A_718 : vector<16xf32>
          %add3A_723 = arith.addf %sub3A_720, %gather3A_718 : vector<16xf32>
          %add3A_724 = arith.addf %sub3A_721, %gather3A_718 : vector<16xf32>
          %mul3A_725 = arith.mulf %sub3A_719, %sub3A_719 : vector<16xf32>
          %add3A_726 = arith.addf %add3A_700, %mul3A_725 : vector<16xf32>
          %mul3A_727 = arith.mulf %add3A_722, %add3A_722 : vector<16xf32>
          %add3A_728 = arith.addf %add3A_702, %mul3A_727 : vector<16xf32>
          %mul3A_729 = arith.mulf %sub3A_720, %sub3A_720 : vector<16xf32>
          %add3A_730 = arith.addf %add3A_704, %mul3A_729 : vector<16xf32>
          %mul3A_731 = arith.mulf %add3A_723, %add3A_723 : vector<16xf32>
          %add3A_732 = arith.addf %add3A_706, %mul3A_731 : vector<16xf32>
          %mul3A_733 = arith.mulf %sub3A_721, %sub3A_721 : vector<16xf32>
          %add3A_734 = arith.addf %add3A_708, %mul3A_733 : vector<16xf32>
          %mul3A_735 = arith.mulf %add3A_724, %add3A_724 : vector<16xf32>
          %add3A_736 = arith.addf %add3A_710, %mul3A_735 : vector<16xf32>
          %scan3A_737 = arith.constant 2 : i32
          %scan3A_738 = arith.addi %scan3A_680, %scan3A_737 : i32
          %broadcast_in_dim3A_739 = vector.broadcast %scan3A_738 : i32 to vector<16xi32>
          %gather3A_740 = tpu.vector_load_idx %arg15[%add3A_345, %broadcast_in_dim3A_739] : memref<64x128xf32, #tpu.memory_space<vmem>>[vector<16xi32>, vector<16xi32>], vector<16xf32>,
          %gather3A_741 = tpu.vector_load_idx %arg16[%add3A_345, %broadcast_in_dim3A_739] : memref<64x128xf32, #tpu.memory_space<vmem>>[vector<16xi32>, vector<16xi32>], vector<16xf32>,
          %gather3A_742 = tpu.vector_load_idx %arg17[%add3A_345, %broadcast_in_dim3A_739] : memref<64x128xf32, #tpu.memory_space<vmem>>[vector<16xi32>, vector<16xi32>], vector<16xf32>,
          %gather3A_743 = tpu.vector_load_idx %arg18[%add3A_345, %broadcast_in_dim3A_739] : memref<64x128xf32, #tpu.memory_space<vmem>>[vector<16xi32>, vector<16xi32>], vector<16xf32>,
          %gather3A_744 = tpu.vector_load_idx %arg23[%get3A_349, %broadcast_in_dim3A_739] : memref<18x32xf32, #tpu.memory_space<vmem>>[vector<16xi32>, vector<16xi32>], vector<16xf32>,
          %sub3A_745 = arith.subf %gather3A_740, %gather3A_741 : vector<16xf32>
          %sub3A_746 = arith.subf %gather3A_742, %gather3A_741 : vector<16xf32>
          %sub3A_747 = arith.subf %gather3A_740, %gather3A_743 : vector<16xf32>
          %add3A_748 = arith.addf %sub3A_745, %gather3A_744 : vector<16xf32>
          %add3A_749 = arith.addf %sub3A_746, %gather3A_744 : vector<16xf32>
          %add3A_750 = arith.addf %sub3A_747, %gather3A_744 : vector<16xf32>
          %mul3A_751 = arith.mulf %sub3A_745, %sub3A_745 : vector<16xf32>
          %add3A_752 = arith.addf %add3A_726, %mul3A_751 : vector<16xf32>
          %mul3A_753 = arith.mulf %add3A_748, %add3A_748 : vector<16xf32>
          %add3A_754 = arith.addf %add3A_728, %mul3A_753 : vector<16xf32>
          %mul3A_755 = arith.mulf %sub3A_746, %sub3A_746 : vector<16xf32>
          %add3A_756 = arith.addf %add3A_730, %mul3A_755 : vector<16xf32>
          %mul3A_757 = arith.mulf %add3A_749, %add3A_749 : vector<16xf32>
          %add3A_758 = arith.addf %add3A_732, %mul3A_757 : vector<16xf32>
          %mul3A_759 = arith.mulf %sub3A_747, %sub3A_747 : vector<16xf32>
          %add3A_760 = arith.addf %add3A_734, %mul3A_759 : vector<16xf32>
          %mul3A_761 = arith.mulf %add3A_750, %add3A_750 : vector<16xf32>
          %add3A_762 = arith.addf %add3A_736, %mul3A_761 : vector<16xf32>
          %scan3A_763 = arith.constant 3 : i32
          %scan3A_764 = arith.addi %scan3A_680, %scan3A_763 : i32
          %broadcast_in_dim3A_765 = vector.broadcast %scan3A_764 : i32 to vector<16xi32>
          %gather3A_766 = tpu.vector_load_idx %arg15[%add3A_345, %broadcast_in_dim3A_765] : memref<64x128xf32, #tpu.memory_space<vmem>>[vector<16xi32>, vector<16xi32>], vector<16xf32>,
          %gather3A_767 = tpu.vector_load_idx %arg16[%add3A_345, %broadcast_in_dim3A_765] : memref<64x128xf32, #tpu.memory_space<vmem>>[vector<16xi32>, vector<16xi32>], vector<16xf32>,
          %gather3A_768 = tpu.vector_load_idx %arg17[%add3A_345, %broadcast_in_dim3A_765] : memref<64x128xf32, #tpu.memory_space<vmem>>[vector<16xi32>, vector<16xi32>], vector<16xf32>,
          %gather3A_769 = tpu.vector_load_idx %arg18[%add3A_345, %broadcast_in_dim3A_765] : memref<64x128xf32, #tpu.memory_space<vmem>>[vector<16xi32>, vector<16xi32>], vector<16xf32>,
          %gather3A_770 = tpu.vector_load_idx %arg23[%get3A_349, %broadcast_in_dim3A_765] : memref<18x32xf32, #tpu.memory_space<vmem>>[vector<16xi32>, vector<16xi32>], vector<16xf32>,
          %sub3A_771 = arith.subf %gather3A_766, %gather3A_767 : vector<16xf32>
          %sub3A_772 = arith.subf %gather3A_768, %gather3A_767 : vector<16xf32>
          %sub3A_773 = arith.subf %gather3A_766, %gather3A_769 : vector<16xf32>
          %add3A_774 = arith.addf %sub3A_771, %gather3A_770 : vector<16xf32>
          %add3A_775 = arith.addf %sub3A_772, %gather3A_770 : vector<16xf32>
          %add3A_776 = arith.addf %sub3A_773, %gather3A_770 : vector<16xf32>
          %mul3A_777 = arith.mulf %sub3A_771, %sub3A_771 : vector<16xf32>
          %add3A_778 = arith.addf %add3A_752, %mul3A_777 : vector<16xf32>
          %mul3A_779 = arith.mulf %add3A_774, %add3A_774 : vector<16xf32>
          %add3A_780 = arith.addf %add3A_754, %mul3A_779 : vector<16xf32>
          %mul3A_781 = arith.mulf %sub3A_772, %sub3A_772 : vector<16xf32>
          %add3A_782 = arith.addf %add3A_756, %mul3A_781 : vector<16xf32>
          %mul3A_783 = arith.mulf %add3A_775, %add3A_775 : vector<16xf32>
          %add3A_784 = arith.addf %add3A_758, %mul3A_783 : vector<16xf32>
          %mul3A_785 = arith.mulf %sub3A_773, %sub3A_773 : vector<16xf32>
          %add3A_786 = arith.addf %add3A_760, %mul3A_785 : vector<16xf32>
          %mul3A_787 = arith.mulf %add3A_776, %add3A_776 : vector<16xf32>
          %add3A_788 = arith.addf %add3A_762, %mul3A_787 : vector<16xf32>
          %scan3A_789 = arith.constant 4 : i32
          %scan3A_790 = arith.addi %scan3A_680, %scan3A_789 : i32
          %broadcast_in_dim3A_791 = vector.broadcast %scan3A_790 : i32 to vector<16xi32>
          %gather3A_792 = tpu.vector_load_idx %arg15[%add3A_345, %broadcast_in_dim3A_791] : memref<64x128xf32, #tpu.memory_space<vmem>>[vector<16xi32>, vector<16xi32>], vector<16xf32>,
          %gather3A_793 = tpu.vector_load_idx %arg16[%add3A_345, %broadcast_in_dim3A_791] : memref<64x128xf32, #tpu.memory_space<vmem>>[vector<16xi32>, vector<16xi32>], vector<16xf32>,
          %gather3A_794 = tpu.vector_load_idx %arg17[%add3A_345, %broadcast_in_dim3A_791] : memref<64x128xf32, #tpu.memory_space<vmem>>[vector<16xi32>, vector<16xi32>], vector<16xf32>,
          %gather3A_795 = tpu.vector_load_idx %arg18[%add3A_345, %broadcast_in_dim3A_791] : memref<64x128xf32, #tpu.memory_space<vmem>>[vector<16xi32>, vector<16xi32>], vector<16xf32>,
          %gather3A_796 = tpu.vector_load_idx %arg23[%get3A_349, %broadcast_in_dim3A_791] : memref<18x32xf32, #tpu.memory_space<vmem>>[vector<16xi32>, vector<16xi32>], vector<16xf32>,
          %sub3A_797 = arith.subf %gather3A_792, %gather3A_793 : vector<16xf32>
          %sub3A_798 = arith.subf %gather3A_794, %gather3A_793 : vector<16xf32>
          %sub3A_799 = arith.subf %gather3A_792, %gather3A_795 : vector<16xf32>
          %add3A_800 = arith.addf %sub3A_797, %gather3A_796 : vector<16xf32>
          %add3A_801 = arith.addf %sub3A_798, %gather3A_796 : vector<16xf32>
          %add3A_802 = arith.addf %sub3A_799, %gather3A_796 : vector<16xf32>
          %mul3A_803 = arith.mulf %sub3A_797, %sub3A_797 : vector<16xf32>
          %add3A_804 = arith.addf %add3A_778, %mul3A_803 : vector<16xf32>
          %mul3A_805 = arith.mulf %add3A_800, %add3A_800 : vector<16xf32>
          %add3A_806 = arith.addf %add3A_780, %mul3A_805 : vector<16xf32>
          %mul3A_807 = arith.mulf %sub3A_798, %sub3A_798 : vector<16xf32>
          %add3A_808 = arith.addf %add3A_782, %mul3A_807 : vector<16xf32>
          %mul3A_809 = arith.mulf %add3A_801, %add3A_801 : vector<16xf32>
          %add3A_810 = arith.addf %add3A_784, %mul3A_809 : vector<16xf32>
          %mul3A_811 = arith.mulf %sub3A_799, %sub3A_799 : vector<16xf32>
          %add3A_812 = arith.addf %add3A_786, %mul3A_811 : vector<16xf32>
          %mul3A_813 = arith.mulf %add3A_802, %add3A_802 : vector<16xf32>
          %add3A_814 = arith.addf %add3A_788, %mul3A_813 : vector<16xf32>
          %scan3A_815 = arith.constant 5 : i32
          %scan3A_816 = arith.addi %scan3A_680, %scan3A_815 : i32
          %broadcast_in_dim3A_817 = vector.broadcast %scan3A_816 : i32 to vector<16xi32>
          %gather3A_818 = tpu.vector_load_idx %arg15[%add3A_345, %broadcast_in_dim3A_817] : memref<64x128xf32, #tpu.memory_space<vmem>>[vector<16xi32>, vector<16xi32>], vector<16xf32>,
          %gather3A_819 = tpu.vector_load_idx %arg16[%add3A_345, %broadcast_in_dim3A_817] : memref<64x128xf32, #tpu.memory_space<vmem>>[vector<16xi32>, vector<16xi32>], vector<16xf32>,
          %gather3A_820 = tpu.vector_load_idx %arg17[%add3A_345, %broadcast_in_dim3A_817] : memref<64x128xf32, #tpu.memory_space<vmem>>[vector<16xi32>, vector<16xi32>], vector<16xf32>,
          %gather3A_821 = tpu.vector_load_idx %arg18[%add3A_345, %broadcast_in_dim3A_817] : memref<64x128xf32, #tpu.memory_space<vmem>>[vector<16xi32>, vector<16xi32>], vector<16xf32>,
          %gather3A_822 = tpu.vector_load_idx %arg23[%get3A_349, %broadcast_in_dim3A_817] : memref<18x32xf32, #tpu.memory_space<vmem>>[vector<16xi32>, vector<16xi32>], vector<16xf32>,
          %sub3A_823 = arith.subf %gather3A_818, %gather3A_819 : vector<16xf32>
          %sub3A_824 = arith.subf %gather3A_820, %gather3A_819 : vector<16xf32>
          %sub3A_825 = arith.subf %gather3A_818, %gather3A_821 : vector<16xf32>
          %add3A_826 = arith.addf %sub3A_823, %gather3A_822 : vector<16xf32>
          %add3A_827 = arith.addf %sub3A_824, %gather3A_822 : vector<16xf32>
          %add3A_828 = arith.addf %sub3A_825, %gather3A_822 : vector<16xf32>
          %mul3A_829 = arith.mulf %sub3A_823, %sub3A_823 : vector<16xf32>
          %add3A_830 = arith.addf %add3A_804, %mul3A_829 : vector<16xf32>
          %mul3A_831 = arith.mulf %add3A_826, %add3A_826 : vector<16xf32>
          %add3A_832 = arith.addf %add3A_806, %mul3A_831 : vector<16xf32>
          %mul3A_833 = arith.mulf %sub3A_824, %sub3A_824 : vector<16xf32>
          %add3A_834 = arith.addf %add3A_808, %mul3A_833 : vector<16xf32>
          %mul3A_835 = arith.mulf %add3A_827, %add3A_827 : vector<16xf32>
          %add3A_836 = arith.addf %add3A_810, %mul3A_835 : vector<16xf32>
          %mul3A_837 = arith.mulf %sub3A_825, %sub3A_825 : vector<16xf32>
          %add3A_838 = arith.addf %add3A_812, %mul3A_837 : vector<16xf32>
          %mul3A_839 = arith.mulf %add3A_828, %add3A_828 : vector<16xf32>
          %add3A_840 = arith.addf %add3A_814, %mul3A_839 : vector<16xf32>
          %scan3A_841 = arith.constant 6 : i32
          %scan3A_842 = arith.addi %scan3A_680, %scan3A_841 : i32
          %broadcast_in_dim3A_843 = vector.broadcast %scan3A_842 : i32 to vector<16xi32>
          %gather3A_844 = tpu.vector_load_idx %arg15[%add3A_345, %broadcast_in_dim3A_843] : memref<64x128xf32, #tpu.memory_space<vmem>>[vector<16xi32>, vector<16xi32>], vector<16xf32>,
          %gather3A_845 = tpu.vector_load_idx %arg16[%add3A_345, %broadcast_in_dim3A_843] : memref<64x128xf32, #tpu.memory_space<vmem>>[vector<16xi32>, vector<16xi32>], vector<16xf32>,
          %gather3A_846 = tpu.vector_load_idx %arg17[%add3A_345, %broadcast_in_dim3A_843] : memref<64x128xf32, #tpu.memory_space<vmem>>[vector<16xi32>, vector<16xi32>], vector<16xf32>,
          %gather3A_847 = tpu.vector_load_idx %arg18[%add3A_345, %broadcast_in_dim3A_843] : memref<64x128xf32, #tpu.memory_space<vmem>>[vector<16xi32>, vector<16xi32>], vector<16xf32>,
          %gather3A_848 = tpu.vector_load_idx %arg23[%get3A_349, %broadcast_in_dim3A_843] : memref<18x32xf32, #tpu.memory_space<vmem>>[vector<16xi32>, vector<16xi32>], vector<16xf32>,
          %sub3A_849 = arith.subf %gather3A_844, %gather3A_845 : vector<16xf32>
          %sub3A_850 = arith.subf %gather3A_846, %gather3A_845 : vector<16xf32>
          %sub3A_851 = arith.subf %gather3A_844, %gather3A_847 : vector<16xf32>
          %add3A_852 = arith.addf %sub3A_849, %gather3A_848 : vector<16xf32>
          %add3A_853 = arith.addf %sub3A_850, %gather3A_848 : vector<16xf32>
          %add3A_854 = arith.addf %sub3A_851, %gather3A_848 : vector<16xf32>
          %mul3A_855 = arith.mulf %sub3A_849, %sub3A_849 : vector<16xf32>
          %add3A_856 = arith.addf %add3A_830, %mul3A_855 : vector<16xf32>
          %mul3A_857 = arith.mulf %add3A_852, %add3A_852 : vector<16xf32>
          %add3A_858 = arith.addf %add3A_832, %mul3A_857 : vector<16xf32>
          %mul3A_859 = arith.mulf %sub3A_850, %sub3A_850 : vector<16xf32>
          %add3A_860 = arith.addf %add3A_834, %mul3A_859 : vector<16xf32>
          %mul3A_861 = arith.mulf %add3A_853, %add3A_853 : vector<16xf32>
          %add3A_862 = arith.addf %add3A_836, %mul3A_861 : vector<16xf32>
          %mul3A_863 = arith.mulf %sub3A_851, %sub3A_851 : vector<16xf32>
          %add3A_864 = arith.addf %add3A_838, %mul3A_863 : vector<16xf32>
          %mul3A_865 = arith.mulf %add3A_854, %add3A_854 : vector<16xf32>
          %add3A_866 = arith.addf %add3A_840, %mul3A_865 : vector<16xf32>
          %scan3A_867 = arith.constant 7 : i32
          %scan3A_868 = arith.addi %scan3A_680, %scan3A_867 : i32
          %broadcast_in_dim3A_869 = vector.broadcast %scan3A_868 : i32 to vector<16xi32>
          %gather3A_870 = tpu.vector_load_idx %arg15[%add3A_345, %broadcast_in_dim3A_869] : memref<64x128xf32, #tpu.memory_space<vmem>>[vector<16xi32>, vector<16xi32>], vector<16xf32>,
          %gather3A_871 = tpu.vector_load_idx %arg16[%add3A_345, %broadcast_in_dim3A_869] : memref<64x128xf32, #tpu.memory_space<vmem>>[vector<16xi32>, vector<16xi32>], vector<16xf32>,
          %gather3A_872 = tpu.vector_load_idx %arg17[%add3A_345, %broadcast_in_dim3A_869] : memref<64x128xf32, #tpu.memory_space<vmem>>[vector<16xi32>, vector<16xi32>], vector<16xf32>,
          %gather3A_873 = tpu.vector_load_idx %arg18[%add3A_345, %broadcast_in_dim3A_869] : memref<64x128xf32, #tpu.memory_space<vmem>>[vector<16xi32>, vector<16xi32>], vector<16xf32>,
          %gather3A_874 = tpu.vector_load_idx %arg23[%get3A_349, %broadcast_in_dim3A_869] : memref<18x32xf32, #tpu.memory_space<vmem>>[vector<16xi32>, vector<16xi32>], vector<16xf32>,
          %sub3A_875 = arith.subf %gather3A_870, %gather3A_871 : vector<16xf32>
          %sub3A_876 = arith.subf %gather3A_872, %gather3A_871 : vector<16xf32>
          %sub3A_877 = arith.subf %gather3A_870, %gather3A_873 : vector<16xf32>
          %add3A_878 = arith.addf %sub3A_875, %gather3A_874 : vector<16xf32>
          %add3A_879 = arith.addf %sub3A_876, %gather3A_874 : vector<16xf32>
          %add3A_880 = arith.addf %sub3A_877, %gather3A_874 : vector<16xf32>
          %mul3A_881 = arith.mulf %sub3A_875, %sub3A_875 : vector<16xf32>
          %add3A_882 = arith.addf %add3A_856, %mul3A_881 : vector<16xf32>
          %mul3A_883 = arith.mulf %add3A_878, %add3A_878 : vector<16xf32>
          %add3A_884 = arith.addf %add3A_858, %mul3A_883 : vector<16xf32>
          %mul3A_885 = arith.mulf %sub3A_876, %sub3A_876 : vector<16xf32>
          %add3A_886 = arith.addf %add3A_860, %mul3A_885 : vector<16xf32>
          %mul3A_887 = arith.mulf %add3A_879, %add3A_879 : vector<16xf32>
          %add3A_888 = arith.addf %add3A_862, %mul3A_887 : vector<16xf32>
          %mul3A_889 = arith.mulf %sub3A_877, %sub3A_877 : vector<16xf32>
          %add3A_890 = arith.addf %add3A_864, %mul3A_889 : vector<16xf32>
          %mul3A_891 = arith.mulf %add3A_880, %add3A_880 : vector<16xf32>
          %add3A_892 = arith.addf %add3A_866, %mul3A_891 : vector<16xf32>
          scf.yield %add3A_882, %add3A_884, %add3A_886, %add3A_888, %add3A_890, %add3A_892 : vector<16xf32>, vector<16xf32>, vector<16xf32>, vector<16xf32>, vector<16xf32>, vector<16xf32>
        }
        %scan3A_360 = arith.constant 32 : i32
        %eq3A = arith.constant 4 : i32
        %eq3A_361 = vector.broadcast %eq3A : i32 to vector<16xi32>
        %eq3A_362 = arith.cmpi eq, %get3A_349, %eq3A_361 : vector<16xi32>
        %eq3A_363 = arith.constant 6 : i32
        %eq3A_364 = vector.broadcast %eq3A_363 : i32 to vector<16xi32>
        %eq3A_365 = arith.cmpi eq, %get3A_349, %eq3A_364 : vector<16xi32>
        %or3A = arith.ori %eq3A_362, %eq3A_365 : vector<16xi1>
        %eq3A_366 = arith.constant 3 : i32
        %eq3A_367 = vector.broadcast %eq3A_366 : i32 to vector<16xi32>
        %eq3A_368 = arith.cmpi eq, %get3A_349, %eq3A_367 : vector<16xi32>
        %eq3A_369 = arith.constant 5 : i32
        %eq3A_370 = vector.broadcast %eq3A_369 : i32 to vector<16xi32>
        %eq3A_371 = arith.cmpi eq, %get3A_349, %eq3A_370 : vector<16xi32>
        %or3A_372 = arith.ori %eq3A_368, %eq3A_371 : vector<16xi1>
        %eq3A_373 = arith.constant 0 : i32
        %eq3A_374 = vector.broadcast %eq3A_373 : i32 to vector<16xi32>
        %eq3A_375 = arith.cmpi eq, %get3A_349, %eq3A_374 : vector<16xi32>
        %eq3A_376 = arith.constant 1 : i32
        %eq3A_377 = vector.broadcast %eq3A_376 : i32 to vector<16xi32>
        %eq3A_378 = arith.cmpi eq, %get3A_349, %eq3A_377 : vector<16xi32>
        %or3A_379 = arith.ori %eq3A_375, %eq3A_378 : vector<16xi1>
        %eq3A_380 = arith.constant 13 : i32
        %eq3A_381 = vector.broadcast %eq3A_380 : i32 to vector<16xi32>
        %eq3A_382 = arith.cmpi eq, %get3A_349, %eq3A_381 : vector<16xi32>
        %or3A_383 = arith.ori %or3A_379, %eq3A_382 : vector<16xi1>
        %eq3A_384 = arith.constant 17 : i32
        %eq3A_385 = vector.broadcast %eq3A_384 : i32 to vector<16xi32>
        %eq3A_386 = arith.cmpi eq, %get3A_349, %eq3A_385 : vector<16xi32>
        %or3A_387 = arith.ori %or3A_383, %eq3A_386 : vector<16xi1>
        %max3A = arith.constant 1.000000e-24 : f32
        %max3A_388 = vector.broadcast %max3A : f32 to vector<16xf32>
        %max3A_389 = arith.maximumf %scan3A_359#0, %max3A_388 : vector<16xf32>
        %bitcast_convert_type3A = tpu.bitcast %max3A_389 : vector<16xf32> -> vector<16xi32>
        %shift_right_logical3A = arith.constant 1 : i32
        %shift_right_logical3A_390 = vector.broadcast %shift_right_logical3A : i32 to vector<16xi32>
        %shift_right_logical3A_391 = arith.shrui %bitcast_convert_type3A, %shift_right_logical3A_390 : vector<16xi32>
        %sub3A = arith.constant 1597463007 : i32
        %sub3A_392 = vector.broadcast %sub3A : i32 to vector<16xi32>
        %sub3A_393 = arith.subi %sub3A_392, %shift_right_logical3A_391 : vector<16xi32>
        %bitcast_convert_type3A_394 = tpu.bitcast %sub3A_393 : vector<16xi32> -> vector<16xf32>
        %mul3A_395 = arith.constant 5.000000e-01 : f32
        %mul3A_396 = vector.broadcast %mul3A_395 : f32 to vector<16xf32>
        %mul3A_397 = arith.mulf %mul3A_396, %max3A_389 : vector<16xf32>
        %mul3A_398 = arith.mulf %mul3A_397, %bitcast_convert_type3A_394 : vector<16xf32>
        %mul3A_399 = arith.mulf %mul3A_398, %bitcast_convert_type3A_394 : vector<16xf32>
        %sub3A_400 = arith.constant 1.500000e+00 : f32
        %sub3A_401 = vector.broadcast %sub3A_400 : f32 to vector<16xf32>
        %sub3A_402 = arith.subf %sub3A_401, %mul3A_399 : vector<16xf32>
        %mul3A_403 = arith.mulf %bitcast_convert_type3A_394, %sub3A_402 : vector<16xf32>
        %mul3A_404 = arith.constant 5.000000e-01 : f32
        %mul3A_405 = vector.broadcast %mul3A_404 : f32 to vector<16xf32>
        %mul3A_406 = arith.mulf %mul3A_405, %max3A_389 : vector<16xf32>
        %mul3A_407 = arith.mulf %mul3A_406, %mul3A_403 : vector<16xf32>
        %mul3A_408 = arith.mulf %mul3A_407, %mul3A_403 : vector<16xf32>
        %sub3A_409 = arith.constant 1.500000e+00 : f32
        %sub3A_410 = vector.broadcast %sub3A_409 : f32 to vector<16xf32>
        %sub3A_411 = arith.subf %sub3A_410, %mul3A_408 : vector<16xf32>
        %mul3A_412 = arith.mulf %mul3A_403, %sub3A_411 : vector<16xf32>
        %mul3A_413 = arith.constant 5.000000e-01 : f32
        %mul3A_414 = vector.broadcast %mul3A_413 : f32 to vector<16xf32>
        %mul3A_415 = arith.mulf %mul3A_414, %max3A_389 : vector<16xf32>
        %mul3A_416 = arith.mulf %mul3A_415, %mul3A_412 : vector<16xf32>
        %mul3A_417 = arith.mulf %mul3A_416, %mul3A_412 : vector<16xf32>
        %sub3A_418 = arith.constant 1.500000e+00 : f32
        %sub3A_419 = vector.broadcast %sub3A_418 : f32 to vector<16xf32>
        %sub3A_420 = arith.subf %sub3A_419, %mul3A_417 : vector<16xf32>
        %mul3A_421 = arith.mulf %mul3A_412, %sub3A_420 : vector<16xf32>
        %mul3A_422 = arith.mulf %max3A_389, %mul3A_421 : vector<16xf32>
        %max3A_423 = arith.constant 1.000000e-24 : f32
        %max3A_424 = vector.broadcast %max3A_423 : f32 to vector<16xf32>
        %max3A_425 = arith.maximumf %scan3A_359#1, %max3A_424 : vector<16xf32>
        %bitcast_convert_type3A_426 = tpu.bitcast %max3A_425 : vector<16xf32> -> vector<16xi32>
        %shift_right_logical3A_427 = arith.constant 1 : i32
        %shift_right_logical3A_428 = vector.broadcast %shift_right_logical3A_427 : i32 to vector<16xi32>
        %shift_right_logical3A_429 = arith.shrui %bitcast_convert_type3A_426, %shift_right_logical3A_428 : vector<16xi32>
        %sub3A_430 = arith.constant 1597463007 : i32
        %sub3A_431 = vector.broadcast %sub3A_430 : i32 to vector<16xi32>
        %sub3A_432 = arith.subi %sub3A_431, %shift_right_logical3A_429 : vector<16xi32>
        %bitcast_convert_type3A_433 = tpu.bitcast %sub3A_432 : vector<16xi32> -> vector<16xf32>
        %mul3A_434 = arith.constant 5.000000e-01 : f32
        %mul3A_435 = vector.broadcast %mul3A_434 : f32 to vector<16xf32>
        %mul3A_436 = arith.mulf %mul3A_435, %max3A_425 : vector<16xf32>
        %mul3A_437 = arith.mulf %mul3A_436, %bitcast_convert_type3A_433 : vector<16xf32>
        %mul3A_438 = arith.mulf %mul3A_437, %bitcast_convert_type3A_433 : vector<16xf32>
        %sub3A_439 = arith.constant 1.500000e+00 : f32
        %sub3A_440 = vector.broadcast %sub3A_439 : f32 to vector<16xf32>
        %sub3A_441 = arith.subf %sub3A_440, %mul3A_438 : vector<16xf32>
        %mul3A_442 = arith.mulf %bitcast_convert_type3A_433, %sub3A_441 : vector<16xf32>
        %mul3A_443 = arith.constant 5.000000e-01 : f32
        %mul3A_444 = vector.broadcast %mul3A_443 : f32 to vector<16xf32>
        %mul3A_445 = arith.mulf %mul3A_444, %max3A_425 : vector<16xf32>
        %mul3A_446 = arith.mulf %mul3A_445, %mul3A_442 : vector<16xf32>
        %mul3A_447 = arith.mulf %mul3A_446, %mul3A_442 : vector<16xf32>
        %sub3A_448 = arith.constant 1.500000e+00 : f32
        %sub3A_449 = vector.broadcast %sub3A_448 : f32 to vector<16xf32>
        %sub3A_450 = arith.subf %sub3A_449, %mul3A_447 : vector<16xf32>
        %mul3A_451 = arith.mulf %mul3A_442, %sub3A_450 : vector<16xf32>
        %mul3A_452 = arith.constant 5.000000e-01 : f32
        %mul3A_453 = vector.broadcast %mul3A_452 : f32 to vector<16xf32>
        %mul3A_454 = arith.mulf %mul3A_453, %max3A_425 : vector<16xf32>
        %mul3A_455 = arith.mulf %mul3A_454, %mul3A_451 : vector<16xf32>
        %mul3A_456 = arith.mulf %mul3A_455, %mul3A_451 : vector<16xf32>
        %sub3A_457 = arith.constant 1.500000e+00 : f32
        %sub3A_458 = vector.broadcast %sub3A_457 : f32 to vector<16xf32>
        %sub3A_459 = arith.subf %sub3A_458, %mul3A_456 : vector<16xf32>
        %mul3A_460 = arith.mulf %mul3A_451, %sub3A_459 : vector<16xf32>
        %mul3A_461 = arith.mulf %max3A_425, %mul3A_460 : vector<16xf32>
        %sub3A_462 = arith.subf %gather3A, %gather3A_352 : vector<16xf32>
        %sub3A_463 = arith.subf %mul3A_422, %sub3A_462 : vector<16xf32>
        %max3A_464 = arith.constant 0.000000e+00 : f32
        %max3A_465 = vector.broadcast %max3A_464 : f32 to vector<16xf32>
        %max3A_466 = arith.maximumf %sub3A_463, %max3A_465 : vector<16xf32>
        %sub3A_467 = arith.subf %gather3A_352, %gather3A : vector<16xf32>
        %sub3A_468 = arith.subf %mul3A_422, %sub3A_467 : vector<16xf32>
        %max3A_469 = arith.constant 0.000000e+00 : f32
        %max3A_470 = vector.broadcast %max3A_469 : f32 to vector<16xf32>
        %max3A_471 = arith.maximumf %sub3A_468, %max3A_470 : vector<16xf32>
        %sub3A_472 = arith.subf %gather3A, %gather3A_352 : vector<16xf32>
        %abs3A = math.absf %sub3A_472 : vector<16xf32>
        %add3A_473 = arith.addf %mul3A_422, %abs3A : vector<16xf32>
        %select_n3A = arith.select %or3A_387, %add3A_473, %mul3A_461 : vector<16xi1>, vector<16xf32>
        %select_n3A_474 = arith.select %or3A_372, %max3A_471, %select_n3A : vector<16xi1>, vector<16xf32>
        %select_n3A_475 = arith.select %or3A, %max3A_466, %select_n3A_474 : vector<16xi1>, vector<16xf32>
        %max3A_476 = arith.constant 1.000000e-24 : f32
        %max3A_477 = vector.broadcast %max3A_476 : f32 to vector<16xf32>
        %max3A_478 = arith.maximumf %scan3A_359#2, %max3A_477 : vector<16xf32>
        %bitcast_convert_type3A_479 = tpu.bitcast %max3A_478 : vector<16xf32> -> vector<16xi32>
        %shift_right_logical3A_480 = arith.constant 1 : i32
        %shift_right_logical3A_481 = vector.broadcast %shift_right_logical3A_480 : i32 to vector<16xi32>
        %shift_right_logical3A_482 = arith.shrui %bitcast_convert_type3A_479, %shift_right_logical3A_481 : vector<16xi32>
        %sub3A_483 = arith.constant 1597463007 : i32
        %sub3A_484 = vector.broadcast %sub3A_483 : i32 to vector<16xi32>
        %sub3A_485 = arith.subi %sub3A_484, %shift_right_logical3A_482 : vector<16xi32>
        %bitcast_convert_type3A_486 = tpu.bitcast %sub3A_485 : vector<16xi32> -> vector<16xf32>
        %mul3A_487 = arith.constant 5.000000e-01 : f32
        %mul3A_488 = vector.broadcast %mul3A_487 : f32 to vector<16xf32>
        %mul3A_489 = arith.mulf %mul3A_488, %max3A_478 : vector<16xf32>
        %mul3A_490 = arith.mulf %mul3A_489, %bitcast_convert_type3A_486 : vector<16xf32>
        %mul3A_491 = arith.mulf %mul3A_490, %bitcast_convert_type3A_486 : vector<16xf32>
        %sub3A_492 = arith.constant 1.500000e+00 : f32
        %sub3A_493 = vector.broadcast %sub3A_492 : f32 to vector<16xf32>
        %sub3A_494 = arith.subf %sub3A_493, %mul3A_491 : vector<16xf32>
        %mul3A_495 = arith.mulf %bitcast_convert_type3A_486, %sub3A_494 : vector<16xf32>
        %mul3A_496 = arith.constant 5.000000e-01 : f32
        %mul3A_497 = vector.broadcast %mul3A_496 : f32 to vector<16xf32>
        %mul3A_498 = arith.mulf %mul3A_497, %max3A_478 : vector<16xf32>
        %mul3A_499 = arith.mulf %mul3A_498, %mul3A_495 : vector<16xf32>
        %mul3A_500 = arith.mulf %mul3A_499, %mul3A_495 : vector<16xf32>
        %sub3A_501 = arith.constant 1.500000e+00 : f32
        %sub3A_502 = vector.broadcast %sub3A_501 : f32 to vector<16xf32>
        %sub3A_503 = arith.subf %sub3A_502, %mul3A_500 : vector<16xf32>
        %mul3A_504 = arith.mulf %mul3A_495, %sub3A_503 : vector<16xf32>
        %mul3A_505 = arith.constant 5.000000e-01 : f32
        %mul3A_506 = vector.broadcast %mul3A_505 : f32 to vector<16xf32>
        %mul3A_507 = arith.mulf %mul3A_506, %max3A_478 : vector<16xf32>
        %mul3A_508 = arith.mulf %mul3A_507, %mul3A_504 : vector<16xf32>
        %mul3A_509 = arith.mulf %mul3A_508, %mul3A_504 : vector<16xf32>
        %sub3A_510 = arith.constant 1.500000e+00 : f32
        %sub3A_511 = vector.broadcast %sub3A_510 : f32 to vector<16xf32>
        %sub3A_512 = arith.subf %sub3A_511, %mul3A_509 : vector<16xf32>
        %mul3A_513 = arith.mulf %mul3A_504, %sub3A_512 : vector<16xf32>
        %mul3A_514 = arith.mulf %max3A_478, %mul3A_513 : vector<16xf32>
        %max3A_515 = arith.constant 1.000000e-24 : f32
        %max3A_516 = vector.broadcast %max3A_515 : f32 to vector<16xf32>
        %max3A_517 = arith.maximumf %scan3A_359#3, %max3A_516 : vector<16xf32>
        %bitcast_convert_type3A_518 = tpu.bitcast %max3A_517 : vector<16xf32> -> vector<16xi32>
        %shift_right_logical3A_519 = arith.constant 1 : i32
        %shift_right_logical3A_520 = vector.broadcast %shift_right_logical3A_519 : i32 to vector<16xi32>
        %shift_right_logical3A_521 = arith.shrui %bitcast_convert_type3A_518, %shift_right_logical3A_520 : vector<16xi32>
        %sub3A_522 = arith.constant 1597463007 : i32
        %sub3A_523 = vector.broadcast %sub3A_522 : i32 to vector<16xi32>
        %sub3A_524 = arith.subi %sub3A_523, %shift_right_logical3A_521 : vector<16xi32>
        %bitcast_convert_type3A_525 = tpu.bitcast %sub3A_524 : vector<16xi32> -> vector<16xf32>
        %mul3A_526 = arith.constant 5.000000e-01 : f32
        %mul3A_527 = vector.broadcast %mul3A_526 : f32 to vector<16xf32>
        %mul3A_528 = arith.mulf %mul3A_527, %max3A_517 : vector<16xf32>
        %mul3A_529 = arith.mulf %mul3A_528, %bitcast_convert_type3A_525 : vector<16xf32>
        %mul3A_530 = arith.mulf %mul3A_529, %bitcast_convert_type3A_525 : vector<16xf32>
        %sub3A_531 = arith.constant 1.500000e+00 : f32
        %sub3A_532 = vector.broadcast %sub3A_531 : f32 to vector<16xf32>
        %sub3A_533 = arith.subf %sub3A_532, %mul3A_530 : vector<16xf32>
        %mul3A_534 = arith.mulf %bitcast_convert_type3A_525, %sub3A_533 : vector<16xf32>
        %mul3A_535 = arith.constant 5.000000e-01 : f32
        %mul3A_536 = vector.broadcast %mul3A_535 : f32 to vector<16xf32>
        %mul3A_537 = arith.mulf %mul3A_536, %max3A_517 : vector<16xf32>
        %mul3A_538 = arith.mulf %mul3A_537, %mul3A_534 : vector<16xf32>
        %mul3A_539 = arith.mulf %mul3A_538, %mul3A_534 : vector<16xf32>
        %sub3A_540 = arith.constant 1.500000e+00 : f32
        %sub3A_541 = vector.broadcast %sub3A_540 : f32 to vector<16xf32>
        %sub3A_542 = arith.subf %sub3A_541, %mul3A_539 : vector<16xf32>
        %mul3A_543 = arith.mulf %mul3A_534, %sub3A_542 : vector<16xf32>
        %mul3A_544 = arith.constant 5.000000e-01 : f32
        %mul3A_545 = vector.broadcast %mul3A_544 : f32 to vector<16xf32>
        %mul3A_546 = arith.mulf %mul3A_545, %max3A_517 : vector<16xf32>
        %mul3A_547 = arith.mulf %mul3A_546, %mul3A_543 : vector<16xf32>
        %mul3A_548 = arith.mulf %mul3A_547, %mul3A_543 : vector<16xf32>
        %sub3A_549 = arith.constant 1.500000e+00 : f32
        %sub3A_550 = vector.broadcast %sub3A_549 : f32 to vector<16xf32>
        %sub3A_551 = arith.subf %sub3A_550, %mul3A_548 : vector<16xf32>
        %mul3A_552 = arith.mulf %mul3A_543, %sub3A_551 : vector<16xf32>
        %mul3A_553 = arith.mulf %max3A_517, %mul3A_552 : vector<16xf32>
        %sub3A_554 = arith.subf %gather3A_353, %gather3A_352 : vector<16xf32>
        %sub3A_555 = arith.subf %mul3A_514, %sub3A_554 : vector<16xf32>
        %max3A_556 = arith.constant 0.000000e+00 : f32
        %max3A_557 = vector.broadcast %max3A_556 : f32 to vector<16xf32>
        %max3A_558 = arith.maximumf %sub3A_555, %max3A_557 : vector<16xf32>
        %sub3A_559 = arith.subf %gather3A_352, %gather3A_353 : vector<16xf32>
        %sub3A_560 = arith.subf %mul3A_514, %sub3A_559 : vector<16xf32>
        %max3A_561 = arith.constant 0.000000e+00 : f32
        %max3A_562 = vector.broadcast %max3A_561 : f32 to vector<16xf32>
        %max3A_563 = arith.maximumf %sub3A_560, %max3A_562 : vector<16xf32>
        %sub3A_564 = arith.subf %gather3A_353, %gather3A_352 : vector<16xf32>
        %abs3A_565 = math.absf %sub3A_564 : vector<16xf32>
        %add3A_566 = arith.addf %mul3A_514, %abs3A_565 : vector<16xf32>
        %select_n3A_567 = arith.select %or3A_387, %add3A_566, %mul3A_553 : vector<16xi1>, vector<16xf32>
        %select_n3A_568 = arith.select %or3A_372, %max3A_563, %select_n3A_567 : vector<16xi1>, vector<16xf32>
        %select_n3A_569 = arith.select %or3A, %max3A_558, %select_n3A_568 : vector<16xi1>, vector<16xf32>
        %max3A_570 = arith.constant 1.000000e-24 : f32
        %max3A_571 = vector.broadcast %max3A_570 : f32 to vector<16xf32>
        %max3A_572 = arith.maximumf %scan3A_359#4, %max3A_571 : vector<16xf32>
        %bitcast_convert_type3A_573 = tpu.bitcast %max3A_572 : vector<16xf32> -> vector<16xi32>
        %shift_right_logical3A_574 = arith.constant 1 : i32
        %shift_right_logical3A_575 = vector.broadcast %shift_right_logical3A_574 : i32 to vector<16xi32>
        %shift_right_logical3A_576 = arith.shrui %bitcast_convert_type3A_573, %shift_right_logical3A_575 : vector<16xi32>
        %sub3A_577 = arith.constant 1597463007 : i32
        %sub3A_578 = vector.broadcast %sub3A_577 : i32 to vector<16xi32>
        %sub3A_579 = arith.subi %sub3A_578, %shift_right_logical3A_576 : vector<16xi32>
        %bitcast_convert_type3A_580 = tpu.bitcast %sub3A_579 : vector<16xi32> -> vector<16xf32>
        %mul3A_581 = arith.constant 5.000000e-01 : f32
        %mul3A_582 = vector.broadcast %mul3A_581 : f32 to vector<16xf32>
        %mul3A_583 = arith.mulf %mul3A_582, %max3A_572 : vector<16xf32>
        %mul3A_584 = arith.mulf %mul3A_583, %bitcast_convert_type3A_580 : vector<16xf32>
        %mul3A_585 = arith.mulf %mul3A_584, %bitcast_convert_type3A_580 : vector<16xf32>
        %sub3A_586 = arith.constant 1.500000e+00 : f32
        %sub3A_587 = vector.broadcast %sub3A_586 : f32 to vector<16xf32>
        %sub3A_588 = arith.subf %sub3A_587, %mul3A_585 : vector<16xf32>
        %mul3A_589 = arith.mulf %bitcast_convert_type3A_580, %sub3A_588 : vector<16xf32>
        %mul3A_590 = arith.constant 5.000000e-01 : f32
        %mul3A_591 = vector.broadcast %mul3A_590 : f32 to vector<16xf32>
        %mul3A_592 = arith.mulf %mul3A_591, %max3A_572 : vector<16xf32>
        %mul3A_593 = arith.mulf %mul3A_592, %mul3A_589 : vector<16xf32>
        %mul3A_594 = arith.mulf %mul3A_593, %mul3A_589 : vector<16xf32>
        %sub3A_595 = arith.constant 1.500000e+00 : f32
        %sub3A_596 = vector.broadcast %sub3A_595 : f32 to vector<16xf32>
        %sub3A_597 = arith.subf %sub3A_596, %mul3A_594 : vector<16xf32>
        %mul3A_598 = arith.mulf %mul3A_589, %sub3A_597 : vector<16xf32>
        %mul3A_599 = arith.constant 5.000000e-01 : f32
        %mul3A_600 = vector.broadcast %mul3A_599 : f32 to vector<16xf32>
        %mul3A_601 = arith.mulf %mul3A_600, %max3A_572 : vector<16xf32>
        %mul3A_602 = arith.mulf %mul3A_601, %mul3A_598 : vector<16xf32>
        %mul3A_603 = arith.mulf %mul3A_602, %mul3A_598 : vector<16xf32>
        %sub3A_604 = arith.constant 1.500000e+00 : f32
        %sub3A_605 = vector.broadcast %sub3A_604 : f32 to vector<16xf32>
        %sub3A_606 = arith.subf %sub3A_605, %mul3A_603 : vector<16xf32>
        %mul3A_607 = arith.mulf %mul3A_598, %sub3A_606 : vector<16xf32>
        %mul3A_608 = arith.mulf %max3A_572, %mul3A_607 : vector<16xf32>
        %max3A_609 = arith.constant 1.000000e-24 : f32
        %max3A_610 = vector.broadcast %max3A_609 : f32 to vector<16xf32>
        %max3A_611 = arith.maximumf %scan3A_359#5, %max3A_610 : vector<16xf32>
        %bitcast_convert_type3A_612 = tpu.bitcast %max3A_611 : vector<16xf32> -> vector<16xi32>
        %shift_right_logical3A_613 = arith.constant 1 : i32
        %shift_right_logical3A_614 = vector.broadcast %shift_right_logical3A_613 : i32 to vector<16xi32>
        %shift_right_logical3A_615 = arith.shrui %bitcast_convert_type3A_612, %shift_right_logical3A_614 : vector<16xi32>
        %sub3A_616 = arith.constant 1597463007 : i32
        %sub3A_617 = vector.broadcast %sub3A_616 : i32 to vector<16xi32>
        %sub3A_618 = arith.subi %sub3A_617, %shift_right_logical3A_615 : vector<16xi32>
        %bitcast_convert_type3A_619 = tpu.bitcast %sub3A_618 : vector<16xi32> -> vector<16xf32>
        %mul3A_620 = arith.constant 5.000000e-01 : f32
        %mul3A_621 = vector.broadcast %mul3A_620 : f32 to vector<16xf32>
        %mul3A_622 = arith.mulf %mul3A_621, %max3A_611 : vector<16xf32>
        %mul3A_623 = arith.mulf %mul3A_622, %bitcast_convert_type3A_619 : vector<16xf32>
        %mul3A_624 = arith.mulf %mul3A_623, %bitcast_convert_type3A_619 : vector<16xf32>
        %sub3A_625 = arith.constant 1.500000e+00 : f32
        %sub3A_626 = vector.broadcast %sub3A_625 : f32 to vector<16xf32>
        %sub3A_627 = arith.subf %sub3A_626, %mul3A_624 : vector<16xf32>
        %mul3A_628 = arith.mulf %bitcast_convert_type3A_619, %sub3A_627 : vector<16xf32>
        %mul3A_629 = arith.constant 5.000000e-01 : f32
        %mul3A_630 = vector.broadcast %mul3A_629 : f32 to vector<16xf32>
        %mul3A_631 = arith.mulf %mul3A_630, %max3A_611 : vector<16xf32>
        %mul3A_632 = arith.mulf %mul3A_631, %mul3A_628 : vector<16xf32>
        %mul3A_633 = arith.mulf %mul3A_632, %mul3A_628 : vector<16xf32>
        %sub3A_634 = arith.constant 1.500000e+00 : f32
        %sub3A_635 = vector.broadcast %sub3A_634 : f32 to vector<16xf32>
        %sub3A_636 = arith.subf %sub3A_635, %mul3A_633 : vector<16xf32>
        %mul3A_637 = arith.mulf %mul3A_628, %sub3A_636 : vector<16xf32>
        %mul3A_638 = arith.constant 5.000000e-01 : f32
        %mul3A_639 = vector.broadcast %mul3A_638 : f32 to vector<16xf32>
        %mul3A_640 = arith.mulf %mul3A_639, %max3A_611 : vector<16xf32>
        %mul3A_641 = arith.mulf %mul3A_640, %mul3A_637 : vector<16xf32>
        %mul3A_642 = arith.mulf %mul3A_641, %mul3A_637 : vector<16xf32>
        %sub3A_643 = arith.constant 1.500000e+00 : f32
        %sub3A_644 = vector.broadcast %sub3A_643 : f32 to vector<16xf32>
        %sub3A_645 = arith.subf %sub3A_644, %mul3A_642 : vector<16xf32>
        %mul3A_646 = arith.mulf %mul3A_637, %sub3A_645 : vector<16xf32>
        %mul3A_647 = arith.mulf %max3A_611, %mul3A_646 : vector<16xf32>
        %sub3A_648 = arith.subf %gather3A, %gather3A_354 : vector<16xf32>
        %sub3A_649 = arith.subf %mul3A_608, %sub3A_648 : vector<16xf32>
        %max3A_650 = arith.constant 0.000000e+00 : f32
        %max3A_651 = vector.broadcast %max3A_650 : f32 to vector<16xf32>
        %max3A_652 = arith.maximumf %sub3A_649, %max3A_651 : vector<16xf32>
        %sub3A_653 = arith.subf %gather3A_354, %gather3A : vector<16xf32>
        %sub3A_654 = arith.subf %mul3A_608, %sub3A_653 : vector<16xf32>
        %max3A_655 = arith.constant 0.000000e+00 : f32
        %max3A_656 = vector.broadcast %max3A_655 : f32 to vector<16xf32>
        %max3A_657 = arith.maximumf %sub3A_654, %max3A_656 : vector<16xf32>
        %sub3A_658 = arith.subf %gather3A, %gather3A_354 : vector<16xf32>
        %abs3A_659 = math.absf %sub3A_658 : vector<16xf32>
        %add3A_660 = arith.addf %mul3A_608, %abs3A_659 : vector<16xf32>
        %select_n3A_661 = arith.select %or3A_387, %add3A_660, %mul3A_647 : vector<16xi1>, vector<16xf32>
        %select_n3A_662 = arith.select %or3A_372, %max3A_657, %select_n3A_661 : vector<16xi1>, vector<16xf32>
        %select_n3A_663 = arith.select %or3A, %max3A_652, %select_n3A_662 : vector<16xi1>, vector<16xf32>
        %sub3A_664 = arith.subf %select_n3A_475, %select_n3A_569 : vector<16xf32>
        %add3A_665 = arith.constant 1.000000e+00 : f32
        %add3A_666 = vector.broadcast %add3A_665 : f32 to vector<16xf32>
        %add3A_667 = arith.addf %sub3A_664, %add3A_666 : vector<16xf32>
        %max3A_668 = arith.constant 0.000000e+00 : f32
        %max3A_669 = vector.broadcast %max3A_668 : f32 to vector<16xf32>
        %max3A_670 = arith.maximumf %add3A_667, %max3A_669 : vector<16xf32>
        %sub3A_671 = arith.subf %select_n3A_475, %select_n3A_663 : vector<16xf32>
        %add3A_672 = arith.constant 1.000000e+00 : f32
        %add3A_673 = vector.broadcast %add3A_672 : f32 to vector<16xf32>
        %add3A_674 = arith.addf %sub3A_671, %add3A_673 : vector<16xf32>
        %max3A_675 = arith.constant 0.000000e+00 : f32
        %max3A_676 = vector.broadcast %max3A_675 : f32 to vector<16xf32>
        %max3A_677 = arith.maximumf %add3A_674, %max3A_676 : vector<16xf32>
        %add3A_678 = arith.addf %max3A_670, %max3A_677 : vector<16xf32>
        %add3A_679 = arith.addf %scan3A_341, %add3A_678 : vector<16xf32>
        scf.yield %add3A_679 : vector<16xf32>
      }
      %scan3A_303 = arith.constant 4 : i32
      %add3A_304 = arith.constant 1 : i32
      %add3A_305 = arith.addi %add3A_254, %add3A_304 : i32
      %lt3A = arith.constant 8 : i32
      %lt3A_306 = arith.cmpi slt, %add3A_305, %lt3A : i32
      %convert_element_type3A = arith.extui %lt3A_306 : i1 to i32
      %cond3A = arith.constant 0 : i32
      %cond3A_307 = arith.cmpi ne, %convert_element_type3A, %cond3A : i32
      scf.if %cond3A_307 {
        %add3A_340 = arith.constant 1 : i32
        %add3A_341 = arith.addi %add3A_254, %add3A_340 : i32
        %mul3A_342 = arith.constant 64 : i32
        %mul3A_343 = arith.muli %add3A_341, %mul3A_342 : i32
        %dma_start3A_344 = tpu.memref_slice %arg10[%mul3A_343] : memref<512xi32, #tpu.memory_space<vmem>> -> memref<64xi32, #tpu.memory_space<vmem>>
        %dma_start3A_345 = arith.constant 0 : i32
        %dma_start3A_346 = arith.constant 0 : i32
        %dma_start3A_347 = tpu.memref_slice %arg7[%dma_start3A_345, %dma_start3A_346] : memref<1000000x128xf32, #tpu.memory_space<hbm>> -> memref<1000000x128xf32, #tpu.memory_space<hbm>>
        tpu.enqueue_indirect_dma source(%dma_start3A_347 : memref<1000000x128xf32, #tpu.memory_space<hbm>>) target(%arg15 : memref<64x128xf32, #tpu.memory_space<vmem>>) offsets(%dma_start3A_344 : memref<64xi32, #tpu.memory_space<vmem>>) semaphore(%arg26 : memref<!tpu.dma_semaphore, #tpu.memory_space<semaphore_mem>>)
        %dma_start3A_348 = tpu.memref_slice %arg11[%mul3A_343] : memref<512xi32, #tpu.memory_space<vmem>> -> memref<64xi32, #tpu.memory_space<vmem>>
        %dma_start3A_349 = arith.constant 0 : i32
        %dma_start3A_350 = arith.constant 0 : i32
        %dma_start3A_351 = tpu.memref_slice %arg7[%dma_start3A_349, %dma_start3A_350] : memref<1000000x128xf32, #tpu.memory_space<hbm>> -> memref<1000000x128xf32, #tpu.memory_space<hbm>>
        tpu.enqueue_indirect_dma source(%dma_start3A_351 : memref<1000000x128xf32, #tpu.memory_space<hbm>>) target(%arg16 : memref<64x128xf32, #tpu.memory_space<vmem>>) offsets(%dma_start3A_348 : memref<64xi32, #tpu.memory_space<vmem>>) semaphore(%arg26 : memref<!tpu.dma_semaphore, #tpu.memory_space<semaphore_mem>>)
        %dma_start3A_352 = tpu.memref_slice %arg12[%mul3A_343] : memref<512xi32, #tpu.memory_space<vmem>> -> memref<64xi32, #tpu.memory_space<vmem>>
        %dma_start3A_353 = arith.constant 0 : i32
        %dma_start3A_354 = arith.constant 0 : i32
        %dma_start3A_355 = tpu.memref_slice %arg7[%dma_start3A_353, %dma_start3A_354] : memref<1000000x128xf32, #tpu.memory_space<hbm>> -> memref<1000000x128xf32, #tpu.memory_space<hbm>>
        tpu.enqueue_indirect_dma source(%dma_start3A_355 : memref<1000000x128xf32, #tpu.memory_space<hbm>>) target(%arg17 : memref<64x128xf32, #tpu.memory_space<vmem>>) offsets(%dma_start3A_352 : memref<64xi32, #tpu.memory_space<vmem>>) semaphore(%arg26 : memref<!tpu.dma_semaphore, #tpu.memory_space<semaphore_mem>>)
        %dma_start3A_356 = tpu.memref_slice %arg13[%mul3A_343] : memref<512xi32, #tpu.memory_space<vmem>> -> memref<64xi32, #tpu.memory_space<vmem>>
        %dma_start3A_357 = arith.constant 0 : i32
        %dma_start3A_358 = arith.constant 0 : i32
        %dma_start3A_359 = tpu.memref_slice %arg7[%dma_start3A_357, %dma_start3A_358] : memref<1000000x128xf32, #tpu.memory_space<hbm>> -> memref<1000000x128xf32, #tpu.memory_space<hbm>>
        tpu.enqueue_indirect_dma source(%dma_start3A_359 : memref<1000000x128xf32, #tpu.memory_space<hbm>>) target(%arg18 : memref<64x128xf32, #tpu.memory_space<vmem>>) offsets(%dma_start3A_356 : memref<64xi32, #tpu.memory_space<vmem>>) semaphore(%arg26 : memref<!tpu.dma_semaphore, #tpu.memory_space<semaphore_mem>>)
      } else {
      }
      %dma_wait3A_308 = arith.constant 0 : i32
      %dma_wait3A_309 = arith.constant 0 : i32
      %dma_wait3A_310 = tpu.memref_slice %arg7[%dma_wait3A_308, %dma_wait3A_309] : memref<1000000x128xf32, #tpu.memory_space<hbm>> -> memref<64x128xf32, #tpu.memory_space<hbm>>
      %dma_wait3A_311 = arith.constant 0 : i32
      %dma_wait3A_312 = arith.constant 0 : i32
      %dma_wait3A_313 = tpu.memref_slice %arg7[%dma_wait3A_311, %dma_wait3A_312] : memref<1000000x128xf32, #tpu.memory_space<hbm>> -> memref<64x128xf32, #tpu.memory_space<hbm>>
      tpu.wait_dma2 semaphore(%arg27 : memref<!tpu.dma_semaphore, #tpu.memory_space<semaphore_mem>>) src(%dma_wait3A_313 : memref<64x128xf32, #tpu.memory_space<hbm>>) dst(%arg19 : memref<64x128xf32, #tpu.memory_space<vmem>>)
      %dma_wait3A_314 = arith.constant 0 : i32
      %dma_wait3A_315 = arith.constant 0 : i32
      %dma_wait3A_316 = tpu.memref_slice %arg7[%dma_wait3A_314, %dma_wait3A_315] : memref<1000000x128xf32, #tpu.memory_space<hbm>> -> memref<64x128xf32, #tpu.memory_space<hbm>>
      %dma_wait3A_317 = arith.constant 0 : i32
      %dma_wait3A_318 = arith.constant 0 : i32
      %dma_wait3A_319 = tpu.memref_slice %arg7[%dma_wait3A_317, %dma_wait3A_318] : memref<1000000x128xf32, #tpu.memory_space<hbm>> -> memref<64x128xf32, #tpu.memory_space<hbm>>
      tpu.wait_dma2 semaphore(%arg27 : memref<!tpu.dma_semaphore, #tpu.memory_space<semaphore_mem>>) src(%dma_wait3A_319 : memref<64x128xf32, #tpu.memory_space<hbm>>) dst(%arg20 : memref<64x128xf32, #tpu.memory_space<vmem>>)
      %dma_wait3A_320 = arith.constant 0 : i32
      %dma_wait3A_321 = arith.constant 0 : i32
      %dma_wait3A_322 = tpu.memref_slice %arg7[%dma_wait3A_320, %dma_wait3A_321] : memref<1000000x128xf32, #tpu.memory_space<hbm>> -> memref<64x128xf32, #tpu.memory_space<hbm>>
      %dma_wait3A_323 = arith.constant 0 : i32
      %dma_wait3A_324 = arith.constant 0 : i32
      %dma_wait3A_325 = tpu.memref_slice %arg7[%dma_wait3A_323, %dma_wait3A_324] : memref<1000000x128xf32, #tpu.memory_space<hbm>> -> memref<64x128xf32, #tpu.memory_space<hbm>>
      tpu.wait_dma2 semaphore(%arg27 : memref<!tpu.dma_semaphore, #tpu.memory_space<semaphore_mem>>) src(%dma_wait3A_325 : memref<64x128xf32, #tpu.memory_space<hbm>>) dst(%arg21 : memref<64x128xf32, #tpu.memory_space<vmem>>)
      %dma_wait3A_326 = arith.constant 0 : i32
      %dma_wait3A_327 = arith.constant 0 : i32
      %dma_wait3A_328 = tpu.memref_slice %arg7[%dma_wait3A_326, %dma_wait3A_327] : memref<1000000x128xf32, #tpu.memory_space<hbm>> -> memref<64x128xf32, #tpu.memory_space<hbm>>
      %dma_wait3A_329 = arith.constant 0 : i32
      %dma_wait3A_330 = arith.constant 0 : i32
      %dma_wait3A_331 = tpu.memref_slice %arg7[%dma_wait3A_329, %dma_wait3A_330] : memref<1000000x128xf32, #tpu.memory_space<hbm>> -> memref<64x128xf32, #tpu.memory_space<hbm>>
      tpu.wait_dma2 semaphore(%arg27 : memref<!tpu.dma_semaphore, #tpu.memory_space<semaphore_mem>>) src(%dma_wait3A_331 : memref<64x128xf32, #tpu.memory_space<hbm>>) dst(%arg22 : memref<64x128xf32, #tpu.memory_space<vmem>>)
      %mul3A_332 = arith.constant 64 : i32
      %mul3A_333 = arith.muli %add3A_254, %mul3A_332 : i32
      %scan3A_334 = arith.constant 0 : i32
      %scan3A_335 = arith.constant 4 : i32
      %scan3A_336 = arith.addi %scan3A_334, %scan3A_335 : i32
      %scan3A_337 = arith.constant 1 : i32
      %scan3A_338 = scf.for %scan3A_340 = %scan3A_334 to %scan3A_336 step %scan3A_337 iter_args(%scan3A_341 = %scan3A_302) -> (vector<16xf32>)  : i32 {
        %mul3A_342 = arith.constant 16 : i32
        %mul3A_343 = arith.muli %scan3A_340, %mul3A_342 : i32
        %add3A_344 = vector.broadcast %mul3A_343 : i32 to vector<16xi32>
        %add3A_345 = arith.addi %add3A_344, %iota3A : vector<16xi32>
        %mul3A_346 = arith.constant 16 : i32
        %mul3A_347 = arith.muli %scan3A_340, %mul3A_346 : i32
        %add3A_348 = arith.addi %mul3A_333, %mul3A_347 : i32
        %get3A = arith.index_cast %add3A_348 : i32 to index
        %get3A_349 = tpu.vector_load %arg14[%get3A] {strides = array<i32>} : memref<512xi32, #tpu.memory_space<vmem>>, vector<16xi32>,
        %broadcast_in_dim3A_350 = arith.constant 32 : i32
        %broadcast_in_dim3A_351 = vector.broadcast %broadcast_in_dim3A_350 : i32 to vector<16xi32>
        %gather3A = tpu.vector_load_idx %arg19[%add3A_345, %broadcast_in_dim3A_351] : memref<64x128xf32, #tpu.memory_space<vmem>>[vector<16xi32>, vector<16xi32>], vector<16xf32>,
        %gather3A_352 = tpu.vector_load_idx %arg20[%add3A_345, %broadcast_in_dim3A_351] : memref<64x128xf32, #tpu.memory_space<vmem>>[vector<16xi32>, vector<16xi32>], vector<16xf32>,
        %gather3A_353 = tpu.vector_load_idx %arg21[%add3A_345, %broadcast_in_dim3A_351] : memref<64x128xf32, #tpu.memory_space<vmem>>[vector<16xi32>, vector<16xi32>], vector<16xf32>,
        %gather3A_354 = tpu.vector_load_idx %arg22[%add3A_345, %broadcast_in_dim3A_351] : memref<64x128xf32, #tpu.memory_space<vmem>>[vector<16xi32>, vector<16xi32>], vector<16xf32>,
        %scan3A_355 = arith.constant 0 : i32
        %scan3A_356 = arith.constant 32 : i32
        %scan3A_357 = arith.addi %scan3A_355, %scan3A_356 : i32
        %scan3A_358 = arith.constant 8 : i32
        %scan3A_359:6 = scf.for %scan3A_680 = %scan3A_355 to %scan3A_357 step %scan3A_358 iter_args(%scan3A_681 = %broadcast_in_dim3A_218, %scan3A_682 = %broadcast_in_dim3A_218, %scan3A_683 = %broadcast_in_dim3A_218, %scan3A_684 = %broadcast_in_dim3A_218, %scan3A_685 = %broadcast_in_dim3A_218, %scan3A_686 = %broadcast_in_dim3A_218) -> (vector<16xf32>, vector<16xf32>, vector<16xf32>, vector<16xf32>, vector<16xf32>, vector<16xf32>)  : i32 {
          %broadcast_in_dim3A_687 = vector.broadcast %scan3A_680 : i32 to vector<16xi32>
          %gather3A_688 = tpu.vector_load_idx %arg19[%add3A_345, %broadcast_in_dim3A_687] : memref<64x128xf32, #tpu.memory_space<vmem>>[vector<16xi32>, vector<16xi32>], vector<16xf32>,
          %gather3A_689 = tpu.vector_load_idx %arg20[%add3A_345, %broadcast_in_dim3A_687] : memref<64x128xf32, #tpu.memory_space<vmem>>[vector<16xi32>, vector<16xi32>], vector<16xf32>,
          %gather3A_690 = tpu.vector_load_idx %arg21[%add3A_345, %broadcast_in_dim3A_687] : memref<64x128xf32, #tpu.memory_space<vmem>>[vector<16xi32>, vector<16xi32>], vector<16xf32>,
          %gather3A_691 = tpu.vector_load_idx %arg22[%add3A_345, %broadcast_in_dim3A_687] : memref<64x128xf32, #tpu.memory_space<vmem>>[vector<16xi32>, vector<16xi32>], vector<16xf32>,
          %gather3A_692 = tpu.vector_load_idx %arg23[%get3A_349, %broadcast_in_dim3A_687] : memref<18x32xf32, #tpu.memory_space<vmem>>[vector<16xi32>, vector<16xi32>], vector<16xf32>,
          %sub3A_693 = arith.subf %gather3A_688, %gather3A_689 : vector<16xf32>
          %sub3A_694 = arith.subf %gather3A_690, %gather3A_689 : vector<16xf32>
          %sub3A_695 = arith.subf %gather3A_688, %gather3A_691 : vector<16xf32>
          %add3A_696 = arith.addf %sub3A_693, %gather3A_692 : vector<16xf32>
          %add3A_697 = arith.addf %sub3A_694, %gather3A_692 : vector<16xf32>
          %add3A_698 = arith.addf %sub3A_695, %gather3A_692 : vector<16xf32>
          %mul3A_699 = arith.mulf %sub3A_693, %sub3A_693 : vector<16xf32>
          %add3A_700 = arith.addf %scan3A_681, %mul3A_699 : vector<16xf32>
          %mul3A_701 = arith.mulf %add3A_696, %add3A_696 : vector<16xf32>
          %add3A_702 = arith.addf %scan3A_682, %mul3A_701 : vector<16xf32>
          %mul3A_703 = arith.mulf %sub3A_694, %sub3A_694 : vector<16xf32>
          %add3A_704 = arith.addf %scan3A_683, %mul3A_703 : vector<16xf32>
          %mul3A_705 = arith.mulf %add3A_697, %add3A_697 : vector<16xf32>
          %add3A_706 = arith.addf %scan3A_684, %mul3A_705 : vector<16xf32>
          %mul3A_707 = arith.mulf %sub3A_695, %sub3A_695 : vector<16xf32>
          %add3A_708 = arith.addf %scan3A_685, %mul3A_707 : vector<16xf32>
          %mul3A_709 = arith.mulf %add3A_698, %add3A_698 : vector<16xf32>
          %add3A_710 = arith.addf %scan3A_686, %mul3A_709 : vector<16xf32>
          %scan3A_711 = arith.constant 1 : i32
          %scan3A_712 = arith.addi %scan3A_680, %scan3A_711 : i32
          %broadcast_in_dim3A_713 = vector.broadcast %scan3A_712 : i32 to vector<16xi32>
          %gather3A_714 = tpu.vector_load_idx %arg19[%add3A_345, %broadcast_in_dim3A_713] : memref<64x128xf32, #tpu.memory_space<vmem>>[vector<16xi32>, vector<16xi32>], vector<16xf32>,
          %gather3A_715 = tpu.vector_load_idx %arg20[%add3A_345, %broadcast_in_dim3A_713] : memref<64x128xf32, #tpu.memory_space<vmem>>[vector<16xi32>, vector<16xi32>], vector<16xf32>,
          %gather3A_716 = tpu.vector_load_idx %arg21[%add3A_345, %broadcast_in_dim3A_713] : memref<64x128xf32, #tpu.memory_space<vmem>>[vector<16xi32>, vector<16xi32>], vector<16xf32>,
          %gather3A_717 = tpu.vector_load_idx %arg22[%add3A_345, %broadcast_in_dim3A_713] : memref<64x128xf32, #tpu.memory_space<vmem>>[vector<16xi32>, vector<16xi32>], vector<16xf32>,
          %gather3A_718 = tpu.vector_load_idx %arg23[%get3A_349, %broadcast_in_dim3A_713] : memref<18x32xf32, #tpu.memory_space<vmem>>[vector<16xi32>, vector<16xi32>], vector<16xf32>,
          %sub3A_719 = arith.subf %gather3A_714, %gather3A_715 : vector<16xf32>
          %sub3A_720 = arith.subf %gather3A_716, %gather3A_715 : vector<16xf32>
          %sub3A_721 = arith.subf %gather3A_714, %gather3A_717 : vector<16xf32>
          %add3A_722 = arith.addf %sub3A_719, %gather3A_718 : vector<16xf32>
          %add3A_723 = arith.addf %sub3A_720, %gather3A_718 : vector<16xf32>
          %add3A_724 = arith.addf %sub3A_721, %gather3A_718 : vector<16xf32>
          %mul3A_725 = arith.mulf %sub3A_719, %sub3A_719 : vector<16xf32>
          %add3A_726 = arith.addf %add3A_700, %mul3A_725 : vector<16xf32>
          %mul3A_727 = arith.mulf %add3A_722, %add3A_722 : vector<16xf32>
          %add3A_728 = arith.addf %add3A_702, %mul3A_727 : vector<16xf32>
          %mul3A_729 = arith.mulf %sub3A_720, %sub3A_720 : vector<16xf32>
          %add3A_730 = arith.addf %add3A_704, %mul3A_729 : vector<16xf32>
          %mul3A_731 = arith.mulf %add3A_723, %add3A_723 : vector<16xf32>
          %add3A_732 = arith.addf %add3A_706, %mul3A_731 : vector<16xf32>
          %mul3A_733 = arith.mulf %sub3A_721, %sub3A_721 : vector<16xf32>
          %add3A_734 = arith.addf %add3A_708, %mul3A_733 : vector<16xf32>
          %mul3A_735 = arith.mulf %add3A_724, %add3A_724 : vector<16xf32>
          %add3A_736 = arith.addf %add3A_710, %mul3A_735 : vector<16xf32>
          %scan3A_737 = arith.constant 2 : i32
          %scan3A_738 = arith.addi %scan3A_680, %scan3A_737 : i32
          %broadcast_in_dim3A_739 = vector.broadcast %scan3A_738 : i32 to vector<16xi32>
          %gather3A_740 = tpu.vector_load_idx %arg19[%add3A_345, %broadcast_in_dim3A_739] : memref<64x128xf32, #tpu.memory_space<vmem>>[vector<16xi32>, vector<16xi32>], vector<16xf32>,
          %gather3A_741 = tpu.vector_load_idx %arg20[%add3A_345, %broadcast_in_dim3A_739] : memref<64x128xf32, #tpu.memory_space<vmem>>[vector<16xi32>, vector<16xi32>], vector<16xf32>,
          %gather3A_742 = tpu.vector_load_idx %arg21[%add3A_345, %broadcast_in_dim3A_739] : memref<64x128xf32, #tpu.memory_space<vmem>>[vector<16xi32>, vector<16xi32>], vector<16xf32>,
          %gather3A_743 = tpu.vector_load_idx %arg22[%add3A_345, %broadcast_in_dim3A_739] : memref<64x128xf32, #tpu.memory_space<vmem>>[vector<16xi32>, vector<16xi32>], vector<16xf32>,
          %gather3A_744 = tpu.vector_load_idx %arg23[%get3A_349, %broadcast_in_dim3A_739] : memref<18x32xf32, #tpu.memory_space<vmem>>[vector<16xi32>, vector<16xi32>], vector<16xf32>,
          %sub3A_745 = arith.subf %gather3A_740, %gather3A_741 : vector<16xf32>
          %sub3A_746 = arith.subf %gather3A_742, %gather3A_741 : vector<16xf32>
          %sub3A_747 = arith.subf %gather3A_740, %gather3A_743 : vector<16xf32>
          %add3A_748 = arith.addf %sub3A_745, %gather3A_744 : vector<16xf32>
          %add3A_749 = arith.addf %sub3A_746, %gather3A_744 : vector<16xf32>
          %add3A_750 = arith.addf %sub3A_747, %gather3A_744 : vector<16xf32>
          %mul3A_751 = arith.mulf %sub3A_745, %sub3A_745 : vector<16xf32>
          %add3A_752 = arith.addf %add3A_726, %mul3A_751 : vector<16xf32>
          %mul3A_753 = arith.mulf %add3A_748, %add3A_748 : vector<16xf32>
          %add3A_754 = arith.addf %add3A_728, %mul3A_753 : vector<16xf32>
          %mul3A_755 = arith.mulf %sub3A_746, %sub3A_746 : vector<16xf32>
          %add3A_756 = arith.addf %add3A_730, %mul3A_755 : vector<16xf32>
          %mul3A_757 = arith.mulf %add3A_749, %add3A_749 : vector<16xf32>
          %add3A_758 = arith.addf %add3A_732, %mul3A_757 : vector<16xf32>
          %mul3A_759 = arith.mulf %sub3A_747, %sub3A_747 : vector<16xf32>
          %add3A_760 = arith.addf %add3A_734, %mul3A_759 : vector<16xf32>
          %mul3A_761 = arith.mulf %add3A_750, %add3A_750 : vector<16xf32>
          %add3A_762 = arith.addf %add3A_736, %mul3A_761 : vector<16xf32>
          %scan3A_763 = arith.constant 3 : i32
          %scan3A_764 = arith.addi %scan3A_680, %scan3A_763 : i32
          %broadcast_in_dim3A_765 = vector.broadcast %scan3A_764 : i32 to vector<16xi32>
          %gather3A_766 = tpu.vector_load_idx %arg19[%add3A_345, %broadcast_in_dim3A_765] : memref<64x128xf32, #tpu.memory_space<vmem>>[vector<16xi32>, vector<16xi32>], vector<16xf32>,
          %gather3A_767 = tpu.vector_load_idx %arg20[%add3A_345, %broadcast_in_dim3A_765] : memref<64x128xf32, #tpu.memory_space<vmem>>[vector<16xi32>, vector<16xi32>], vector<16xf32>,
          %gather3A_768 = tpu.vector_load_idx %arg21[%add3A_345, %broadcast_in_dim3A_765] : memref<64x128xf32, #tpu.memory_space<vmem>>[vector<16xi32>, vector<16xi32>], vector<16xf32>,
          %gather3A_769 = tpu.vector_load_idx %arg22[%add3A_345, %broadcast_in_dim3A_765] : memref<64x128xf32, #tpu.memory_space<vmem>>[vector<16xi32>, vector<16xi32>], vector<16xf32>,
          %gather3A_770 = tpu.vector_load_idx %arg23[%get3A_349, %broadcast_in_dim3A_765] : memref<18x32xf32, #tpu.memory_space<vmem>>[vector<16xi32>, vector<16xi32>], vector<16xf32>,
          %sub3A_771 = arith.subf %gather3A_766, %gather3A_767 : vector<16xf32>
          %sub3A_772 = arith.subf %gather3A_768, %gather3A_767 : vector<16xf32>
          %sub3A_773 = arith.subf %gather3A_766, %gather3A_769 : vector<16xf32>
          %add3A_774 = arith.addf %sub3A_771, %gather3A_770 : vector<16xf32>
          %add3A_775 = arith.addf %sub3A_772, %gather3A_770 : vector<16xf32>
          %add3A_776 = arith.addf %sub3A_773, %gather3A_770 : vector<16xf32>
          %mul3A_777 = arith.mulf %sub3A_771, %sub3A_771 : vector<16xf32>
          %add3A_778 = arith.addf %add3A_752, %mul3A_777 : vector<16xf32>
          %mul3A_779 = arith.mulf %add3A_774, %add3A_774 : vector<16xf32>
          %add3A_780 = arith.addf %add3A_754, %mul3A_779 : vector<16xf32>
          %mul3A_781 = arith.mulf %sub3A_772, %sub3A_772 : vector<16xf32>
          %add3A_782 = arith.addf %add3A_756, %mul3A_781 : vector<16xf32>
          %mul3A_783 = arith.mulf %add3A_775, %add3A_775 : vector<16xf32>
          %add3A_784 = arith.addf %add3A_758, %mul3A_783 : vector<16xf32>
          %mul3A_785 = arith.mulf %sub3A_773, %sub3A_773 : vector<16xf32>
          %add3A_786 = arith.addf %add3A_760, %mul3A_785 : vector<16xf32>
          %mul3A_787 = arith.mulf %add3A_776, %add3A_776 : vector<16xf32>
          %add3A_788 = arith.addf %add3A_762, %mul3A_787 : vector<16xf32>
          %scan3A_789 = arith.constant 4 : i32
          %scan3A_790 = arith.addi %scan3A_680, %scan3A_789 : i32
          %broadcast_in_dim3A_791 = vector.broadcast %scan3A_790 : i32 to vector<16xi32>
          %gather3A_792 = tpu.vector_load_idx %arg19[%add3A_345, %broadcast_in_dim3A_791] : memref<64x128xf32, #tpu.memory_space<vmem>>[vector<16xi32>, vector<16xi32>], vector<16xf32>,
          %gather3A_793 = tpu.vector_load_idx %arg20[%add3A_345, %broadcast_in_dim3A_791] : memref<64x128xf32, #tpu.memory_space<vmem>>[vector<16xi32>, vector<16xi32>], vector<16xf32>,
          %gather3A_794 = tpu.vector_load_idx %arg21[%add3A_345, %broadcast_in_dim3A_791] : memref<64x128xf32, #tpu.memory_space<vmem>>[vector<16xi32>, vector<16xi32>], vector<16xf32>,
          %gather3A_795 = tpu.vector_load_idx %arg22[%add3A_345, %broadcast_in_dim3A_791] : memref<64x128xf32, #tpu.memory_space<vmem>>[vector<16xi32>, vector<16xi32>], vector<16xf32>,
          %gather3A_796 = tpu.vector_load_idx %arg23[%get3A_349, %broadcast_in_dim3A_791] : memref<18x32xf32, #tpu.memory_space<vmem>>[vector<16xi32>, vector<16xi32>], vector<16xf32>,
          %sub3A_797 = arith.subf %gather3A_792, %gather3A_793 : vector<16xf32>
          %sub3A_798 = arith.subf %gather3A_794, %gather3A_793 : vector<16xf32>
          %sub3A_799 = arith.subf %gather3A_792, %gather3A_795 : vector<16xf32>
          %add3A_800 = arith.addf %sub3A_797, %gather3A_796 : vector<16xf32>
          %add3A_801 = arith.addf %sub3A_798, %gather3A_796 : vector<16xf32>
          %add3A_802 = arith.addf %sub3A_799, %gather3A_796 : vector<16xf32>
          %mul3A_803 = arith.mulf %sub3A_797, %sub3A_797 : vector<16xf32>
          %add3A_804 = arith.addf %add3A_778, %mul3A_803 : vector<16xf32>
          %mul3A_805 = arith.mulf %add3A_800, %add3A_800 : vector<16xf32>
          %add3A_806 = arith.addf %add3A_780, %mul3A_805 : vector<16xf32>
          %mul3A_807 = arith.mulf %sub3A_798, %sub3A_798 : vector<16xf32>
          %add3A_808 = arith.addf %add3A_782, %mul3A_807 : vector<16xf32>
          %mul3A_809 = arith.mulf %add3A_801, %add3A_801 : vector<16xf32>
          %add3A_810 = arith.addf %add3A_784, %mul3A_809 : vector<16xf32>
          %mul3A_811 = arith.mulf %sub3A_799, %sub3A_799 : vector<16xf32>
          %add3A_812 = arith.addf %add3A_786, %mul3A_811 : vector<16xf32>
          %mul3A_813 = arith.mulf %add3A_802, %add3A_802 : vector<16xf32>
          %add3A_814 = arith.addf %add3A_788, %mul3A_813 : vector<16xf32>
          %scan3A_815 = arith.constant 5 : i32
          %scan3A_816 = arith.addi %scan3A_680, %scan3A_815 : i32
          %broadcast_in_dim3A_817 = vector.broadcast %scan3A_816 : i32 to vector<16xi32>
          %gather3A_818 = tpu.vector_load_idx %arg19[%add3A_345, %broadcast_in_dim3A_817] : memref<64x128xf32, #tpu.memory_space<vmem>>[vector<16xi32>, vector<16xi32>], vector<16xf32>,
          %gather3A_819 = tpu.vector_load_idx %arg20[%add3A_345, %broadcast_in_dim3A_817] : memref<64x128xf32, #tpu.memory_space<vmem>>[vector<16xi32>, vector<16xi32>], vector<16xf32>,
          %gather3A_820 = tpu.vector_load_idx %arg21[%add3A_345, %broadcast_in_dim3A_817] : memref<64x128xf32, #tpu.memory_space<vmem>>[vector<16xi32>, vector<16xi32>], vector<16xf32>,
          %gather3A_821 = tpu.vector_load_idx %arg22[%add3A_345, %broadcast_in_dim3A_817] : memref<64x128xf32, #tpu.memory_space<vmem>>[vector<16xi32>, vector<16xi32>], vector<16xf32>,
          %gather3A_822 = tpu.vector_load_idx %arg23[%get3A_349, %broadcast_in_dim3A_817] : memref<18x32xf32, #tpu.memory_space<vmem>>[vector<16xi32>, vector<16xi32>], vector<16xf32>,
          %sub3A_823 = arith.subf %gather3A_818, %gather3A_819 : vector<16xf32>
          %sub3A_824 = arith.subf %gather3A_820, %gather3A_819 : vector<16xf32>
          %sub3A_825 = arith.subf %gather3A_818, %gather3A_821 : vector<16xf32>
          %add3A_826 = arith.addf %sub3A_823, %gather3A_822 : vector<16xf32>
          %add3A_827 = arith.addf %sub3A_824, %gather3A_822 : vector<16xf32>
          %add3A_828 = arith.addf %sub3A_825, %gather3A_822 : vector<16xf32>
          %mul3A_829 = arith.mulf %sub3A_823, %sub3A_823 : vector<16xf32>
          %add3A_830 = arith.addf %add3A_804, %mul3A_829 : vector<16xf32>
          %mul3A_831 = arith.mulf %add3A_826, %add3A_826 : vector<16xf32>
          %add3A_832 = arith.addf %add3A_806, %mul3A_831 : vector<16xf32>
          %mul3A_833 = arith.mulf %sub3A_824, %sub3A_824 : vector<16xf32>
          %add3A_834 = arith.addf %add3A_808, %mul3A_833 : vector<16xf32>
          %mul3A_835 = arith.mulf %add3A_827, %add3A_827 : vector<16xf32>
          %add3A_836 = arith.addf %add3A_810, %mul3A_835 : vector<16xf32>
          %mul3A_837 = arith.mulf %sub3A_825, %sub3A_825 : vector<16xf32>
          %add3A_838 = arith.addf %add3A_812, %mul3A_837 : vector<16xf32>
          %mul3A_839 = arith.mulf %add3A_828, %add3A_828 : vector<16xf32>
          %add3A_840 = arith.addf %add3A_814, %mul3A_839 : vector<16xf32>
          %scan3A_841 = arith.constant 6 : i32
          %scan3A_842 = arith.addi %scan3A_680, %scan3A_841 : i32
          %broadcast_in_dim3A_843 = vector.broadcast %scan3A_842 : i32 to vector<16xi32>
          %gather3A_844 = tpu.vector_load_idx %arg19[%add3A_345, %broadcast_in_dim3A_843] : memref<64x128xf32, #tpu.memory_space<vmem>>[vector<16xi32>, vector<16xi32>], vector<16xf32>,
          %gather3A_845 = tpu.vector_load_idx %arg20[%add3A_345, %broadcast_in_dim3A_843] : memref<64x128xf32, #tpu.memory_space<vmem>>[vector<16xi32>, vector<16xi32>], vector<16xf32>,
          %gather3A_846 = tpu.vector_load_idx %arg21[%add3A_345, %broadcast_in_dim3A_843] : memref<64x128xf32, #tpu.memory_space<vmem>>[vector<16xi32>, vector<16xi32>], vector<16xf32>,
          %gather3A_847 = tpu.vector_load_idx %arg22[%add3A_345, %broadcast_in_dim3A_843] : memref<64x128xf32, #tpu.memory_space<vmem>>[vector<16xi32>, vector<16xi32>], vector<16xf32>,
          %gather3A_848 = tpu.vector_load_idx %arg23[%get3A_349, %broadcast_in_dim3A_843] : memref<18x32xf32, #tpu.memory_space<vmem>>[vector<16xi32>, vector<16xi32>], vector<16xf32>,
          %sub3A_849 = arith.subf %gather3A_844, %gather3A_845 : vector<16xf32>
          %sub3A_850 = arith.subf %gather3A_846, %gather3A_845 : vector<16xf32>
          %sub3A_851 = arith.subf %gather3A_844, %gather3A_847 : vector<16xf32>
          %add3A_852 = arith.addf %sub3A_849, %gather3A_848 : vector<16xf32>
          %add3A_853 = arith.addf %sub3A_850, %gather3A_848 : vector<16xf32>
          %add3A_854 = arith.addf %sub3A_851, %gather3A_848 : vector<16xf32>
          %mul3A_855 = arith.mulf %sub3A_849, %sub3A_849 : vector<16xf32>
          %add3A_856 = arith.addf %add3A_830, %mul3A_855 : vector<16xf32>
          %mul3A_857 = arith.mulf %add3A_852, %add3A_852 : vector<16xf32>
          %add3A_858 = arith.addf %add3A_832, %mul3A_857 : vector<16xf32>
          %mul3A_859 = arith.mulf %sub3A_850, %sub3A_850 : vector<16xf32>
          %add3A_860 = arith.addf %add3A_834, %mul3A_859 : vector<16xf32>
          %mul3A_861 = arith.mulf %add3A_853, %add3A_853 : vector<16xf32>
          %add3A_862 = arith.addf %add3A_836, %mul3A_861 : vector<16xf32>
          %mul3A_863 = arith.mulf %sub3A_851, %sub3A_851 : vector<16xf32>
          %add3A_864 = arith.addf %add3A_838, %mul3A_863 : vector<16xf32>
          %mul3A_865 = arith.mulf %add3A_854, %add3A_854 : vector<16xf32>
          %add3A_866 = arith.addf %add3A_840, %mul3A_865 : vector<16xf32>
          %scan3A_867 = arith.constant 7 : i32
          %scan3A_868 = arith.addi %scan3A_680, %scan3A_867 : i32
          %broadcast_in_dim3A_869 = vector.broadcast %scan3A_868 : i32 to vector<16xi32>
          %gather3A_870 = tpu.vector_load_idx %arg19[%add3A_345, %broadcast_in_dim3A_869] : memref<64x128xf32, #tpu.memory_space<vmem>>[vector<16xi32>, vector<16xi32>], vector<16xf32>,
          %gather3A_871 = tpu.vector_load_idx %arg20[%add3A_345, %broadcast_in_dim3A_869] : memref<64x128xf32, #tpu.memory_space<vmem>>[vector<16xi32>, vector<16xi32>], vector<16xf32>,
          %gather3A_872 = tpu.vector_load_idx %arg21[%add3A_345, %broadcast_in_dim3A_869] : memref<64x128xf32, #tpu.memory_space<vmem>>[vector<16xi32>, vector<16xi32>], vector<16xf32>,
          %gather3A_873 = tpu.vector_load_idx %arg22[%add3A_345, %broadcast_in_dim3A_869] : memref<64x128xf32, #tpu.memory_space<vmem>>[vector<16xi32>, vector<16xi32>], vector<16xf32>,
          %gather3A_874 = tpu.vector_load_idx %arg23[%get3A_349, %broadcast_in_dim3A_869] : memref<18x32xf32, #tpu.memory_space<vmem>>[vector<16xi32>, vector<16xi32>], vector<16xf32>,
          %sub3A_875 = arith.subf %gather3A_870, %gather3A_871 : vector<16xf32>
          %sub3A_876 = arith.subf %gather3A_872, %gather3A_871 : vector<16xf32>
          %sub3A_877 = arith.subf %gather3A_870, %gather3A_873 : vector<16xf32>
          %add3A_878 = arith.addf %sub3A_875, %gather3A_874 : vector<16xf32>
          %add3A_879 = arith.addf %sub3A_876, %gather3A_874 : vector<16xf32>
          %add3A_880 = arith.addf %sub3A_877, %gather3A_874 : vector<16xf32>
          %mul3A_881 = arith.mulf %sub3A_875, %sub3A_875 : vector<16xf32>
          %add3A_882 = arith.addf %add3A_856, %mul3A_881 : vector<16xf32>
          %mul3A_883 = arith.mulf %add3A_878, %add3A_878 : vector<16xf32>
          %add3A_884 = arith.addf %add3A_858, %mul3A_883 : vector<16xf32>
          %mul3A_885 = arith.mulf %sub3A_876, %sub3A_876 : vector<16xf32>
          %add3A_886 = arith.addf %add3A_860, %mul3A_885 : vector<16xf32>
          %mul3A_887 = arith.mulf %add3A_879, %add3A_879 : vector<16xf32>
          %add3A_888 = arith.addf %add3A_862, %mul3A_887 : vector<16xf32>
          %mul3A_889 = arith.mulf %sub3A_877, %sub3A_877 : vector<16xf32>
          %add3A_890 = arith.addf %add3A_864, %mul3A_889 : vector<16xf32>
          %mul3A_891 = arith.mulf %add3A_880, %add3A_880 : vector<16xf32>
          %add3A_892 = arith.addf %add3A_866, %mul3A_891 : vector<16xf32>
          scf.yield %add3A_882, %add3A_884, %add3A_886, %add3A_888, %add3A_890, %add3A_892 : vector<16xf32>, vector<16xf32>, vector<16xf32>, vector<16xf32>, vector<16xf32>, vector<16xf32>
        }
        %scan3A_360 = arith.constant 32 : i32
        %eq3A = arith.constant 4 : i32
        %eq3A_361 = vector.broadcast %eq3A : i32 to vector<16xi32>
        %eq3A_362 = arith.cmpi eq, %get3A_349, %eq3A_361 : vector<16xi32>
        %eq3A_363 = arith.constant 6 : i32
        %eq3A_364 = vector.broadcast %eq3A_363 : i32 to vector<16xi32>
        %eq3A_365 = arith.cmpi eq, %get3A_349, %eq3A_364 : vector<16xi32>
        %or3A = arith.ori %eq3A_362, %eq3A_365 : vector<16xi1>
        %eq3A_366 = arith.constant 3 : i32
        %eq3A_367 = vector.broadcast %eq3A_366 : i32 to vector<16xi32>
        %eq3A_368 = arith.cmpi eq, %get3A_349, %eq3A_367 : vector<16xi32>
        %eq3A_369 = arith.constant 5 : i32
        %eq3A_370 = vector.broadcast %eq3A_369 : i32 to vector<16xi32>
        %eq3A_371 = arith.cmpi eq, %get3A_349, %eq3A_370 : vector<16xi32>
        %or3A_372 = arith.ori %eq3A_368, %eq3A_371 : vector<16xi1>
        %eq3A_373 = arith.constant 0 : i32
        %eq3A_374 = vector.broadcast %eq3A_373 : i32 to vector<16xi32>
        %eq3A_375 = arith.cmpi eq, %get3A_349, %eq3A_374 : vector<16xi32>
        %eq3A_376 = arith.constant 1 : i32
        %eq3A_377 = vector.broadcast %eq3A_376 : i32 to vector<16xi32>
        %eq3A_378 = arith.cmpi eq, %get3A_349, %eq3A_377 : vector<16xi32>
        %or3A_379 = arith.ori %eq3A_375, %eq3A_378 : vector<16xi1>
        %eq3A_380 = arith.constant 13 : i32
        %eq3A_381 = vector.broadcast %eq3A_380 : i32 to vector<16xi32>
        %eq3A_382 = arith.cmpi eq, %get3A_349, %eq3A_381 : vector<16xi32>
        %or3A_383 = arith.ori %or3A_379, %eq3A_382 : vector<16xi1>
        %eq3A_384 = arith.constant 17 : i32
        %eq3A_385 = vector.broadcast %eq3A_384 : i32 to vector<16xi32>
        %eq3A_386 = arith.cmpi eq, %get3A_349, %eq3A_385 : vector<16xi32>
        %or3A_387 = arith.ori %or3A_383, %eq3A_386 : vector<16xi1>
        %max3A = arith.constant 1.000000e-24 : f32
        %max3A_388 = vector.broadcast %max3A : f32 to vector<16xf32>
        %max3A_389 = arith.maximumf %scan3A_359#0, %max3A_388 : vector<16xf32>
        %bitcast_convert_type3A = tpu.bitcast %max3A_389 : vector<16xf32> -> vector<16xi32>
        %shift_right_logical3A = arith.constant 1 : i32
        %shift_right_logical3A_390 = vector.broadcast %shift_right_logical3A : i32 to vector<16xi32>
        %shift_right_logical3A_391 = arith.shrui %bitcast_convert_type3A, %shift_right_logical3A_390 : vector<16xi32>
        %sub3A = arith.constant 1597463007 : i32
        %sub3A_392 = vector.broadcast %sub3A : i32 to vector<16xi32>
        %sub3A_393 = arith.subi %sub3A_392, %shift_right_logical3A_391 : vector<16xi32>
        %bitcast_convert_type3A_394 = tpu.bitcast %sub3A_393 : vector<16xi32> -> vector<16xf32>
        %mul3A_395 = arith.constant 5.000000e-01 : f32
        %mul3A_396 = vector.broadcast %mul3A_395 : f32 to vector<16xf32>
        %mul3A_397 = arith.mulf %mul3A_396, %max3A_389 : vector<16xf32>
        %mul3A_398 = arith.mulf %mul3A_397, %bitcast_convert_type3A_394 : vector<16xf32>
        %mul3A_399 = arith.mulf %mul3A_398, %bitcast_convert_type3A_394 : vector<16xf32>
        %sub3A_400 = arith.constant 1.500000e+00 : f32
        %sub3A_401 = vector.broadcast %sub3A_400 : f32 to vector<16xf32>
        %sub3A_402 = arith.subf %sub3A_401, %mul3A_399 : vector<16xf32>
        %mul3A_403 = arith.mulf %bitcast_convert_type3A_394, %sub3A_402 : vector<16xf32>
        %mul3A_404 = arith.constant 5.000000e-01 : f32
        %mul3A_405 = vector.broadcast %mul3A_404 : f32 to vector<16xf32>
        %mul3A_406 = arith.mulf %mul3A_405, %max3A_389 : vector<16xf32>
        %mul3A_407 = arith.mulf %mul3A_406, %mul3A_403 : vector<16xf32>
        %mul3A_408 = arith.mulf %mul3A_407, %mul3A_403 : vector<16xf32>
        %sub3A_409 = arith.constant 1.500000e+00 : f32
        %sub3A_410 = vector.broadcast %sub3A_409 : f32 to vector<16xf32>
        %sub3A_411 = arith.subf %sub3A_410, %mul3A_408 : vector<16xf32>
        %mul3A_412 = arith.mulf %mul3A_403, %sub3A_411 : vector<16xf32>
        %mul3A_413 = arith.constant 5.000000e-01 : f32
        %mul3A_414 = vector.broadcast %mul3A_413 : f32 to vector<16xf32>
        %mul3A_415 = arith.mulf %mul3A_414, %max3A_389 : vector<16xf32>
        %mul3A_416 = arith.mulf %mul3A_415, %mul3A_412 : vector<16xf32>
        %mul3A_417 = arith.mulf %mul3A_416, %mul3A_412 : vector<16xf32>
        %sub3A_418 = arith.constant 1.500000e+00 : f32
        %sub3A_419 = vector.broadcast %sub3A_418 : f32 to vector<16xf32>
        %sub3A_420 = arith.subf %sub3A_419, %mul3A_417 : vector<16xf32>
        %mul3A_421 = arith.mulf %mul3A_412, %sub3A_420 : vector<16xf32>
        %mul3A_422 = arith.mulf %max3A_389, %mul3A_421 : vector<16xf32>
        %max3A_423 = arith.constant 1.000000e-24 : f32
        %max3A_424 = vector.broadcast %max3A_423 : f32 to vector<16xf32>
        %max3A_425 = arith.maximumf %scan3A_359#1, %max3A_424 : vector<16xf32>
        %bitcast_convert_type3A_426 = tpu.bitcast %max3A_425 : vector<16xf32> -> vector<16xi32>
        %shift_right_logical3A_427 = arith.constant 1 : i32
        %shift_right_logical3A_428 = vector.broadcast %shift_right_logical3A_427 : i32 to vector<16xi32>
        %shift_right_logical3A_429 = arith.shrui %bitcast_convert_type3A_426, %shift_right_logical3A_428 : vector<16xi32>
        %sub3A_430 = arith.constant 1597463007 : i32
        %sub3A_431 = vector.broadcast %sub3A_430 : i32 to vector<16xi32>
        %sub3A_432 = arith.subi %sub3A_431, %shift_right_logical3A_429 : vector<16xi32>
        %bitcast_convert_type3A_433 = tpu.bitcast %sub3A_432 : vector<16xi32> -> vector<16xf32>
        %mul3A_434 = arith.constant 5.000000e-01 : f32
        %mul3A_435 = vector.broadcast %mul3A_434 : f32 to vector<16xf32>
        %mul3A_436 = arith.mulf %mul3A_435, %max3A_425 : vector<16xf32>
        %mul3A_437 = arith.mulf %mul3A_436, %bitcast_convert_type3A_433 : vector<16xf32>
        %mul3A_438 = arith.mulf %mul3A_437, %bitcast_convert_type3A_433 : vector<16xf32>
        %sub3A_439 = arith.constant 1.500000e+00 : f32
        %sub3A_440 = vector.broadcast %sub3A_439 : f32 to vector<16xf32>
        %sub3A_441 = arith.subf %sub3A_440, %mul3A_438 : vector<16xf32>
        %mul3A_442 = arith.mulf %bitcast_convert_type3A_433, %sub3A_441 : vector<16xf32>
        %mul3A_443 = arith.constant 5.000000e-01 : f32
        %mul3A_444 = vector.broadcast %mul3A_443 : f32 to vector<16xf32>
        %mul3A_445 = arith.mulf %mul3A_444, %max3A_425 : vector<16xf32>
        %mul3A_446 = arith.mulf %mul3A_445, %mul3A_442 : vector<16xf32>
        %mul3A_447 = arith.mulf %mul3A_446, %mul3A_442 : vector<16xf32>
        %sub3A_448 = arith.constant 1.500000e+00 : f32
        %sub3A_449 = vector.broadcast %sub3A_448 : f32 to vector<16xf32>
        %sub3A_450 = arith.subf %sub3A_449, %mul3A_447 : vector<16xf32>
        %mul3A_451 = arith.mulf %mul3A_442, %sub3A_450 : vector<16xf32>
        %mul3A_452 = arith.constant 5.000000e-01 : f32
        %mul3A_453 = vector.broadcast %mul3A_452 : f32 to vector<16xf32>
        %mul3A_454 = arith.mulf %mul3A_453, %max3A_425 : vector<16xf32>
        %mul3A_455 = arith.mulf %mul3A_454, %mul3A_451 : vector<16xf32>
        %mul3A_456 = arith.mulf %mul3A_455, %mul3A_451 : vector<16xf32>
        %sub3A_457 = arith.constant 1.500000e+00 : f32
        %sub3A_458 = vector.broadcast %sub3A_457 : f32 to vector<16xf32>
        %sub3A_459 = arith.subf %sub3A_458, %mul3A_456 : vector<16xf32>
        %mul3A_460 = arith.mulf %mul3A_451, %sub3A_459 : vector<16xf32>
        %mul3A_461 = arith.mulf %max3A_425, %mul3A_460 : vector<16xf32>
        %sub3A_462 = arith.subf %gather3A, %gather3A_352 : vector<16xf32>
        %sub3A_463 = arith.subf %mul3A_422, %sub3A_462 : vector<16xf32>
        %max3A_464 = arith.constant 0.000000e+00 : f32
        %max3A_465 = vector.broadcast %max3A_464 : f32 to vector<16xf32>
        %max3A_466 = arith.maximumf %sub3A_463, %max3A_465 : vector<16xf32>
        %sub3A_467 = arith.subf %gather3A_352, %gather3A : vector<16xf32>
        %sub3A_468 = arith.subf %mul3A_422, %sub3A_467 : vector<16xf32>
        %max3A_469 = arith.constant 0.000000e+00 : f32
        %max3A_470 = vector.broadcast %max3A_469 : f32 to vector<16xf32>
        %max3A_471 = arith.maximumf %sub3A_468, %max3A_470 : vector<16xf32>
        %sub3A_472 = arith.subf %gather3A, %gather3A_352 : vector<16xf32>
        %abs3A = math.absf %sub3A_472 : vector<16xf32>
        %add3A_473 = arith.addf %mul3A_422, %abs3A : vector<16xf32>
        %select_n3A = arith.select %or3A_387, %add3A_473, %mul3A_461 : vector<16xi1>, vector<16xf32>
        %select_n3A_474 = arith.select %or3A_372, %max3A_471, %select_n3A : vector<16xi1>, vector<16xf32>
        %select_n3A_475 = arith.select %or3A, %max3A_466, %select_n3A_474 : vector<16xi1>, vector<16xf32>
        %max3A_476 = arith.constant 1.000000e-24 : f32
        %max3A_477 = vector.broadcast %max3A_476 : f32 to vector<16xf32>
        %max3A_478 = arith.maximumf %scan3A_359#2, %max3A_477 : vector<16xf32>
        %bitcast_convert_type3A_479 = tpu.bitcast %max3A_478 : vector<16xf32> -> vector<16xi32>
        %shift_right_logical3A_480 = arith.constant 1 : i32
        %shift_right_logical3A_481 = vector.broadcast %shift_right_logical3A_480 : i32 to vector<16xi32>
        %shift_right_logical3A_482 = arith.shrui %bitcast_convert_type3A_479, %shift_right_logical3A_481 : vector<16xi32>
        %sub3A_483 = arith.constant 1597463007 : i32
        %sub3A_484 = vector.broadcast %sub3A_483 : i32 to vector<16xi32>
        %sub3A_485 = arith.subi %sub3A_484, %shift_right_logical3A_482 : vector<16xi32>
        %bitcast_convert_type3A_486 = tpu.bitcast %sub3A_485 : vector<16xi32> -> vector<16xf32>
        %mul3A_487 = arith.constant 5.000000e-01 : f32
        %mul3A_488 = vector.broadcast %mul3A_487 : f32 to vector<16xf32>
        %mul3A_489 = arith.mulf %mul3A_488, %max3A_478 : vector<16xf32>
        %mul3A_490 = arith.mulf %mul3A_489, %bitcast_convert_type3A_486 : vector<16xf32>
        %mul3A_491 = arith.mulf %mul3A_490, %bitcast_convert_type3A_486 : vector<16xf32>
        %sub3A_492 = arith.constant 1.500000e+00 : f32
        %sub3A_493 = vector.broadcast %sub3A_492 : f32 to vector<16xf32>
        %sub3A_494 = arith.subf %sub3A_493, %mul3A_491 : vector<16xf32>
        %mul3A_495 = arith.mulf %bitcast_convert_type3A_486, %sub3A_494 : vector<16xf32>
        %mul3A_496 = arith.constant 5.000000e-01 : f32
        %mul3A_497 = vector.broadcast %mul3A_496 : f32 to vector<16xf32>
        %mul3A_498 = arith.mulf %mul3A_497, %max3A_478 : vector<16xf32>
        %mul3A_499 = arith.mulf %mul3A_498, %mul3A_495 : vector<16xf32>
        %mul3A_500 = arith.mulf %mul3A_499, %mul3A_495 : vector<16xf32>
        %sub3A_501 = arith.constant 1.500000e+00 : f32
        %sub3A_502 = vector.broadcast %sub3A_501 : f32 to vector<16xf32>
        %sub3A_503 = arith.subf %sub3A_502, %mul3A_500 : vector<16xf32>
        %mul3A_504 = arith.mulf %mul3A_495, %sub3A_503 : vector<16xf32>
        %mul3A_505 = arith.constant 5.000000e-01 : f32
        %mul3A_506 = vector.broadcast %mul3A_505 : f32 to vector<16xf32>
        %mul3A_507 = arith.mulf %mul3A_506, %max3A_478 : vector<16xf32>
        %mul3A_508 = arith.mulf %mul3A_507, %mul3A_504 : vector<16xf32>
        %mul3A_509 = arith.mulf %mul3A_508, %mul3A_504 : vector<16xf32>
        %sub3A_510 = arith.constant 1.500000e+00 : f32
        %sub3A_511 = vector.broadcast %sub3A_510 : f32 to vector<16xf32>
        %sub3A_512 = arith.subf %sub3A_511, %mul3A_509 : vector<16xf32>
        %mul3A_513 = arith.mulf %mul3A_504, %sub3A_512 : vector<16xf32>
        %mul3A_514 = arith.mulf %max3A_478, %mul3A_513 : vector<16xf32>
        %max3A_515 = arith.constant 1.000000e-24 : f32
        %max3A_516 = vector.broadcast %max3A_515 : f32 to vector<16xf32>
        %max3A_517 = arith.maximumf %scan3A_359#3, %max3A_516 : vector<16xf32>
        %bitcast_convert_type3A_518 = tpu.bitcast %max3A_517 : vector<16xf32> -> vector<16xi32>
        %shift_right_logical3A_519 = arith.constant 1 : i32
        %shift_right_logical3A_520 = vector.broadcast %shift_right_logical3A_519 : i32 to vector<16xi32>
        %shift_right_logical3A_521 = arith.shrui %bitcast_convert_type3A_518, %shift_right_logical3A_520 : vector<16xi32>
        %sub3A_522 = arith.constant 1597463007 : i32
        %sub3A_523 = vector.broadcast %sub3A_522 : i32 to vector<16xi32>
        %sub3A_524 = arith.subi %sub3A_523, %shift_right_logical3A_521 : vector<16xi32>
        %bitcast_convert_type3A_525 = tpu.bitcast %sub3A_524 : vector<16xi32> -> vector<16xf32>
        %mul3A_526 = arith.constant 5.000000e-01 : f32
        %mul3A_527 = vector.broadcast %mul3A_526 : f32 to vector<16xf32>
        %mul3A_528 = arith.mulf %mul3A_527, %max3A_517 : vector<16xf32>
        %mul3A_529 = arith.mulf %mul3A_528, %bitcast_convert_type3A_525 : vector<16xf32>
        %mul3A_530 = arith.mulf %mul3A_529, %bitcast_convert_type3A_525 : vector<16xf32>
        %sub3A_531 = arith.constant 1.500000e+00 : f32
        %sub3A_532 = vector.broadcast %sub3A_531 : f32 to vector<16xf32>
        %sub3A_533 = arith.subf %sub3A_532, %mul3A_530 : vector<16xf32>
        %mul3A_534 = arith.mulf %bitcast_convert_type3A_525, %sub3A_533 : vector<16xf32>
        %mul3A_535 = arith.constant 5.000000e-01 : f32
        %mul3A_536 = vector.broadcast %mul3A_535 : f32 to vector<16xf32>
        %mul3A_537 = arith.mulf %mul3A_536, %max3A_517 : vector<16xf32>
        %mul3A_538 = arith.mulf %mul3A_537, %mul3A_534 : vector<16xf32>
        %mul3A_539 = arith.mulf %mul3A_538, %mul3A_534 : vector<16xf32>
        %sub3A_540 = arith.constant 1.500000e+00 : f32
        %sub3A_541 = vector.broadcast %sub3A_540 : f32 to vector<16xf32>
        %sub3A_542 = arith.subf %sub3A_541, %mul3A_539 : vector<16xf32>
        %mul3A_543 = arith.mulf %mul3A_534, %sub3A_542 : vector<16xf32>
        %mul3A_544 = arith.constant 5.000000e-01 : f32
        %mul3A_545 = vector.broadcast %mul3A_544 : f32 to vector<16xf32>
        %mul3A_546 = arith.mulf %mul3A_545, %max3A_517 : vector<16xf32>
        %mul3A_547 = arith.mulf %mul3A_546, %mul3A_543 : vector<16xf32>
        %mul3A_548 = arith.mulf %mul3A_547, %mul3A_543 : vector<16xf32>
        %sub3A_549 = arith.constant 1.500000e+00 : f32
        %sub3A_550 = vector.broadcast %sub3A_549 : f32 to vector<16xf32>
        %sub3A_551 = arith.subf %sub3A_550, %mul3A_548 : vector<16xf32>
        %mul3A_552 = arith.mulf %mul3A_543, %sub3A_551 : vector<16xf32>
        %mul3A_553 = arith.mulf %max3A_517, %mul3A_552 : vector<16xf32>
        %sub3A_554 = arith.subf %gather3A_353, %gather3A_352 : vector<16xf32>
        %sub3A_555 = arith.subf %mul3A_514, %sub3A_554 : vector<16xf32>
        %max3A_556 = arith.constant 0.000000e+00 : f32
        %max3A_557 = vector.broadcast %max3A_556 : f32 to vector<16xf32>
        %max3A_558 = arith.maximumf %sub3A_555, %max3A_557 : vector<16xf32>
        %sub3A_559 = arith.subf %gather3A_352, %gather3A_353 : vector<16xf32>
        %sub3A_560 = arith.subf %mul3A_514, %sub3A_559 : vector<16xf32>
        %max3A_561 = arith.constant 0.000000e+00 : f32
        %max3A_562 = vector.broadcast %max3A_561 : f32 to vector<16xf32>
        %max3A_563 = arith.maximumf %sub3A_560, %max3A_562 : vector<16xf32>
        %sub3A_564 = arith.subf %gather3A_353, %gather3A_352 : vector<16xf32>
        %abs3A_565 = math.absf %sub3A_564 : vector<16xf32>
        %add3A_566 = arith.addf %mul3A_514, %abs3A_565 : vector<16xf32>
        %select_n3A_567 = arith.select %or3A_387, %add3A_566, %mul3A_553 : vector<16xi1>, vector<16xf32>
        %select_n3A_568 = arith.select %or3A_372, %max3A_563, %select_n3A_567 : vector<16xi1>, vector<16xf32>
        %select_n3A_569 = arith.select %or3A, %max3A_558, %select_n3A_568 : vector<16xi1>, vector<16xf32>
        %max3A_570 = arith.constant 1.000000e-24 : f32
        %max3A_571 = vector.broadcast %max3A_570 : f32 to vector<16xf32>
        %max3A_572 = arith.maximumf %scan3A_359#4, %max3A_571 : vector<16xf32>
        %bitcast_convert_type3A_573 = tpu.bitcast %max3A_572 : vector<16xf32> -> vector<16xi32>
        %shift_right_logical3A_574 = arith.constant 1 : i32
        %shift_right_logical3A_575 = vector.broadcast %shift_right_logical3A_574 : i32 to vector<16xi32>
        %shift_right_logical3A_576 = arith.shrui %bitcast_convert_type3A_573, %shift_right_logical3A_575 : vector<16xi32>
        %sub3A_577 = arith.constant 1597463007 : i32
        %sub3A_578 = vector.broadcast %sub3A_577 : i32 to vector<16xi32>
        %sub3A_579 = arith.subi %sub3A_578, %shift_right_logical3A_576 : vector<16xi32>
        %bitcast_convert_type3A_580 = tpu.bitcast %sub3A_579 : vector<16xi32> -> vector<16xf32>
        %mul3A_581 = arith.constant 5.000000e-01 : f32
        %mul3A_582 = vector.broadcast %mul3A_581 : f32 to vector<16xf32>
        %mul3A_583 = arith.mulf %mul3A_582, %max3A_572 : vector<16xf32>
        %mul3A_584 = arith.mulf %mul3A_583, %bitcast_convert_type3A_580 : vector<16xf32>
        %mul3A_585 = arith.mulf %mul3A_584, %bitcast_convert_type3A_580 : vector<16xf32>
        %sub3A_586 = arith.constant 1.500000e+00 : f32
        %sub3A_587 = vector.broadcast %sub3A_586 : f32 to vector<16xf32>
        %sub3A_588 = arith.subf %sub3A_587, %mul3A_585 : vector<16xf32>
        %mul3A_589 = arith.mulf %bitcast_convert_type3A_580, %sub3A_588 : vector<16xf32>
        %mul3A_590 = arith.constant 5.000000e-01 : f32
        %mul3A_591 = vector.broadcast %mul3A_590 : f32 to vector<16xf32>
        %mul3A_592 = arith.mulf %mul3A_591, %max3A_572 : vector<16xf32>
        %mul3A_593 = arith.mulf %mul3A_592, %mul3A_589 : vector<16xf32>
        %mul3A_594 = arith.mulf %mul3A_593, %mul3A_589 : vector<16xf32>
        %sub3A_595 = arith.constant 1.500000e+00 : f32
        %sub3A_596 = vector.broadcast %sub3A_595 : f32 to vector<16xf32>
        %sub3A_597 = arith.subf %sub3A_596, %mul3A_594 : vector<16xf32>
        %mul3A_598 = arith.mulf %mul3A_589, %sub3A_597 : vector<16xf32>
        %mul3A_599 = arith.constant 5.000000e-01 : f32
        %mul3A_600 = vector.broadcast %mul3A_599 : f32 to vector<16xf32>
        %mul3A_601 = arith.mulf %mul3A_600, %max3A_572 : vector<16xf32>
        %mul3A_602 = arith.mulf %mul3A_601, %mul3A_598 : vector<16xf32>
        %mul3A_603 = arith.mulf %mul3A_602, %mul3A_598 : vector<16xf32>
        %sub3A_604 = arith.constant 1.500000e+00 : f32
        %sub3A_605 = vector.broadcast %sub3A_604 : f32 to vector<16xf32>
        %sub3A_606 = arith.subf %sub3A_605, %mul3A_603 : vector<16xf32>
        %mul3A_607 = arith.mulf %mul3A_598, %sub3A_606 : vector<16xf32>
        %mul3A_608 = arith.mulf %max3A_572, %mul3A_607 : vector<16xf32>
        %max3A_609 = arith.constant 1.000000e-24 : f32
        %max3A_610 = vector.broadcast %max3A_609 : f32 to vector<16xf32>
        %max3A_611 = arith.maximumf %scan3A_359#5, %max3A_610 : vector<16xf32>
        %bitcast_convert_type3A_612 = tpu.bitcast %max3A_611 : vector<16xf32> -> vector<16xi32>
        %shift_right_logical3A_613 = arith.constant 1 : i32
        %shift_right_logical3A_614 = vector.broadcast %shift_right_logical3A_613 : i32 to vector<16xi32>
        %shift_right_logical3A_615 = arith.shrui %bitcast_convert_type3A_612, %shift_right_logical3A_614 : vector<16xi32>
        %sub3A_616 = arith.constant 1597463007 : i32
        %sub3A_617 = vector.broadcast %sub3A_616 : i32 to vector<16xi32>
        %sub3A_618 = arith.subi %sub3A_617, %shift_right_logical3A_615 : vector<16xi32>
        %bitcast_convert_type3A_619 = tpu.bitcast %sub3A_618 : vector<16xi32> -> vector<16xf32>
        %mul3A_620 = arith.constant 5.000000e-01 : f32
        %mul3A_621 = vector.broadcast %mul3A_620 : f32 to vector<16xf32>
        %mul3A_622 = arith.mulf %mul3A_621, %max3A_611 : vector<16xf32>
        %mul3A_623 = arith.mulf %mul3A_622, %bitcast_convert_type3A_619 : vector<16xf32>
        %mul3A_624 = arith.mulf %mul3A_623, %bitcast_convert_type3A_619 : vector<16xf32>
        %sub3A_625 = arith.constant 1.500000e+00 : f32
        %sub3A_626 = vector.broadcast %sub3A_625 : f32 to vector<16xf32>
        %sub3A_627 = arith.subf %sub3A_626, %mul3A_624 : vector<16xf32>
        %mul3A_628 = arith.mulf %bitcast_convert_type3A_619, %sub3A_627 : vector<16xf32>
        %mul3A_629 = arith.constant 5.000000e-01 : f32
        %mul3A_630 = vector.broadcast %mul3A_629 : f32 to vector<16xf32>
        %mul3A_631 = arith.mulf %mul3A_630, %max3A_611 : vector<16xf32>
        %mul3A_632 = arith.mulf %mul3A_631, %mul3A_628 : vector<16xf32>
        %mul3A_633 = arith.mulf %mul3A_632, %mul3A_628 : vector<16xf32>
        %sub3A_634 = arith.constant 1.500000e+00 : f32
        %sub3A_635 = vector.broadcast %sub3A_634 : f32 to vector<16xf32>
        %sub3A_636 = arith.subf %sub3A_635, %mul3A_633 : vector<16xf32>
        %mul3A_637 = arith.mulf %mul3A_628, %sub3A_636 : vector<16xf32>
        %mul3A_638 = arith.constant 5.000000e-01 : f32
        %mul3A_639 = vector.broadcast %mul3A_638 : f32 to vector<16xf32>
        %mul3A_640 = arith.mulf %mul3A_639, %max3A_611 : vector<16xf32>
        %mul3A_641 = arith.mulf %mul3A_640, %mul3A_637 : vector<16xf32>
        %mul3A_642 = arith.mulf %mul3A_641, %mul3A_637 : vector<16xf32>
        %sub3A_643 = arith.constant 1.500000e+00 : f32
        %sub3A_644 = vector.broadcast %sub3A_643 : f32 to vector<16xf32>
        %sub3A_645 = arith.subf %sub3A_644, %mul3A_642 : vector<16xf32>
        %mul3A_646 = arith.mulf %mul3A_637, %sub3A_645 : vector<16xf32>
        %mul3A_647 = arith.mulf %max3A_611, %mul3A_646 : vector<16xf32>
        %sub3A_648 = arith.subf %gather3A, %gather3A_354 : vector<16xf32>
        %sub3A_649 = arith.subf %mul3A_608, %sub3A_648 : vector<16xf32>
        %max3A_650 = arith.constant 0.000000e+00 : f32
        %max3A_651 = vector.broadcast %max3A_650 : f32 to vector<16xf32>
        %max3A_652 = arith.maximumf %sub3A_649, %max3A_651 : vector<16xf32>
        %sub3A_653 = arith.subf %gather3A_354, %gather3A : vector<16xf32>
        %sub3A_654 = arith.subf %mul3A_608, %sub3A_653 : vector<16xf32>
        %max3A_655 = arith.constant 0.000000e+00 : f32
        %max3A_656 = vector.broadcast %max3A_655 : f32 to vector<16xf32>
        %max3A_657 = arith.maximumf %sub3A_654, %max3A_656 : vector<16xf32>
        %sub3A_658 = arith.subf %gather3A, %gather3A_354 : vector<16xf32>
        %abs3A_659 = math.absf %sub3A_658 : vector<16xf32>
        %add3A_660 = arith.addf %mul3A_608, %abs3A_659 : vector<16xf32>
        %select_n3A_661 = arith.select %or3A_387, %add3A_660, %mul3A_647 : vector<16xi1>, vector<16xf32>
        %select_n3A_662 = arith.select %or3A_372, %max3A_657, %select_n3A_661 : vector<16xi1>, vector<16xf32>
        %select_n3A_663 = arith.select %or3A, %max3A_652, %select_n3A_662 : vector<16xi1>, vector<16xf32>
        %sub3A_664 = arith.subf %select_n3A_475, %select_n3A_569 : vector<16xf32>
        %add3A_665 = arith.constant 1.000000e+00 : f32
        %add3A_666 = vector.broadcast %add3A_665 : f32 to vector<16xf32>
        %add3A_667 = arith.addf %sub3A_664, %add3A_666 : vector<16xf32>
        %max3A_668 = arith.constant 0.000000e+00 : f32
        %max3A_669 = vector.broadcast %max3A_668 : f32 to vector<16xf32>
        %max3A_670 = arith.maximumf %add3A_667, %max3A_669 : vector<16xf32>
        %sub3A_671 = arith.subf %select_n3A_475, %select_n3A_663 : vector<16xf32>
        %add3A_672 = arith.constant 1.000000e+00 : f32
        %add3A_673 = vector.broadcast %add3A_672 : f32 to vector<16xf32>
        %add3A_674 = arith.addf %sub3A_671, %add3A_673 : vector<16xf32>
        %max3A_675 = arith.constant 0.000000e+00 : f32
        %max3A_676 = vector.broadcast %max3A_675 : f32 to vector<16xf32>
        %max3A_677 = arith.maximumf %add3A_674, %max3A_676 : vector<16xf32>
        %add3A_678 = arith.addf %max3A_670, %max3A_677 : vector<16xf32>
        %add3A_679 = arith.addf %scan3A_341, %add3A_678 : vector<16xf32>
        scf.yield %add3A_679 : vector<16xf32>
      }
      %scan3A_339 = arith.constant 4 : i32
      scf.yield %scan3A_338 : vector<16xf32>
    }
    %scan3A_243 = arith.constant 4 : i32
    %swap3A = arith.constant 0 : index
    %swap3A_244 = tpu.vector_load %arg24[%swap3A] {strides = array<i32>} : memref<16xf32, #tpu.memory_space<vmem>>, vector<16xf32>,
    tpu.vector_store %arg24[%swap3A], %scan3A_242 {strides = array<i32>} : memref<16xf32, #tpu.memory_space<vmem>>, vector<16xf32>,
    %mul3A_245 = arith.constant 16 : i32
    %mul3A_246 = arith.muli %add3A, %mul3A_245 : i32
    "tpu.region"() ({
      %run_scoped3A = tpu.sem_alloc : memref<!tpu.dma_semaphore, #tpu.memory_space<semaphore_mem>>
      %dma_start3A_247 = tpu.memref_slice %arg9[%mul3A_246] : memref<512xf32, #tpu.memory_space<hbm>> -> memref<16xf32, #tpu.memory_space<hbm>>
      %dma_start3A_248 = tpu.memref_slice %arg9[%mul3A_246] : memref<512xf32, #tpu.memory_space<hbm>> -> memref<16xf32, #tpu.memory_space<hbm>>
      tpu.enqueue_dma source(%arg24 : memref<16xf32, #tpu.memory_space<vmem>>) target(%dma_start3A_248 : memref<16xf32, #tpu.memory_space<hbm>>) target_semaphore(%run_scoped3A : memref<!tpu.dma_semaphore, #tpu.memory_space<semaphore_mem>>)
      %dma_wait3A = tpu.memref_slice %arg9[%mul3A_246] : memref<512xf32, #tpu.memory_space<hbm>> -> memref<16xf32, #tpu.memory_space<hbm>>
      %dma_wait3A_249 = tpu.memref_slice %arg9[%mul3A_246] : memref<512xf32, #tpu.memory_space<hbm>> -> memref<16xf32, #tpu.memory_space<hbm>>
      tpu.wait_dma2 semaphore(%run_scoped3A : memref<!tpu.dma_semaphore, #tpu.memory_space<semaphore_mem>>) src(%arg24 : memref<16xf32, #tpu.memory_space<vmem>>) dst(%dma_wait3A_249 : memref<16xf32, #tpu.memory_space<hbm>>)
      tpu.yield
    }) : () -> ()
    return
  }
}

</mosaic_0001>

<sc_bundles>
// kernel: kernel.3.cloned.1.call-start
scs
__scs_entry_jumppad:
0x0: {  	(pc) =	sbr.rel $0x88, $3  }
0x1: {  	(tag) =	ssettag $0x0;
	lr =	simm.s32 $0x1  }
0x2: {  	[smem:$0x3F99] =	sst lr;
	_ =	strace $0xD0000000  }
0x3: {  	_ = 	snop  }
0x4: {  	_ = 	snop  }
0x5: {  	_ = 	snop  }
0x6: {  	_ = 	snop  }
0x7: {  	_ = 	snop  }
__scs_overlays_trampoline_lowered:
0x8: {  	[smem:$0x3FA8] =	sst s0  }
0x9: {  	[smem:$0x3FA9] =	sst s1  }
0xa: {  	[smem:$0x3FAA] =	sst s2  }
0xb: {  	[smem:$0x3FAB] =	sst s3  }
0xc: {  	[smem:$0x3FAC] =	sst s4  }
0xd: {  	[smem:$0x3FAD] =	sst s5  }
0xe: {  	[smem:$0x3FAE] =	sst s6  }
0xf: {  	[smem:$0x3FAF] =	sst s7  }
0x10: {  	[smem:$0x3FB0] =	sst s8  }
0x11: {  	[smem:$0x3FB1] =	sst s9;
	s0 =	simm.s32 @!p0 $0x0  }
0x12: {  	s1 =	sld [smem:$0x3F97];
	s0 =	simm.s32 @p0 $0x1  }
0x13: {  	[smem:$0x3FB2] =	sst s0;
	s0 =	simm.s32 @!p1 $0x0  }
0x14: {  	s2 =	sld [smem:$0x3F96];
	s0 =	simm.s32 @p1 $0x1  }
0x15: {  	[smem:$0x3FB3] =	sst s0;
	s0 =	simm.s32 @!p2 $0x0  }
0x16: {  	s3 =	sld [smem:$0x3FDB];
	s0 =	simm.s32 @p2 $0x1  }
0x17: {  	s4 =	simm.s32 $0x1BF5;
	[smem:$0x3FB5] =	sst s0  }
0x18: {  	s0 =	sld [smem:$0x3F98];
	_ =	swait.ge [sflag:s4], $0x0  }
0x19: {  	s7 =	sld [smem:$0x3F99]  }
0x1a: {  	s8 =	sadd.s32 $0xFFFFE003, lr  }
0x1b: {  	s9 =	sadd.s32 $0xFFFFFEF7, lr;
	s5 =	simm.s32 $0xFFFFFFFF;
	p2 =	slt.u32 s8, $0xFFFFF086  }
0x1c: {  	p1 =	slt.u32 s9, $0xF7A;
	s5 =	simm.s32 @!p2 $0x0  }
0x1d: {  	s5 =	simm.s32 @p1 $0x1;
	p0 =	seq.s32 s7, s2  }
0x1e: {  	s7 =	smul.u32 @!p0 $0xF7A, s2;
	p2 =	seq.s32 @!p0 s5, $0x0  }
0x1f: {  	s9 =	smul.u32 $0xF7A, s1;
	s8 =	simm.s32 @!p0 $0x1BF5;
	p2 =	por !p2, p0  }
0x20: {  	[sflag:s8] =	ssyncset.s32 @!p0 $0xFFFFF086;
	s6 =	sadd.s32 @!p0 s3, s7;
	s7 =	simm.s32 @!p0 $0x108  }
0x21: {  	s3 =	sadd.s32 s3, s9;
	s6 =	sadd.s32 @!p0 $0x88, s6;
	s7 =	simm.s32 @p2 $0x1082  }
0x22: {  	[simem:s7], [sflag:s8] =	dma.local @!p0 [hbm:s6], $0xF7A  }
0x23: {  	s9 =	sor.u32 $0xD0000000, s2;
	s6 =	simm.s32 $0x108;
	_ =	swait.ge @!p0 [sflag:s8], $0x0  }
0x24: {  	s3 =	sadd.s32 $0x88, s3;
	s6 =	simm.s32 @!p1 $0x1082;
	[sflag:s4] =	ssyncset.s32 $0xFFFFF086  }
0x25: {  	[simem:s6], [sflag:s4] =	dma.local [hbm:s3], $0xF7A  }
0x26: {  	[smem:$0x3F99] =	sst s1;
	(tag) =	ssettag s2;
	_ =	strace s9  }
0x27: {  	s1 =	sld [smem:$0x3FA9]  }
0x28: {  	s2 =	sld [smem:$0x3FAA]  }
0x29: {  	s4 =	sld [smem:$0x3FAC]  }
0x2a: {  	p0 =	seq.s32 s5, $0x0;
	s5 =	sld [smem:$0x3FAD]  }
0x2b: {  	s6 =	sld [smem:$0x3FAE]  }
0x2c: {  	s7 =	sld [smem:$0x3FAF]  }
0x2d: {  	s3 =	simm.s32 $0x108;
	s8 =	sld [smem:$0x3FB0]  }
0x2e: {  	s3 =	simm.s32 @!p0 $0x1082;
	s9 =	sld [smem:$0x3FB1]  }
0x2f: {  	lr =	sadd.s32 s0, s3;
	s0 =	sld [smem:$0x3FA8]  }
0x30: {  	s3 =	sld [smem:$0x3FAB]  }
0x31: {  	[smem:$0x3FB4] =	sst s10  }
0x32: {  	s10 =	sld [smem:$0x3FB2];
	_ =	sdelay $0x3  }
0x33: {  	p0 =	seq.s32 s10, $0x1;
	s10 =	sld [smem:$0x3FB4];
	_ =	sdelay $0x3  }
0x34: {  	[smem:$0x3FB4] =	sst s10  }
0x35: {  	s10 =	sld [smem:$0x3FB3];
	_ =	sdelay $0x3  }
0x36: {  	p1 =	seq.s32 s10, $0x1;
	s10 =	sld [smem:$0x3FB4];
	_ =	sdelay $0x3  }
0x37: {  	[smem:$0x3FB4] =	sst s10  }
0x38: {  	s10 =	sld [smem:$0x3FB5]  }
0x39: {  	_ = 	snop;
	(pc) =	sbr.ind lr, $3  }
0x3a: {  	_ = 	snop  }
0x3b: {  	_ = 	snop  }
0x3c: {  	p2 =	seq.s32 s10, $0x1;
	s10 =	sld [smem:$0x3FB4]  }
0x3d: {  	_ =	shalt  }
0x3e: {  	_ =	shalt  }
0x3f: {  	_ =	shalt  }
0x40: {  	_ =	shalt  }
0x41: {  	_ =	shalt  }
0x42: {  	_ =	shalt  }
0x43: {  	_ =	shalt  }
0x44: {  	_ =	shalt  }
0x45: {  	_ =	shalt  }
0x46: {  	_ =	shalt  }
0x47: {  	_ =	shalt  }
0x48: {  	_ =	shalt  }
0x49: {  	_ =	shalt  }
0x4a: {  	_ =	shalt  }
0x4b: {  	_ =	shalt  }
0x4c: {  	_ =	shalt  }
0x4d: {  	_ =	shalt  }
0x4e: {  	_ =	shalt  }
0x4f: {  	_ =	shalt  }
0x50: {  	_ =	shalt  }
0x51: {  	_ =	shalt  }
0x52: {  	_ =	shalt  }
0x53: {  	_ =	shalt  }
0x54: {  	_ =	shalt  }
0x55: {  	_ =	shalt  }
0x56: {  	_ =	shalt  }
0x57: {  	_ =	shalt  }
0x58: {  	_ =	shalt  }
0x59: {  	_ =	shalt  }
0x5a: {  	_ =	shalt  }
0x5b: {  	_ =	shalt  }
0x5c: {  	_ =	shalt  }
0x5d: {  	_ =	shalt  }
0x5e: {  	_ =	shalt  }
0x5f: {  	_ =	shalt  }
0x60: {  	_ =	shalt  }
0x61: {  	_ =	shalt  }
0x62: {  	_ =	shalt  }
0x63: {  	_ =	shalt  }
0x64: {  	_ =	shalt  }
0x65: {  	_ =	shalt  }
0x66: {  	_ =	shalt  }
0x67: {  	_ =	shalt  }
0x68: {  	_ =	shalt  }
0x69: {  	_ =	shalt  }
0x6a: {  	_ =	shalt  }
0x6b: {  	_ =	shalt  }
0x6c: {  	_ =	shalt  }
0x6d: {  	_ =	shalt  }
0x6e: {  	_ =	shalt  }
0x6f: {  	_ =	shalt  }
0x70: {  	_ =	shalt  }
0x71: {  	_ =	shalt  }
0x72: {  	_ =	shalt  }
0x73: {  	_ =	shalt  }
0x74: {  	_ =	shalt  }
0x75: {  	_ =	shalt  }
0x76: {  	_ =	shalt  }
0x77: {  	_ =	shalt  }
0x78: {  	_ =	shalt  }
0x79: {  	_ =	shalt  }
0x7a: {  	_ =	shalt  }
0x7b: {  	_ =	shalt  }
0x7c: {  	_ =	shalt  }
0x7d: {  	_ =	shalt  }
0x7e: {  	_ =	shalt  }
0x7f: {  	_ =	shalt  }
0x80: {  	_ =	shalt  }
0x81: {  	_ =	shalt  }
0x82: {  	_ =	shalt  }
0x83: {  	_ =	shalt  }
0x84: {  	_ =	shalt  }
0x85: {  	_ =	shalt  }
0x86: {  	_ =	shalt  }
0x87: {  	_ =	shalt  }
.Lfunc_end0:
.L_simem_size_0:
called_computation_lowered:
.L_overlay_start_0:
0x88: {  	s2 =	sld [smem:$0x3FD9]  }
0x89: {  	s3 =	sld [smem:$0x3FFE];
	_ =	sdelay $0x1  }
0x8a: {  	s1 =	srdreg.scid  }
0x8b: {  	s0 =	sand.u32 $0x1, s1  }
0x8c: {  	s17 =	sshll.u32 s0, $0xA;
	s2 =	sadd.s32 s3, s2  }
0x8d: {  	s2 =	sadd.s32 s2, s17  }
0x8e: {  	[smem:$0x3FC0] =	sst s2  }
0x8f: {  	_ = 	snop  }
0x90: {  	s2 =	sld [smem:$0x3FC9]  }
0x91: {  	s18 =	sld [smem:$0x3FC8]  }
0x92: {  	s4 =	sld [smem:$0x3FC7]  }
0x93: {  	s5 =	sld [smem:$0x3FC6]  }
0x94: {  	s6 =	sld [smem:$0x3FC5]  }
0x95: {  	s7 =	sld [smem:$0x3FC2];
	(tm) =	ssettm $0x1  }
0x96: {  	s8 =	sld [smem:$0x3FFB];
	_ =	sdelay $0x3  }
0x97: {  	_ =	strace s8  }
0x98: {  	s8 =	sld [smem:$0x3FFC];
	_ =	sdelay $0x3  }
0x99: {  	_ =	strace s8  }
0x9a: {  	s8 =	sld [smem:$0x3FFD];
	_ =	sdelay $0x3  }
0x9b: {  	_ =	strace s8  }
0x9c: {  	_ =	strace $0x8FFFFFFF  }
0x9d: {  	s19 =	sld [smem:$0x3FDB];
	_ =	sdelay $0x1  }
0x9e: {  	s9 =	simm.s32 $_scs_section_size  }
0x9f: {  	s10 =	simm.s32 $_size__tile_overlayer_lowered;
	s11 =	simm.s32 $_tile_overlayer_lowered  }
0xa0: {  	s22 =	simm.s32 $0x1BFF;
	s21 =	sshll.u32 s11, $0x1;
	s8 =	sadd.s32 s9, s19  }
0xa1: {  	s12 =	simm.s32 $0x0;
	s20 =	sshll.u32 s10, $0x1;
	s10 =	sadd.s32 s21, s8  }
0xa2: {  	[timem:s12], [sflag:s22] =	dma.local [hbm:s10], s20  }
0xa3: {  	_ =	swait.ge [sflag:s22], s20  }
0xa4: {  	s9 =	ssub.s32 $0x0, s20;
	[sflag:s22] =	ssyncset.done $0x0  }
0xa5: {  	[sflag:s22] =	ssyncadd.s32 s9;
	_ =	sdelay $0x1  }
0xa6: {  	s23 =	simm.s32 $0x1B8B  }
0xa7: {  	_ =	swait.ge [sflag:s23], $0x1  }
0xa8: {  	[sflag:s23] =	ssyncset.done $0x0  }
0xa9: {  	s25 =	simm.s32 $0x1B8E;
	s24 =	sld [smem:$0x3FFE];
	[sflag:s23] =	ssyncadd.s32 $0xFFFFFFFF  }
0xaa: {  	s26 =	simm.s32 $execute0_lowered;
	[smem:$0x3FD2] =	sst s25  }
0xab: {  	s10 =	sshll.u32 s26, $0x1;
	_ =	strace $0x80000046;
	[dreg:$0x1] =	wrdreg $0xFFFFFFFF  }
0xac: {  	s28 =	simm.s32 $_size_execute0_lowered;
	s8 =	sadd.s32 s8, s10;
	[dreg:$0x0] =	wrdreg $0x0  }
0xad: {  	s10 =	sshll.u32 s28, $0x1;
	[dreg:$0x2] =	wrdreg s8  }
0xae: {  	[dreg:$0x3] =	wrdreg s10  }
0xaf: {  	[dreg:$0x4] =	wrdreg $0xC0  }
0xb0: {  	_ =	task [dreg:s12], $0x5FFFF  }
0xb1: {  	[dreg:$0x1] =	wrdreg $0xFFFFFFFF  }
0xb2: {  	[dreg:$0x0] =	wrdreg $0x60  }
0xb3: {  	[dreg:$0x2] =	wrdreg s2  }
0xb4: {  	[dreg:$0x3] =	wrdreg s18  }
0xb5: {  	[dreg:$0x4] =	wrdreg s4  }
0xb6: {  	[dreg:$0x5] =	wrdreg s5  }
0xb7: {  	[dreg:$0x6] =	wrdreg s6  }
0xb8: {  	[dreg:$0x7] =	wrdreg s24  }
0xb9: {  	[dreg:$0x8] =	wrdreg s7  }
0xba: {  	[dreg:$0x9] =	wrdreg $0x9  }
0xbb: {  	_ =	task.clear_ibuf [dreg:s12], $0xAFFFF;
	_ =	strace $0x90000046  }
0xbc: {  	s29 =	simm.s32 $0x9;
	_ =	strace $0x80000048  }
0xbd: {  	_ =	swait.ge [sflag:s29], $0x1  }
0xbe: {  	[sflag:s29] =	ssyncadd.s32 $0xFFFFFFFF  }
0xbf: {  	_ =	strace $0x90000048  }
0xc0: {  	_ =	sfence  }
0xc1: {  	s30 =	sld [smem:$0x0];
	_ =	sdelay $0x2  }
0xc2: {  	s31 =	sshll.u32 s1, $0xD;
	s1 =	sshrl.u32 s1, $0x2  }
0xc3: {  	s3 =	sand.u32 $0x4000, s31;
	s1 =	sadd.s32 s1, s30  }
0xc4: {  	s0 =	sor.u32 s3, s0;
	s1 =	sshll.u32 s1, $0x11  }
0xc5: {  	s0 =	sor.u32 s1, s0  }
0xc6: {  	s0 =	sadd.s32 $0x8F2B, s0  }
0xc7: {  	[sflag:s0] =	ssyncadd.remote.s32 $0x1  }
0xc8: {  	_ =	sfence.sel $0xFFFF  }
0xc9: {  	[dreg:$0x0] =	wrdreg $0xFFFFFFFF;
	(pc) =	sbr.abs _section_cstart, $3  }
0xca: {  	[dreg:$0x1] =	wrdreg $0xFFFFFFFF  }
0xcb: {  	_ =	task.clear_ibuf [dreg:s12], $0x2FFFF;
	_ =	strace $0x9FFFFFFF  }
0xcc: {  	(tm) =	ssettm $0x7FFFFFFF  }
0xcd: {  	_ =	shalt  }
tec
execute0_lowered:
.L_overlay_start_1:
0x0: {  	(tag) =	ssettag $0x1  }
0x1: {  	s0 =	rddreg [dreg:$0x0]  }
0x2: {  	s2 =	rddreg [dreg:$0x1]  }
0x3: {  	s3 =	rddreg [dreg:$0x2]  }
0x4: {  	s5 =	rddreg [dreg:$0x3]  }
0x5: {  	s6 =	rddreg [dreg:$0x4]  }
0x6: {  	s1 =	rddreg [dreg:$0x5]  }
0x7: {  	s11 =	rddreg [dreg:$0x6];
	s4 =	simm.s32 $0x0  }
0x8: {  	[smem:$0x7FF] =	sst s4;
	s13 =	sadd.s32 $0x10, s11  }
0x9: {  	s14 =	sadd.s32 $0x20, s11;
	_ =	strace $0x80000047;
	[dreg:$0xd] =	wrdreg s13  }
0xa: {  	s15 =	sadd.s32 $0x30, s11;
	[dreg:$0xe] =	wrdreg s14  }
0xb: {  	s16 =	sadd.s32 $0x40, s11;
	[dreg:$0xf] =	wrdreg s15  }
0xc: {  	s17 =	sadd.s32 $0x50, s11;
	[dreg:$0x10] =	wrdreg s16  }
0xd: {  	s7 =	srdreg.scid;
	s18 =	sadd.s32 $0x60, s11;
	[dreg:$0x11] =	wrdreg s17  }
0xe: {  	s8 =	stileid.u32;
	s19 =	sadd.s32 $0x70, s11;
	[dreg:$0x12] =	wrdreg s18  }
0xf: {  	s30 =	simm.s32 $0x4;
	s20 =	sadd.s32 $0x80, s11;
	[dreg:$0x13] =	wrdreg s19  }
0x10: {  	s31 =	simm.s32 $0x40;
	s21 =	sadd.s32 $0x90, s11;
	[dreg:$0x14] =	wrdreg s20  }
0x11: {  	s7 =	sand.u32 $0x1, s7;
	s22 =	sadd.s32 $0xA0, s11;
	[dreg:$0x15] =	wrdreg s21  }
0x12: {  	s8 =	sshll.u32 s8, $0x1;
	s23 =	sadd.s32 $0xB0, s11;
	[dreg:$0x16] =	wrdreg s22  }
0x13: {  	s24 =	sadd.s32 $0xC0, s11;
	s25 =	sadd.s32 $0xD0, s11;
	[dreg:$0x17] =	wrdreg s23  }
0x14: {  	s26 =	sadd.s32 $0xE0, s11;
	s28 =	sadd.s32 $0x100, s11;
	[dreg:$0x18] =	wrdreg s24  }
0x15: {  	s29 =	sadd.s32 $0x110, s11;
	s8 =	sor.u32 s7, s8;
	[dreg:$0x19] =	wrdreg s25  }
0x16: {  	s7 =	ssub.s32 $0x2, s7;
	[dreg:$0x1a] =	wrdreg s26;
	s26 =	sadd.s32 $0xF0, s11  }
0x17: {  	s11 =	simm.s32 $0xEA00;
	s9 =	sshll.u32 s8, $0x1;
	s8 =	sshll.u32 s8, $0x6  }
0x18: {  	s13 =	simm.s32 $0x3;
	s14 =	simm.s32 $0x0;
	s0 =	sadd.s32 s0, s8  }
0x19: {  	s10 =	sshrl.u32 s7, $0x1;
	s2 =	sadd.s32 s2, s8;
	[dreg:$0x8] =	wrdreg s0  }
0x1a: {  	s9 =	sadd.s32 s9, s1;
	s5 =	sadd.s32 s5, s8;
	[dreg:$0x9] =	wrdreg s2  }
0x1b: {  	s7 =	ssub.s32 s7, s10;
	s10 =	sadd.s32 s6, s8;
	[dreg:$0xa] =	wrdreg s5  }
0x1c: {  	s12 =	sadd.s32 s3, s8;
	s3 =	simm.s32 $0x10A00;
	[dreg:$0xb] =	wrdreg s10  }
0x1d: {  	v0 =	vlaneseq.u32;
	s6 =	simm.s32 $0xA00;
	s8 =	simm.s32 $0x8A00;
	[dreg:$0xc] =	wrdreg s12  }
0x1e: {  	v0 =	vmul.u32 $0x80, v0;
	s24 =	sadd.s32 $0xF42400, s9;
	s25 =	smax.u32 s7, $0x1;
	s5 =	simm.s32 $0x1  }
0x1f: {  	s0 =	simm.s32 $0x2A00;
	s7 =	simm.s32 $0x4A00;
	s2 =	simm.s32 $0x6A00  }
0x20: {  	[tilespmem:$0x1FFF0] =	vst v0;
	s9 =	simm.s32 $0xAA00;
	s10 =	simm.s32 $0xCA00;
	s12 =	simm.s32 $0x2  }
.LBB2_1:
0x21: {  	s15 =	rddreg [dreg:$0x8]  }
0x22: {  	[tilespmem:s4], [sflag:$0x4] =	stream.linear.gather [hbm4b:s15+s4], $0x200, $0x38;
	[tilespmem:$0x11680] =	vst v63  }
0x23: {  	_ =	swait.ge [sflag:s30], $0x200  }
0x24: {  	[sflag:s30] =	ssyncset.done $0x0  }
0x25: {  	s16 =	simm.s32 $0x200;
	s17 =	rddreg [dreg:$0x9];
	[sflag:s30] =	ssyncadd.s32 $0xFFFFFE00  }
0x26: {  	[tilespmem:s16], [sflag:$0x4] =	stream.linear.gather [hbm4b:s17+s4], $0x200, $0x38;
	[tilespmem:$0x11680] =	vst v63  }
0x27: {  	_ =	swait.ge [sflag:s30], $0x200  }
0x28: {  	[sflag:s30] =	ssyncset.done $0x0  }
0x29: {  	s17 =	simm.s32 $0x400;
	s18 =	rddreg [dreg:$0xa];
	[sflag:s30] =	ssyncadd.s32 $0xFFFFFE00  }
0x2a: {  	[tilespmem:s17], [sflag:$0x4] =	stream.linear.gather [hbm4b:s18+s4], $0x200, $0x38;
	[tilespmem:$0x11680] =	vst v63  }
0x2b: {  	_ =	swait.ge [sflag:s30], $0x200  }
0x2c: {  	[sflag:s30] =	ssyncset.done $0x0  }
0x2d: {  	s18 =	simm.s32 $0x600;
	s19 =	rddreg [dreg:$0xb];
	[sflag:s30] =	ssyncadd.s32 $0xFFFFFE00  }
0x2e: {  	[tilespmem:s18], [sflag:$0x4] =	stream.linear.gather [hbm4b:s19+s4], $0x200, $0x38;
	[tilespmem:$0x11680] =	vst v63  }
0x2f: {  	_ =	swait.ge [sflag:s30], $0x200  }
0x30: {  	[sflag:s30] =	ssyncset.done $0x0  }
0x31: {  	s19 =	simm.s32 $0x800;
	s20 =	rddreg [dreg:$0xc];
	[sflag:s30] =	ssyncadd.s32 $0xFFFFFE00  }
0x32: {  	[tilespmem:s19], [sflag:$0x4] =	stream.linear.gather [hbm4b:s20+s4], $0x200, $0x38;
	[tilespmem:$0x11680] =	vst v63  }
0x33: {  	_ =	swait.ge [sflag:s30], $0x200  }
0x34: {  	[sflag:s30] =	ssyncset.done $0x0  }
0x35: {  	[sflag:s30] =	ssyncadd.s32 $0xFFFFFE00  }
0x36: {  	s21 =	rddreg [dreg:$0x6]  }
0x37: {  	[tilespmem:s3], [sflag:$0x1] =	stream.linear.gather [hbm4b:s21+s4], $0x80, $0x38;
	[tilespmem:$0x11680] =	vst v63  }
0x38: {  	s23 =	simm.s32 $0x10A80;
	s22 =	rddreg [dreg:$0xd]  }
0x39: {  	[tilespmem:s23], [sflag:$0x1] =	stream.linear.gather [hbm4b:s22+s4], $0x80, $0x38;
	[tilespmem:$0x11680] =	vst v63  }
0x3a: {  	s20 =	rddreg [dreg:$0xe];
	s21 =	simm.s32 $0x10B00  }
0x3b: {  	[tilespmem:s21], [sflag:$0x1] =	stream.linear.gather [hbm4b:s20+s4], $0x80, $0x38;
	[tilespmem:$0x11680] =	vst v63  }
0x3c: {  	s22 =	rddreg [dreg:$0xf];
	s23 =	simm.s32 $0x10B80  }
0x3d: {  	[tilespmem:s23], [sflag:$0x1] =	stream.linear.gather [hbm4b:s22+s4], $0x80, $0x38;
	[tilespmem:$0x11680] =	vst v63  }
0x3e: {  	s20 =	rddreg [dreg:$0x10];
	s21 =	simm.s32 $0x10C00  }
0x3f: {  	[tilespmem:s21], [sflag:$0x1] =	stream.linear.gather [hbm4b:s20+s4], $0x80, $0x38;
	[tilespmem:$0x11680] =	vst v63  }
0x40: {  	s22 =	rddreg [dreg:$0x11];
	s23 =	simm.s32 $0x10C80  }
0x41: {  	[tilespmem:s23], [sflag:$0x1] =	stream.linear.gather [hbm4b:s22+s4], $0x80, $0x38;
	[tilespmem:$0x11680] =	vst v63  }
0x42: {  	s20 =	rddreg [dreg:$0x12];
	s21 =	simm.s32 $0x10D00  }
0x43: {  	[tilespmem:s21], [sflag:$0x1] =	stream.linear.gather [hbm4b:s20+s4], $0x80, $0x38;
	[tilespmem:$0x11680] =	vst v63  }
0x44: {  	s22 =	rddreg [dreg:$0x13];
	s23 =	simm.s32 $0x10D80  }
0x45: {  	[tilespmem:s23], [sflag:$0x1] =	stream.linear.gather [hbm4b:s22+s4], $0x80, $0x38;
	[tilespmem:$0x11680] =	vst v63  }
0x46: {  	s20 =	rddreg [dreg:$0x14];
	s21 =	simm.s32 $0x10E00  }
0x47: {  	[tilespmem:s21], [sflag:$0x1] =	stream.linear.gather [hbm4b:s20+s4], $0x80, $0x38;
	[tilespmem:$0x11680] =	vst v63  }
0x48: {  	s22 =	rddreg [dreg:$0x15];
	s23 =	simm.s32 $0x10E80  }
0x49: {  	[tilespmem:s23], [sflag:$0x1] =	stream.linear.gather [hbm4b:s22+s4], $0x80, $0x38;
	[tilespmem:$0x11680] =	vst v63  }
0x4a: {  	s20 =	rddreg [dreg:$0x16];
	s21 =	simm.s32 $0x10F00  }
0x4b: {  	[tilespmem:s21], [sflag:$0x1] =	stream.linear.gather [hbm4b:s20+s4], $0x80, $0x38;
	[tilespmem:$0x11680] =	vst v63  }
0x4c: {  	s22 =	rddreg [dreg:$0x17];
	s23 =	simm.s32 $0x10F80  }
0x4d: {  	[tilespmem:s23], [sflag:$0x1] =	stream.linear.gather [hbm4b:s22+s4], $0x80, $0x38;
	[tilespmem:$0x11680] =	vst v63  }
0x4e: {  	s20 =	rddreg [dreg:$0x18];
	s21 =	simm.s32 $0x11000  }
0x4f: {  	[tilespmem:s21], [sflag:$0x1] =	stream.linear.gather [hbm4b:s20+s4], $0x80, $0x38;
	[tilespmem:$0x11680] =	vst v63  }
0x50: {  	s22 =	rddreg [dreg:$0x19];
	s23 =	simm.s32 $0x11080  }
0x51: {  	[tilespmem:s23], [sflag:$0x1] =	stream.linear.gather [hbm4b:s22+s4], $0x80, $0x38;
	[tilespmem:$0x11680] =	vst v63  }
0x52: {  	s19 =	rddreg [dreg:$0x1a];
	s20 =	simm.s32 $0x11100  }
0x53: {  	[tilespmem:s20], [sflag:$0x1] =	stream.linear.gather [hbm4b:s19+s4], $0x80, $0x38;
	[tilespmem:$0x11680] =	vst v63  }
0x54: {  	s21 =	simm.s32 $0x11180  }
0x55: {  	[tilespmem:s21], [sflag:$0x1] =	stream.linear.gather [hbm4b:s26+s4], $0x80, $0x38;
	[tilespmem:$0x11680] =	vst v63  }
0x56: {  	s22 =	simm.s32 $0x11200  }
0x57: {  	[tilespmem:s22], [sflag:$0x1] =	stream.linear.gather [hbm4b:s28+s4], $0x80, $0x38;
	[tilespmem:$0x11680] =	vst v63  }
0x58: {  	s23 =	simm.s32 $0x11280  }
0x59: {  	[tilespmem:s23], [sflag:$0x1] =	stream.linear.gather [hbm4b:s29+s4], $0x80, $0x38;
	[tilespmem:$0x11680] =	vst v63  }
0x5a: {  	_ =	swait.ge [sflag:s5], $0x900  }
0x5b: {  	[sflag:s5] =	ssyncset.done $0x0  }
0x5c: {  	[sflag:s5] =	ssyncadd.s32 $0xFFFFF700  }
0x5d: {  	[tilespmem:s6], [sflag:$0x2] =	stream.indirect.gather [hbm4b:s1+s31], $0x80, s4, s31, $0xb8;
	[tilespmem:$0x11680] =	vst v63  }
0x5e: {  	_ = 	snop  }
0x5f: {  	[tilespmem:s0], [sflag:$0x2] =	stream.indirect.gather [hbm4b:s1+s31], $0x80, s16, s31, $0xb8;
	[tilespmem:$0x11680] =	vst v63  }
0x60: {  	_ = 	snop  }
0x61: {  	[tilespmem:s7], [sflag:$0x2] =	stream.indirect.gather [hbm4b:s1+s31], $0x80, s17, s31, $0xb8;
	[tilespmem:$0x11680] =	vst v63  }
0x62: {  	s15 =	simm.s32 $0x0  }
0x63: {  	v1 =	vimm.f32 $0.0e+00;
	[tilespmem:s2], [sflag:$0x2] =	stream.indirect.gather [hbm4b:s1+s31], $0x80, s18, s31, $0xb8;
	[tilespmem:$0x11680] =	vst v63  }
.LBB2_2:
0x64: {  	s17 =	sshll.u32 s15, $0x7  }
0x65: {  	s16 =	sor.u32 $0x40, s17  }
0x66: {  	[tilespmem:s8], [sflag:$0x3] =	stream.indirect.gather [hbm4b:s1+s31], $0x80, s16, s31, $0xb8;
	[tilespmem:$0x11680] =	vst v63  }
0x67: {  	s18 =	sadd.s32 $0x240, s17  }
0x68: {  	[tilespmem:s9], [sflag:$0x3] =	stream.indirect.gather [hbm4b:s1+s31], $0x80, s18, s31, $0xb8;
	[tilespmem:$0x11680] =	vst v63  }
0x69: {  	s21 =	sadd.s32 $0x440, s17  }
0x6a: {  	[tilespmem:s10], [sflag:$0x3] =	stream.indirect.gather [hbm4b:s1+s31], $0x80, s21, s31, $0xb8;
	[tilespmem:$0x11680] =	vst v63  }
0x6b: {  	s22 =	sadd.s32 $0x640, s17  }
0x6c: {  	[tilespmem:s11], [sflag:$0x3] =	stream.indirect.gather [hbm4b:s1+s31], $0x80, s22, s31, $0xb8;
	[tilespmem:$0x11680] =	vst v63  }
0x6d: {  	_ =	swait.ge [sflag:s12], $0x2000  }
0x6e: {  	[sflag:s12] =	ssyncset.done $0x0  }
0x6f: {  	[sflag:s12] =	ssyncadd.s32 $0xFFFFE000  }
0x70: {  	_ =	swait.ge [sflag:s12], $0x2000  }
0x71: {  	[sflag:s12] =	ssyncset.done $0x0  }
0x72: {  	[sflag:s12] =	ssyncadd.s32 $0xFFFFE000  }
0x73: {  	_ =	swait.ge [sflag:s12], $0x2000  }
0x74: {  	[sflag:s12] =	ssyncset.done $0x0  }
0x75: {  	s23 =	sand.u32 $0x3FFFFF80, s17;
	[sflag:s12] =	ssyncadd.s32 $0xFFFFE000  }
0x76: {  	s19 =	sadd.s32 $0x800, s23;
	_ =	swait.ge [sflag:s12], $0x2000  }
0x77: {  	v0 =	vmov s19;
	[sflag:s12] =	ssyncset.done $0x0  }
0x78: {  	s19 =	simm.s32 $0x0;
	s18 =	simm.s32 $0x0;
	[tilespmem:$0x1FFE0] =	vst v0;
	[sflag:s12] =	ssyncadd.s32 $0xFFFFE000  }
.LBB2_3:
0x79: {  	v0 =	vld [tilespmem:$0x1FFE0];
	_ =	sdelay $0x5  }
0x7a: {  	s20 =	simm.s32 $0x1  }
0x7b: {  	s21 =	sshll.u32 s19, $0x4;
	v3 =	vmov s20  }
0x7c: {  	v5 =	vand.u32 $0x79, v3;
	v3 =	vld.idx.msk [tilespmem:v0+s21+$0x0 ss:$0x1], $0xffff  }
0x7d: {  	v0 =	vld [tilespmem:$0x1FFF0];
	_ =	sdelay $0x2  }
0x7e: {  	v4 =	vmov s21  }
0x7f: {  	v4 =	vshll.u32 v4, $0x7;
	v5 =	vbroadcast v5, $0x0  }
0x80: {  	v8 =	vor.u32 v0, v4  }
0x81: {  	s21 =	simm.s32 $0x2;
	v4 =	vor.u32 v8, v5  }
0x82: {  	v6 =	vmov s21  }
0x83: {  	v6 =	vand.u32 $0x7A, v6  }
0x84: {  	v6 =	vbroadcast v6, $0x0;
	v9 =	vshll.u32 v3, $0x7  }
0x85: {  	s22 =	simm.s32 $0x3;
	v5 =	vor.u32 v9, v5  }
0x86: {  	s23 =	simm.s32 $0x4;
	v7 =	vmov s22;
	v12 =	vor.u32 v8, v6;
	v10 =	vld.idx.msk [tilespmem:v4+s7+$0x0], $0xffff  }
0x87: {  	v11 =	vmov s23;
	v7 =	vand.u32 $0x7B, v7;
	v6 =	vor.u32 v9, v6;
	v13 =	vld.idx.msk [tilespmem:v4+s2+$0x0], $0xffff  }
0x88: {  	v11 =	vand.u32 $0x7C, v11;
	v7 =	vbroadcast v7, $0x0;
	v14 =	vld.idx.msk [tilespmem:v4+s6+$0x0], $0xffff  }
0x89: {  	v11 =	vbroadcast v11, $0x0;
	s21 =	simm.s32 $0x5;
	v4 =	vld.idx.msk [tilespmem:v4+s0+$0x0], $0xffff  }
0x8a: {  	v15 =	vmov s21;
	v16 =	vor.u32 v9, v7;
	v5 =	vld.idx.msk [tilespmem:v5+s3+$0x0], $0xffff  }
0x8b: {  	s22 =	simm.s32 $0x6;
	v15 =	vand.u32 $0x7D, v15;
	v18 =	vor.u32 v9, v11;
	v17 =	vld.idx.msk [tilespmem:v12+s2+$0x0], $0xffff  }
0x8c: {  	v19 =	vmov s22;
	v15 =	vbroadcast v15, $0x0;
	v20 =	vor.u32 v8, v11;
	v6 =	vld.idx.msk [tilespmem:v6+s3+$0x0], $0xffff  }
0x8d: {  	v11 =	vand.u32 $0x7E, v19;
	v19 =	vld.idx.msk [tilespmem:v12+s7+$0x0], $0xffff  }
0x8e: {  	v23 =	vor.u32 v8, v15;
	v22 =	vld.idx.msk [tilespmem:v12+s0+$0x0], $0xffff  }
0x8f: {  	v21 =	vbroadcast v11, $0x0;
	v11 =	vld.idx.msk [tilespmem:v16+s3+$0x0], $0xffff  }
0x90: {  	v31 =	vor.u32 v8, v7;
	v24 =	vld.idx.msk [tilespmem:v18+s3+$0x0], $0xffff  }
0x91: {  	v25 =	vld.idx.msk [tilespmem:v20+s2+$0x0], $0xffff  }
0x92: {  	v7 =	vld.idx.msk [tilespmem:v12+s6+$0x0], $0xffff  }
0x93: {  	v12 =	vor.u32 v9, v15;
	v15 =	vld.idx.msk [tilespmem:v23+s6+$0x0], $0xffff  }
0x94: {  	v16 =	vor.u32 v8, v21;
	v18 =	vor.u32 v9, v21;
	v21 =	vld.idx.msk [tilespmem:v23+s7+$0x0], $0xffff  }
0x95: {  	v30 =	vld.idx.msk [tilespmem:v31+s7+$0x0], $0xffff  }
0x96: {  	v35 =	vld.idx.msk [tilespmem:v20+s7+$0x0], $0xffff  }
0x97: {  	v40 =	vld.idx.msk [tilespmem:v20+s0+$0x0], $0xffff  }
0x98: {  	v26 =	vimm.f32 $0.0e+00;
	s23 =	simm.s32 $0x7;
	v36 =	vor.u32 $0x20, v8;
	v20 =	vld.idx.msk [tilespmem:v20+s6+$0x0], $0xffff  }
0x99: {  	v33 =	vld.idx.msk [tilespmem:v12+s3+$0x0], $0xffff;
	v12 =	vmov s23;
	v34 =	vsub.f32 v14, v13;
	v38 =	vsub.f32 v14, v4  }
0x9a: {  	v28 =	vld.idx.msk [tilespmem:v16+s6+$0x0], $0xffff;
	v14 =	vmov s18;
	v4 =	vsub.f32 v10, v4;
	v19 =	vsub.f32 v19, v22  }
0x9b: {  	v29 =	vld.idx.msk [tilespmem:v18+s3+$0x0], $0xffff;
	v43 =	vsub.f32 v7, v22;
	v7 =	vsub.f32 v7, v17;
	v12 =	vand.u32 $0x7F, v12  }
0x9c: {  	v18 =	vld.idx.msk [tilespmem:v16+s2+$0x0], $0xffff;
	v51 =	vsub.f32 v35, v40;
	v10 =	vand.u32 $0x78, v14;
	v12 =	vbroadcast v12, $0x0  }
0x9d: {  	v13 =	vld.idx.msk [tilespmem:v16+s7+$0x0], $0xffff;
	v56 =	vsub.f32 v20, v25;
	v58 =	vsub.f32 v20, v40;
	v10 =	vbroadcast v10, $0x0  }
0x9e: {  	v16 =	vld.idx.msk [tilespmem:v16+s0+$0x0], $0xffff;
	v37 =	vadd.f32 v5, v34;
	v39 =	vadd.f32 v5, v38;
	v42 =	vor.u32 v8, v12  }
0x9f: {  	v22 =	vld.idx.msk [tilespmem:v23+s0+$0x0], $0xffff;
	v5 =	vadd.f32 v5, v4;
	v44 =	vadd.f32 v6, v19;
	v17 =	vor.u32 v8, v10  }
0xa0: {  	v14 =	vld.idx.msk [tilespmem:v23+s2+$0x0], $0xffff;
	v23 =	vadd.f32 v6, v43;
	v27 =	vadd.f32 v6, v7;
	v54 =	vmul.f32 v4, v4  }
0xa1: {  	v32 =	vld.idx.msk [tilespmem:v31+s6+$0x0], $0xffff;
	v34 =	vmul.f32 v34, v34;
	v59 =	vadd.f32 v24, v51;
	v20 =	vmul.f32 v56, v56  }
0xa2: {  	v4 =	vld.idx.msk [tilespmem:v31+s0+$0x0], $0xffff;
	v40 =	vmul.f32 v51, v51;
	v46 =	vor.u32 v9, v10;
	v53 =	vor.u32 v9, v12  }
0xa3: {  	v50 =	vmul.f32 v5, v5;
	v10 =	vsub.f32 v28, v18;
	v6 =	vsub.f32 v13, v16;
	v48 =	vld.idx.msk [tilespmem:v42+s2+$0x0], $0xffff  }
0xa4: {  	v55 =	vmul.f32 v37, v37;
	v5 =	vsub.f32 v15, v22;
	v37 =	vsub.f32 v21, v22;
	v49 =	vld.idx.msk [tilespmem:v17+s2+$0x0], $0xffff  }
0xa5: {  	v18 =	vmul.f32 v39, v39;
	v13 =	vsub.f32 v15, v14;
	v15 =	vsub.f32 v28, v16;
	v63 =	vld.idx.msk [tilespmem:v17+s7+$0x0], $0xffff  }
0xa6: {  	v14 =	vmul.f32 v23, v23;
	v45 =	vadd.f32 v29, v10;
	v12 =	vadd.f32 v29, v6;
	v52 =	vld.idx.msk [tilespmem:v17+s6+$0x0], $0xffff  }
0xa7: {  	v28 =	vmul.f32 v38, v38;
	v39 =	vadd.f32 v33, v5;
	v47 =	vsub.f32 v30, v4;
	v57 =	vld.idx.msk [tilespmem:v17+s0+$0x0], $0xffff  }
0xa8: {  	v4 =	vsub.f32 v32, v4;
	v16 =	vadd.f32 v33, v37;
	v38 =	vmul.f32 v6, v6;
	v41 =	vld.idx.msk [tilespmem:v42+s6+$0x0], $0xffff  }
0xa9: {  	v30 =	vmul.f32 v43, v43;
	v23 =	vadd.f32 v33, v13;
	v33 =	vadd.f32 v24, v58;
	v60 =	vld.idx.msk [tilespmem:v46+s3+$0x0], $0xffff  }
0xaa: {  	v21 =	vmul.f32 v45, v45;
	v45 =	vmul.f32 v19, v19;
	v25 =	vadd.f32 v11, v47  }
0xab: {  	v46 =	vadd.f32 v11, v4;
	v22 =	vmul.f32 v4, v4;
	v6 =	vsub.f32 v52, v49  }
0xac: {  	v19 =	vadd.f32 v29, v15;
	v35 =	vmul.f32 v23, v23;
	v49 =	vsub.f32 v63, v57  }
0xad: {  	v17 =	vsub.f32 v41, v48;
	v57 =	vsub.f32 v52, v57;
	v4 =	vmul.f32 v6, v6  }
0xae: {  	v23 =	vmul.f32 v5, v5;
	v48 =	vadd.f32 v24, v56;
	v29 =	vadd.f32 v60, v49  }
0xaf: {  	v51 =	vld.idx.msk [tilespmem:v42+s0+$0x0], $0xffff;
	v52 =	vmul.f32 v7, v7;
	v6 =	vadd.f32 v60, v6;
	v43 =	vadd.f32 v4, v26  }
0xb0: {  	v5 =	vld.idx.msk [tilespmem:v36+s0+$0x0], $0xffff;
	v24 =	vmul.f32 v39, v39;
	v56 =	vadd.f32 v60, v57;
	v29 =	vmul.f32 v29, v29  }
0xb1: {  	v7 =	vld.idx.msk [tilespmem:v36+s7+$0x0], $0xffff;
	v60 =	vmul.f32 v44, v44;
	v61 =	vmul.f32 v6, v6;
	v34 =	vadd.f32 v34, v43  }
0xb2: {  	v62 =	vmul.f32 v49, v49;
	v4 =	vld.idx.msk [tilespmem:v36+s6+$0x0], $0xffff;
	v44 =	vmul.f32 v56, v56;
	v63 =	vadd.f32 v29, v26  }
0xb3: {  	v29 =	vmul.f32 v33, v33;
	v49 =	vadd.f32 v61, v26;
	v39 =	vadd.f32 v52, v34;
	v52 =	vld.idx.msk [tilespmem:v42+s7+$0x0], $0xffff  }
0xb4: {  	v43 =	vld.idx.msk [tilespmem:v31+s2+$0x0], $0xffff;
	v31 =	vadd.f32 v62, v26;
	v33 =	vmul.f32 v59, v59;
	v61 =	vadd.f32 v50, v63  }
0xb5: {  	v6 =	vld.idx.msk [tilespmem:v36+s2+$0x0], $0xffff;
	v50 =	vadd.f32 v55, v49;
	v34 =	vmul.f32 v58, v58;
	v49 =	vmul.f32 v57, v57  }
0xb6: {  	s20 =	simm.s32 $0x8;
	v36 =	vld.idx.msk [tilespmem:v53+s3+$0x0], $0xffff;
	v53 =	vadd.f32 v54, v31;
	v31 =	vimm.f32 $0.0e+00;
	v42 =	vadd.f32 v60, v61  }
.LBB2_4:
0xb7: {  	s22 =	sadd.s32 $0x1, s20  }
0xb8: {  	p0 =	slt.u32 s20, $0x18;
	v47 =	vmul.f32 v47, v47;
	v48 =	vmul.f32 v48, v48;
	v52 =	vsub.f32 v52, v51;
	s21 =	smov.u32 s20;
	s20 =	sadd.s32 $0x8, s20  }
0xb9: {  	v41 =	vsub.f32 v41, v51;
	v54 =	vmov s22;
	v45 =	vadd.f32 v45, v53  }
0xba: {  	v27 =	vmul.f32 v27, v27;
	v53 =	vsub.f32 v32, v43;
	v51 =	vand.u32 $0x79, v54  }
0xbb: {  	s22 =	sadd.s32 $0x2, s21;
	v32 =	vbroadcast v51, $0x0;
	v43 =	vadd.f32 v47, v45;
	v45 =	vadd.f32 v36, v17  }
0xbc: {  	v47 =	vmov s22;
	v51 =	vmul.f32 v37, v37;
	v37 =	vadd.f32 v36, v41  }
0xbd: {  	v27 =	vadd.f32 v27, v50;
	v54 =	vor.u32 v8, v32;
	v40 =	vadd.f32 v40, v43  }
0xbe: {  	v11 =	vadd.f32 v11, v53;
	v50 =	vor.u32 v9, v32;
	v32 =	vmul.f32 v46, v46  }
0xbf: {  	s22 =	sadd.s32 $0x4, s21;
	v46 =	vand.u32 $0x7A, v47;
	v43 =	vadd.f32 v36, v52;
	v40 =	vadd.f32 v51, v40  }
0xc0: {  	s23 =	sadd.s32 $0x3, s21;
	v11 =	vmul.f32 v11, v11;
	v36 =	vbroadcast v46, $0x0;
	v46 =	vmov s22  }
0xc1: {  	v47 =	vmov s23;
	s22 =	sadd.s32 $0x5, s21;
	v38 =	vadd.f32 v38, v40;
	v40 =	vmul.f32 v45, v45  }
0xc2: {  	v46 =	vand.u32 $0x7C, v46;
	v11 =	vadd.f32 v11, v27;
	v51 =	vor.u32 v8, v36;
	v45 =	vld.idx.msk [tilespmem:v54+s7+$0x0], $0xffff  }
0xc3: {  	s23 =	sadd.s32 $0x6, s21;
	v47 =	vand.u32 $0x7B, v47;
	v36 =	vor.u32 v9, v36;
	v46 =	vbroadcast v46, $0x0;
	v27 =	vld.idx.msk [tilespmem:v54+s2+$0x0], $0xffff  }
0xc4: {  	v47 =	vbroadcast v47, $0x0;
	v56 =	vmov s22;
	v11 =	vadd.f32 v48, v11;
	v55 =	vld.idx.msk [tilespmem:v54+s6+$0x0], $0xffff  }
0xc5: {  	v49 =	vadd.f32 v49, v26;
	v48 =	vld.idx.msk [tilespmem:v54+s0+$0x0], $0xffff;
	v54 =	vand.u32 $0x7D, v56;
	v56 =	vmov s23  }
0xc6: {  	v26 =	vor.u32 v8, v47;
	v47 =	vor.u32 v9, v47;
	v11 =	vadd.f32 v35, v11;
	v50 =	vld.idx.msk [tilespmem:v50+s3+$0x0], $0xffff  }
0xc7: {  	v58 =	vor.u32 v8, v46;
	v46 =	vor.u32 v9, v46;
	v35 =	vmul.f32 v52, v52;
	v57 =	vld.idx.msk [tilespmem:v51+s2+$0x0], $0xffff  }
0xc8: {  	v11 =	vadd.f32 v21, v11;
	v54 =	vbroadcast v54, $0x0;
	v52 =	vld.idx.msk [tilespmem:v36+s3+$0x0], $0xffff;
	v36 =	vand.u32 $0x7E, v56  }
0xc9: {  	v53 =	vmul.f32 v53, v53;
	v21 =	vld.idx.msk [tilespmem:v51+s7+$0x0], $0xffff;
	v56 =	vbroadcast v36, $0x0;
	v36 =	vadd.f32 v35, v38  }
0xca: {  	v40 =	vadd.f32 v40, v11;
	v59 =	vor.u32 v8, v54;
	v38 =	vsub.f32 v55, v27;
	v27 =	vld.idx.msk [tilespmem:v51+s0+$0x0], $0xffff  }
0xcb: {  	v53 =	vadd.f32 v53, v39;
	v35 =	vsub.f32 v55, v48;
	v11 =	vld.idx.msk [tilespmem:v47+s3+$0x0], $0xffff;
	v47 =	vor.u32 v8, v56  }
0xcc: {  	v25 =	vmul.f32 v25, v25;
	v55 =	vadd.f32 v50, v38;
	v39 =	vld.idx.msk [tilespmem:v46+s3+$0x0], $0xffff;
	v46 =	vor.u32 v9, v54  }
0xcd: {  	s22 =	sadd.s32 $0x7, s21;
	v20 =	vadd.f32 v20, v53;
	v56 =	vor.u32 v9, v56;
	v54 =	vadd.f32 v50, v35;
	v60 =	vld.idx.msk [tilespmem:v58+s2+$0x0], $0xffff  }
0xce: {  	v25 =	vadd.f32 v25, v42;
	v45 =	vsub.f32 v45, v48;
	v48 =	vld.idx.msk [tilespmem:v51+s6+$0x0], $0xffff;
	v51 =	vmov s22  }
0xcf: {  	v13 =	vmul.f32 v13, v13;
	v28 =	vadd.f32 v28, v49;
	v17 =	vmul.f32 v17, v17;
	v42 =	vld.idx.msk [tilespmem:v59+s6+$0x0], $0xffff  }
0xd0: {  	v16 =	vmul.f32 v16, v16;
	v25 =	vadd.f32 v33, v25;
	v49 =	vsub.f32 v21, v27;
	v21 =	vld.idx.msk [tilespmem:v59+s7+$0x0], $0xffff  }
0xd1: {  	v10 =	vmul.f32 v10, v10;
	v13 =	vadd.f32 v13, v20;
	v50 =	vadd.f32 v50, v45;
	v53 =	vld.idx.msk [tilespmem:v47+s6+$0x0], $0xffff  }
0xd2: {  	v12 =	vmul.f32 v12, v12;
	v16 =	vadd.f32 v16, v25;
	v33 =	vadd.f32 v52, v49;
	v56 =	vld.idx.msk [tilespmem:v56+s3+$0x0], $0xffff  }
0xd3: {  	v31 =	vadd.f32 v44, v31;
	v20 =	vmov s21;
	v10 =	vadd.f32 v10, v13;
	v25 =	vld.idx.msk [tilespmem:v26+s7+$0x0], $0xffff  }
0xd4: {  	v13 =	vand.u32 $0x78, v20;
	v20 =	vadd.f32 v30, v28;
	v44 =	vsub.f32 v48, v27;
	v46 =	vld.idx.msk [tilespmem:v46+s3+$0x0], $0xffff  }
0xd5: {  	v18 =	vadd.f32 v18, v31;
	v13 =	vbroadcast v13, $0x0;
	v48 =	vsub.f32 v48, v57;
	v28 =	vld.idx.msk [tilespmem:v47+s2+$0x0], $0xffff  }
0xd6: {  	v51 =	vand.u32 $0x7F, v51;
	v57 =	vadd.f32 v17, v10;
	v30 =	vadd.f32 v52, v44;
	v31 =	vld.idx.msk [tilespmem:v47+s7+$0x0], $0xffff  }
0xd7: {  	v61 =	vor.u32 v9, v13;
	v17 =	vor.u32 v8, v13;
	v10 =	vadd.f32 v14, v18;
	v62 =	vld.idx.msk [tilespmem:v58+s7+$0x0], $0xffff  }
0xd8: {  	v13 =	vbroadcast v51, $0x0;
	v14 =	vadd.f32 v22, v20;
	v27 =	vadd.f32 v52, v48;
	v47 =	vld.idx.msk [tilespmem:v47+s0+$0x0], $0xffff  }
0xd9: {  	v12 =	vadd.f32 v12, v16;
	v16 =	vmul.f32 v43, v43;
	v20 =	vadd.f32 v32, v10;
	v18 =	vld.idx.msk [tilespmem:v59+s2+$0x0], $0xffff  }
0xda: {  	v51 =	vor.u32 v8, v13;
	v63 =	vor.u32 v9, v13;
	v13 =	vadd.f32 v34, v14;
	v43 =	vld.idx.msk [tilespmem:v26+s2+$0x0], $0xffff  }
0xdb: {  	v14 =	vadd.f32 v29, v20;
	v10 =	vsub.f32 v53, v28;
	v22 =	vld.idx.msk [tilespmem:v58+s0+$0x0], $0xffff  }
0xdc: {  	v15 =	vmul.f32 v15, v15;
	v13 =	vadd.f32 v23, v13;
	v29 =	vadd.f32 v16, v12;
	v20 =	vld.idx.msk [tilespmem:v59+s0+$0x0], $0xffff  }
0xdd: {  	v12 =	vadd.f32 v24, v14;
	v14 =	vmul.f32 v19, v19;
	v23 =	vadd.f32 v56, v10;
	v16 =	vld.idx.msk [tilespmem:v58+s6+$0x0], $0xffff  }
0xde: {  	v15 =	vadd.f32 v15, v13;
	v58 =	vmul.f32 v45, v45;
	v19 =	vsub.f32 v31, v47;
	v32 =	vld.idx.msk [tilespmem:v26+s6+$0x0], $0xffff  }
0xdf: {  	v28 =	vmul.f32 v41, v41;
	v13 =	vsub.f32 v42, v18;
	v18 =	vadd.f32 v14, v12;
	v24 =	vld.idx.msk [tilespmem:v51+s2+$0x0], $0xffff  }
0xe0: {  	v34 =	vmul.f32 v38, v38;
	v31 =	vmul.f32 v37, v37;
	v12 =	vadd.f32 v56, v19;
	v38 =	vld.idx.msk [tilespmem:v26+s0+$0x0], $0xffff  }
0xe1: {  	v14 =	vmul.f32 v30, v30;
	v30 =	vadd.f32 v46, v13;
	v26 =	vadd.f32 v28, v15;
	v41 =	vld.idx.msk [tilespmem:v51+s6+$0x0], $0xffff  }
0xe2: {  	v50 =	vmul.f32 v50, v50;
	v59 =	vsub.f32 v62, v22;
	v42 =	vsub.f32 v42, v20;
	v52 =	vld.idx.msk [tilespmem:v17+s2+$0x0], $0xffff  }
0xe3: {  	v55 =	vmul.f32 v55, v55;
	v31 =	vadd.f32 v31, v18;
	v37 =	vsub.f32 v21, v20;
	v62 =	vld.idx.msk [tilespmem:v17+s7+$0x0], $0xffff  }
0xe4: {  	v18 =	vmul.f32 v54, v54;
	v21 =	vmul.f32 v23, v23;
	v54 =	vadd.f32 v46, v42;
	v0 =	vld.idx.msk [tilespmem:v17+s6+$0x0], $0xffff  }
0xe5: {  	v45 =	vmul.f32 v49, v49;
	v15 =	vsub.f32 v53, v47;
	v49 =	vsub.f32 v16, v60;
	v23 =	vld.idx.msk [tilespmem:v17+s0+$0x0], $0xffff  }
0xe6: {  	v28 =	vmul.f32 v35, v35;
	v53 =	vsub.f32 v16, v22;
	v60 =	vadd.f32 v39, v59  }
0xe7: {  	v20 =	vmul.f32 v49, v49;
	v22 =	vsub.f32 v32, v38;
	v47 =	vsub.f32 v25, v38;
	v61 =	vld.idx.msk [tilespmem:v61+s3+$0x0], $0xffff  }
0xe8: {  	v16 =	vadd.f32 v46, v37;
	v38 =	vmul.f32 v19, v19;
	v17 =	vsub.f32 v41, v24  }
0xe9: {  	v2 =	vadd.f32 v39, v53;
	v25 =	vadd.f32 v11, v47  }
0xea: {  	v46 =	vadd.f32 v11, v22;
	v22 =	vmul.f32 v22, v22;
	v24 =	vsub.f32 v0, v52  }
0xeb: {  	v35 =	vmul.f32 v30, v30;
	v0 =	vsub.f32 v0, v23;
	v62 =	vsub.f32 v62, v23  }
0xec: {  	v30 =	vmul.f32 v44, v44;
	v19 =	vadd.f32 v56, v15;
	v23 =	vmul.f32 v24, v24  }
0xed: {  	v56 =	vmul.f32 v48, v48;
	v44 =	vadd.f32 v61, v62;
	v24 =	vadd.f32 v61, v24  }
0xee: {  	v48 =	vadd.f32 v39, v49;
	v57 =	vadd.f32 v23, v57;
	v23 =	vmul.f32 v42, v42  }
0xef: {  	v42 =	vadd.f32 v61, v0;
	v61 =	vmul.f32 v33, v33;
	v39 =	vmul.f32 v44, v44;
	v52 =	vld.idx.msk [tilespmem:v51+s7+$0x0], $0xffff  }
0xf0: {  	v33 =	vmul.f32 v24, v24;
	v24 =	vmul.f32 v54, v54;
	v34 =	vadd.f32 v34, v57;
	v51 =	vld.idx.msk [tilespmem:v51+s0+$0x0], $0xffff  }
.Ltmp0:
0xf1: {  	v44 =	vmul.f32 v62, v62;
	v49 =	vadd.f32 v39, v29;
	v29 =	vmul.f32 v2, v2;
	(pc) =	sbr.rel @p0 .LBB2_4-.Ltmp0, $4  }
0xf2: {  	v2 =	vadd.f32 v33, v40;
	v40 =	vmul.f32 v59, v59;
	v39 =	vadd.f32 v56, v34  }
0xf3: {  	v54 =	vadd.f32 v44, v36;
	v33 =	vmul.f32 v60, v60;
	v56 =	vadd.f32 v50, v49;
	v36 =	vld.idx.msk [tilespmem:v63+s3+$0x0], $0xffff  }
0xf4: {  	v44 =	vmul.f32 v42, v42;
	v34 =	vmul.f32 v53, v53;
	v50 =	vadd.f32 v55, v2  }
0xf5: {  	v49 =	vmul.f32 v0, v0;
	v53 =	vadd.f32 v58, v54;
	v42 =	vadd.f32 v61, v56  }
0xf6: {  	v55 =	vmul.f32 v48, v48  }
0xf7: {  	v56 =	vmul.f32 v37, v37;
	v15 =	vmul.f32 v15, v15  }
0xf8: {  	v9 =	vadd.f32 v44, v31;
	v19 =	vmul.f32 v19, v19;
	v31 =	vmul.f32 v25, v25  }
0xf9: {  	v0 =	vsub.f32 v52, v51;
	v13 =	vmul.f32 v13, v13;
	v16 =	vmul.f32 v16, v16  }
0xfa: {  	v10 =	vmul.f32 v10, v10;
	v12 =	vmul.f32 v12, v12;
	vm1 =	veq.s32 v3, $0x3  }
0xfb: {  	vm2 =	veq.s32 v3, $0x5;
	v2 =	vadd.f32 v49, v26;
	v8 =	vadd.f32 v45, v53  }
0xfc: {  	v45 =	vmul.f32 v47, v47;
	v47 =	vsub.f32 v41, v51;
	v49 =	vsub.f32 v32, v43  }
0xfd: {  	vm15 =	vlt.u32 v3, $0x2;
	v9 =	vadd.f32 v18, v9;
	v52 =	vadd.f32 v36, v17  }
0xfe: {  	v51 =	vmul.f32 v27, v27;
	v58 =	vadd.f32 v36, v0;
	v2 =	vadd.f32 v28, v2  }
0xff: {  	vm3 =	veq.s32 v3, $0xD;
	v8 =	vadd.f32 v45, v8;
	v54 =	vadd.f32 v36, v47  }
0x100: {  	vm4 =	veq.s32 v3, $0x11;
	v18 =	vadd.f32 v51, v50;
	v11 =	vadd.f32 v11, v49  }
0x101: {  	v53 =	vmul.f32 v46, v46;
	v9 =	vadd.f32 v14, v9;
	v2 =	vadd.f32 v30, v2  }
0x102: {  	v36 =	vadd.f32 v31, v42;
	v8 =	vadd.f32 v40, v8;
	v11 =	vmul.f32 v11, v11  }
0x103: {  	v46 =	vand.u32 $0xFFFFFFFD, v3;
	v9 =	vadd.f32 v53, v9;
	v2 =	vadd.f32 v22, v2  }
0x104: {  	vm1 =	vmor vm1, vm2;
	v8 =	vadd.f32 v56, v8;
	v11 =	vadd.f32 v11, v18  }
0x105: {  	v0 =	vmul.f32 v0, v0;
	v9 =	vadd.f32 v29, v9;
	v2 =	vadd.f32 v34, v2  }
0x106: {  	v29 =	vmul.f32 v49, v49;
	v11 =	vadd.f32 v55, v11;
	v8 =	vadd.f32 v38, v8  }
0x107: {  	v57 =	vmul.f32 v47, v47;
	v9 =	vadd.f32 v24, v9;
	v2 =	vadd.f32 v23, v2  }
0x108: {  	v42 =	vmul.f32 v17, v17;
	v34 =	vadd.f32 v29, v39;
	v11 =	vadd.f32 v35, v11  }
0x109: {  	v59 =	vmul.f32 v52, v52;
	v0 =	vadd.f32 v0, v8;
	v2 =	vadd.f32 v15, v2  }
0x10a: {  	v14 =	vmul.f32 v54, v54;
	v9 =	vadd.f32 v19, v9;
	v8 =	vadd.f32 v20, v34  }
0x10b: {  	v44 =	vmul.f32 v58, v58;
	v11 =	vadd.f32 v21, v11;
	v2 =	vadd.f32 v57, v2  }
0x10c: {  	v15 =	vadd.f32 v33, v36;
	v0 =	vmax.f32 v0, $1.000000020e-24;
	v9 =	vadd.f32 v14, v9  }
0x10d: {  	v8 =	vadd.f32 v13, v8;
	v48 =	vshrl.u32 v0, $0x1;
	v2 =	vmax.f32 v2, $1.000000020e-24  }
0x10e: {  	v49 =	vmul.f32 $5.000000000e-01, v0;
	v60 =	vshrl.u32 v2, $0x1;
	v61 =	vmul.f32 $5.000000000e-01, v2  }
0x10f: {  	v11 =	vadd.f32 v59, v11;
	v9 =	vmax.f32 v9, $1.000000020e-24;
	v14 =	vsub.s32 $0x5F3759DF, v60  }
0x110: {  	v62 =	vshrl.u32 v9, $0x1;
	v63 =	vmul.f32 $5.000000000e-01, v9;
	v30 =	vmul.f32 v14, v61  }
0x111: {  	v40 =	vadd.f32 v16, v15;
	v13 =	vsub.s32 $0x5F3759DF, v48;
	v22 =	vsub.s32 $0x5F3759DF, v62  }
0x112: {  	v8 =	vadd.f32 v10, v8;
	v32 =	vmul.f32 v22, v63;
	v35 =	vmul.f32 v14, v30  }
0x113: {  	v51 =	vmul.f32 v13, v49;
	v12 =	vadd.f32 v12, v40;
	v11 =	vmax.f32 v11, $1.000000020e-24  }
0x114: {  	v8 =	vadd.f32 v42, v8;
	v37 =	vmul.f32 v22, v32;
	v38 =	vsub.f32 $1.500000000e+00, v35  }
0x115: {  	v17 =	vmul.f32 v13, v51;
	v59 =	vshrl.u32 v11, $0x1;
	v12 =	vadd.f32 v44, v12  }
0x116: {  	v8 =	vmax.f32 v8, $1.000000020e-24;
	v21 =	vsub.f32 $1.500000000e+00, v37;
	v39 =	vmul.f32 v14, v38  }
0x117: {  	v60 =	vmul.f32 $5.000000000e-01, v11;
	v56 =	vshrl.u32 v8, $0x1;
	v57 =	vmul.f32 $5.000000000e-01, v8  }
0x118: {  	v41 =	vmul.f32 v22, v21;
	v22 =	vsub.s32 $0x5F3759DF, v56;
	v43 =	vmul.f32 v39, v61  }
0x119: {  	v62 =	vsub.s32 $0x5F3759DF, v59;
	v17 =	vsub.f32 $1.500000000e+00, v17;
	v58 =	vmul.f32 v22, v57  }
0x11a: {  	v12 =	vmax.f32 v12, $1.000000020e-24;
	v45 =	vmul.f32 v41, v63;
	v10 =	vmul.f32 v43, v39  }
0x11b: {  	v25 =	vmul.f32 v62, v60;
	v53 =	vshrl.u32 v12, $0x1;
	v24 =	vmul.f32 v22, v58  }
0x11c: {  	v54 =	vmul.f32 $5.000000000e-01, v12;
	v47 =	vmul.f32 v45, v41;
	v10 =	vsub.f32 $1.500000000e+00, v10  }
0x11d: {  	v13 =	vmul.f32 v13, v17;
	v19 =	vsub.s32 $0x5F3759DF, v53;
	v28 =	vsub.f32 $1.500000000e+00, v24  }
0x11e: {  	v29 =	vmul.f32 v62, v25;
	v14 =	vsub.f32 $1.500000000e+00, v47;
	v10 =	vmul.f32 v10, v39  }
0x11f: {  	vm3 =	vmor vm3, vm4;
	v55 =	vmul.f32 v19, v54;
	v32 =	vmul.f32 v22, v28  }
0x120: {  	vm0 =	veq.s32 v46, $0x4;
	v14 =	vmul.f32 v14, v41;
	v50 =	vmul.f32 v10, v61  }
0x121: {  	vm2 =	vmor vm3, vm15;
	v21 =	vmul.f32 v19, v55;
	v3 =	vmul.f32 v32, v57  }
0x122: {  	v33 =	vsub.f32 $1.500000000e+00, v29;
	v52 =	vmul.f32 v14, v63;
	v15 =	vmul.f32 v50, v10  }
0x123: {  	v63 =	vmul.f32 v13, v49;
	v61 =	vsub.f32 $1.500000000e+00, v21;
	v3 =	vmul.f32 v3, v32  }
0x124: {  	v56 =	vsub.f32 v5, v7;
	v18 =	vmul.f32 v52, v14;
	v15 =	vsub.f32 $1.500000000e+00, v15  }
0x125: {  	v30 =	vmul.f32 v63, v13;
	v17 =	vmul.f32 v19, v61;
	v3 =	vsub.f32 $1.500000000e+00, v3  }
0x126: {  	v18 =	vsub.f32 $1.500000000e+00, v18;
	v10 =	vmul.f32 v15, v10;
	v15 =	vmul.f32 v62, v33  }
0x127: {  	v34 =	vsub.f32 $1.500000000e+00, v30;
	v31 =	vmul.f32 v17, v54;
	v3 =	vmul.f32 v3, v32  }
0x128: {  	v38 =	vsub.f32 v4, v5;
	v14 =	vmul.f32 v18, v14;
	v37 =	vmul.f32 v15, v60  }
0x129: {  	v58 =	vsub.f32 v4, v6;
	v13 =	vmul.f32 v34, v13;
	v35 =	vmul.f32 v31, v17  }
0x12a: {  	v39 =	vsub.f32 v5, v4;
	v44 =	vmul.f32 v3, v57;
	v18 =	vmul.f32 v37, v15  }
0x12b: {  	v50 =	vsub.f32 v7, v5;
	v9 =	vmul.f32 v14, v9;
	v16 =	vmul.f32 v13, v49  }
0x12c: {  	v2 =	vmul.f32 v10, v2;
	v36 =	vsub.f32 $1.500000000e+00, v35;
	v41 =	vsub.f32 $1.500000000e+00, v18  }
0x12d: {  	v61 =	vand.u32 $0x7FFFFFFF, v58;
	v47 =	vmul.f32 v44, v3;
	v16 =	vmul.f32 v16, v13  }
0x12e: {  	v14 =	vmul.f32 v36, v17;
	v40 =	vsub.f32 v2, v38;
	v10 =	vmul.f32 v41, v15  }
0x12f: {  	v57 =	vand.u32 $0x7FFFFFFF, v50;
	v51 =	vsub.f32 $1.500000000e+00, v47;
	v16 =	vsub.f32 $1.500000000e+00, v16  }
0x130: {  	v42 =	vsub.f32 v2, v39;
	v20 =	vmul.f32 v14, v54;
	v48 =	vmul.f32 v10, v60  }
0x131: {  	v17 =	vand.u32 $0x7FFFFFFF, v38;
	v3 =	vmul.f32 v51, v3;
	v13 =	vmul.f32 v16, v13  }
0x132: {  	v2 =	vadd.f32 v2, v17;
	v43 =	vmul.f32 v20, v14;
	v52 =	vmul.f32 v48, v10  }
0x133: {  	v46 =	vmax.f32 v42, $0.0e+00;
	v53 =	vmax.f32 v40, $0.0e+00;
	v3 =	vmul.f32 v3, v8  }
0x134: {  	v0 =	vmul.f32 v13, v0;
	v45 =	vsub.f32 $1.500000000e+00, v43;
	v55 =	vsub.f32 $1.500000000e+00, v52  }
0x135: {  	v2 =	vsel vm2, v2, v9;
	v60 =	vsub.f32 v6, v4;
	v6 =	vadd.f32 v3, v61  }
0x136: {  	v54 =	vsub.f32 v0, v50;
	v49 =	vmul.f32 v45, v14;
	v59 =	vmul.f32 v55, v10  }
0x137: {  	v2 =	vsel vm1, v46, v2;
	v5 =	vsub.f32 v0, v56;
	v0 =	vadd.f32 v0, v57  }
0x138: {  	v4 =	vsub.f32 v3, v60;
	v9 =	vmul.f32 v49, v12;
	v62 =	vmul.f32 v59, v11  }
0x139: {  	v3 =	vsub.f32 v3, v58;
	v63 =	vmax.f32 v54, $0.0e+00;
	v5 =	vmax.f32 v5, $0.0e+00  }
0x13a: {  	v4 =	vmax.f32 v4, $0.0e+00;
	v0 =	vsel vm2, v0, v9;
	v6 =	vsel vm2, v6, v62  }
0x13b: {  	v3 =	vmax.f32 v3, $0.0e+00;
	v0 =	vsel vm1, v5, v0;
	v4 =	vsel vm1, v4, v6  }
0x13c: {  	v2 =	vsel vm0, v53, v2;
	v0 =	vsel vm0, v63, v0;
	v3 =	vsel vm0, v3, v4  }
0x13d: {  	v0 =	vsub.f32 v2, v0;
	v2 =	vsub.f32 v2, v3  }
0x13e: {  	s19 =	sadd.s32 $0x1, s19  }
0x13f: {  	p0 =	sne.s32 s19, $0x4;
	v0 =	vadd.f32 $1.000000000e+00, v0;
	v2 =	vadd.f32 $1.000000000e+00, v2  }
.Ltmp1:
0x140: {  	_ = 	snop;
	(pc) =	sbr.rel @p0 .LBB2_3-.Ltmp1, $3  }
0x141: {  	v0 =	vmax.f32 v0, $0.0e+00;
	v2 =	vmax.f32 v2, $0.0e+00  }
0x142: {  	v0 =	vadd.f32 v2, v0;
	_ =	sdelay $0x1  }
0x143: {  	v1 =	vadd.f32 v0, v1  }
0x144: {  	p0 =	seq.s32 s15, $0x3  }
0x145: {  	s18 =	sadd.s32 @!p0 $0x80, s17;
	s19 =	simm.s32 @!p0 $0x40;
	s20 =	simm.s32 @!p0 $0xA00  }
0x146: {  	[tilespmem:s20], [sflag:$0x2] =	stream.indirect.gather @!p0 [hbm4b:s1+s19], $0x80, s18, s19, $0xb8;
	[tilespmem:$0x11680] =	vst v63  }
0x147: {  	s18 =	sadd.s32 @!p0 $0x280, s17;
	s20 =	simm.s32 @!p0 $0x2A00  }
0x148: {  	[tilespmem:s20], [sflag:$0x2] =	stream.indirect.gather @!p0 [hbm4b:s1+s19], $0x80, s18, s19, $0xb8;
	[tilespmem:$0x11680] =	vst v63  }
0x149: {  	s18 =	sadd.s32 @!p0 $0x480, s17;
	s20 =	simm.s32 @!p0 $0x4A00  }
0x14a: {  	[tilespmem:s20], [sflag:$0x2] =	stream.indirect.gather @!p0 [hbm4b:s1+s19], $0x80, s18, s19, $0xb8;
	[tilespmem:$0x11680] =	vst v63  }
0x14b: {  	s17 =	sadd.s32 @!p0 $0x680, s17;
	s18 =	simm.s32 @!p0 $0x6A00  }
0x14c: {  	[tilespmem:s18], [sflag:$0x2] =	stream.indirect.gather @!p0 [hbm4b:s1+s19], $0x80, s17, s19, $0xb8;
	[tilespmem:$0x11680] =	vst v63  }
0x14d: {  	_ =	swait.ge [sflag:s13], $0x2000  }
0x14e: {  	[sflag:s13] =	ssyncset.done $0x0  }
0x14f: {  	[sflag:s13] =	ssyncadd.s32 $0xFFFFE000  }
0x150: {  	_ =	swait.ge [sflag:s13], $0x2000  }
0x151: {  	[sflag:s13] =	ssyncset.done $0x0  }
0x152: {  	[sflag:s13] =	ssyncadd.s32 $0xFFFFE000  }
0x153: {  	_ =	swait.ge [sflag:s13], $0x2000  }
0x154: {  	[sflag:s13] =	ssyncset.done $0x0  }
0x155: {  	[sflag:s13] =	ssyncadd.s32 $0xFFFFE000  }
0x156: {  	s23 =	sadd.s32 $0x800, s16;
	_ =	swait.ge [sflag:s13], $0x2000  }
0x157: {  	v0 =	vmov s23;
	[sflag:s13] =	ssyncset.done $0x0  }
0x158: {  	s16 =	simm.s32 $0x0;
	s17 =	simm.s32 $0x0;
	[tilespmem:$0x1FFD0] =	vst v0;
	[sflag:s13] =	ssyncadd.s32 $0xFFFFE000  }
.LBB2_7:
0x159: {  	v2 =	vld [tilespmem:$0x1FFD0];
	_ =	sdelay $0x5  }
0x15a: {  	s19 =	sshll.u32 s17, $0x4  }
0x15b: {  	v3 =	vmov s19  }
0x15c: {  	v4 =	vshll.u32 v3, $0x7;
	v3 =	vld.idx.msk [tilespmem:v2+s19+$0x0 ss:$0x1], $0xffff  }
0x15d: {  	v2 =	vld [tilespmem:$0x1FFF0]  }
0x15e: {  	s18 =	simm.s32 $0x1  }
0x15f: {  	v0 =	vmov s18  }
0x160: {  	v0 =	vand.u32 $0x79, v0  }
0x161: {  	v0 =	vbroadcast v0, $0x0  }
0x162: {  	v8 =	vor.u32 v2, v4  }
0x163: {  	s23 =	simm.s32 $0x2;
	v4 =	vor.u32 v8, v0  }
0x164: {  	v5 =	vmov s23  }
0x165: {  	v5 =	vand.u32 $0x7A, v5  }
0x166: {  	v5 =	vbroadcast v5, $0x0;
	v9 =	vshll.u32 v3, $0x7  }
0x167: {  	s19 =	simm.s32 $0x3;
	v0 =	vor.u32 v9, v0  }
0x168: {  	s20 =	simm.s32 $0x4;
	v6 =	vmov s19;
	v10 =	vor.u32 v8, v5;
	v7 =	vld.idx.msk [tilespmem:v4+s10+$0x0], $0xffff  }
0x169: {  	v11 =	vmov s20;
	v6 =	vand.u32 $0x7B, v6;
	v5 =	vor.u32 v9, v5;
	v12 =	vld.idx.msk [tilespmem:v4+s11+$0x0], $0xffff  }
0x16a: {  	v11 =	vand.u32 $0x7C, v11;
	v6 =	vbroadcast v6, $0x0;
	v13 =	vld.idx.msk [tilespmem:v4+s8+$0x0], $0xffff  }
0x16b: {  	s21 =	simm.s32 $0x5;
	v11 =	vbroadcast v11, $0x0;
	v4 =	vld.idx.msk [tilespmem:v4+s9+$0x0], $0xffff  }
0x16c: {  	v14 =	vmov s21;
	v15 =	vor.u32 v9, v6;
	v0 =	vld.idx.msk [tilespmem:v0+s3+$0x0], $0xffff  }
0x16d: {  	s22 =	simm.s32 $0x6;
	v14 =	vand.u32 $0x7D, v14;
	v17 =	vor.u32 v9, v11;
	v16 =	vld.idx.msk [tilespmem:v10+s11+$0x0], $0xffff  }
0x16e: {  	v18 =	vmov s22;
	v14 =	vbroadcast v14, $0x0;
	v19 =	vor.u32 v8, v11;
	v5 =	vld.idx.msk [tilespmem:v5+s3+$0x0], $0xffff  }
0x16f: {  	v11 =	vand.u32 $0x7E, v18;
	v18 =	vld.idx.msk [tilespmem:v10+s10+$0x0], $0xffff  }
0x170: {  	v22 =	vor.u32 v8, v14;
	v21 =	vld.idx.msk [tilespmem:v10+s9+$0x0], $0xffff  }
0x171: {  	v20 =	vbroadcast v11, $0x0;
	v11 =	vld.idx.msk [tilespmem:v15+s3+$0x0], $0xffff  }
0x172: {  	v23 =	vld.idx.msk [tilespmem:v17+s3+$0x0], $0xffff  }
0x173: {  	v17 =	vld.idx.msk [tilespmem:v19+s11+$0x0], $0xffff  }
0x174: {  	v31 =	vor.u32 v8, v6;
	v6 =	vld.idx.msk [tilespmem:v10+s8+$0x0], $0xffff  }
0x175: {  	v24 =	vld.idx.msk [tilespmem:v22+s8+$0x0], $0xffff  }
0x176: {  	v34 =	vor.u32 $0x20, v8;
	v25 =	vld.idx.msk [tilespmem:v22+s10+$0x0], $0xffff  }
0x177: {  	v10 =	vor.u32 v9, v14;
	v35 =	vld.idx.msk [tilespmem:v19+s10+$0x0], $0xffff  }
0x178: {  	v15 =	vor.u32 v8, v20;
	v43 =	vld.idx.msk [tilespmem:v19+s9+$0x0], $0xffff  }
0x179: {  	v20 =	vor.u32 v9, v20;
	v19 =	vld.idx.msk [tilespmem:v19+s8+$0x0], $0xffff  }
0x17a: {  	v32 =	vld.idx.msk [tilespmem:v31+s8+$0x0], $0xffff  }
0x17b: {  	v26 =	vimm.f32 $0.0e+00;
	s23 =	simm.s32 $0x7;
	v2 =	vld.idx.msk [tilespmem:v34+s10+$0x0], $0xffff  }
0x17c: {  	v30 =	vld.idx.msk [tilespmem:v10+s3+$0x0], $0xffff;
	v10 =	vmov s23;
	v12 =	vsub.f32 v13, v12;
	v38 =	vsub.f32 v13, v4  }
0x17d: {  	v28 =	vld.idx.msk [tilespmem:v15+s8+$0x0], $0xffff;
	v4 =	vsub.f32 v7, v4;
	v40 =	vsub.f32 v18, v21;
	v10 =	vand.u32 $0x7F, v10  }
0x17e: {  	v29 =	vld.idx.msk [tilespmem:v20+s3+$0x0], $0xffff;
	v44 =	vsub.f32 v6, v21;
	v36 =	vbroadcast v10, $0x0;
	v10 =	vmov s16  }
0x17f: {  	v14 =	vld.idx.msk [tilespmem:v15+s11+$0x0], $0xffff;
	v6 =	vsub.f32 v6, v16;
	v51 =	vsub.f32 v35, v43;
	v7 =	vand.u32 $0x78, v10  }
0x180: {  	v33 =	vld.idx.msk [tilespmem:v15+s10+$0x0], $0xffff;
	v55 =	vsub.f32 v19, v17;
	v56 =	vsub.f32 v19, v43;
	v7 =	vbroadcast v7, $0x0  }
0x181: {  	v15 =	vld.idx.msk [tilespmem:v15+s9+$0x0], $0xffff;
	v37 =	vadd.f32 v0, v12;
	v39 =	vadd.f32 v0, v38;
	v42 =	vor.u32 v8, v36  }
0x182: {  	v13 =	vld.idx.msk [tilespmem:v22+s11+$0x0], $0xffff;
	v0 =	vadd.f32 v0, v4;
	v49 =	vadd.f32 v5, v40;
	v16 =	vor.u32 v8, v7  }
0x183: {  	v18 =	vld.idx.msk [tilespmem:v22+s9+$0x0], $0xffff;
	v21 =	vadd.f32 v5, v44;
	v27 =	vadd.f32 v5, v6;
	v53 =	vmul.f32 v4, v4  }
0x184: {  	v20 =	vld.idx.msk [tilespmem:v31+s10+$0x0], $0xffff;
	v50 =	vmul.f32 v12, v12;
	v45 =	vmul.f32 v40, v40;
	v57 =	vadd.f32 v23, v51  }
0x185: {  	v4 =	vld.idx.msk [tilespmem:v31+s9+$0x0], $0xffff;
	v61 =	vadd.f32 v23, v56;
	v40 =	vmul.f32 v51, v51;
	v36 =	vor.u32 v9, v36  }
0x186: {  	v0 =	vmul.f32 v0, v0;
	v54 =	vmul.f32 v37, v37;
	v10 =	vsub.f32 v28, v14;
	v22 =	vld.idx.msk [tilespmem:v42+s11+$0x0], $0xffff  }
0x187: {  	v5 =	vsub.f32 v33, v15;
	v13 =	vsub.f32 v24, v13;
	v7 =	vor.u32 v9, v7;
	v46 =	vld.idx.msk [tilespmem:v16+s11+$0x0], $0xffff  }
0x188: {  	v59 =	vmul.f32 v49, v49;
	v24 =	vsub.f32 v24, v18;
	v37 =	vsub.f32 v25, v18;
	v63 =	vld.idx.msk [tilespmem:v16+s10+$0x0], $0xffff  }
0x189: {  	v14 =	vmul.f32 v21, v21;
	v15 =	vsub.f32 v28, v15;
	v62 =	vadd.f32 v29, v10;
	v52 =	vld.idx.msk [tilespmem:v16+s8+$0x0], $0xffff  }
0x18a: {  	v18 =	vmul.f32 v39, v39;
	v12 =	vadd.f32 v29, v5;
	v48 =	vadd.f32 v30, v13;
	v60 =	vld.idx.msk [tilespmem:v16+s9+$0x0], $0xffff  }
0x18b: {  	v28 =	vmul.f32 v38, v38;
	v39 =	vadd.f32 v30, v24;
	v47 =	vsub.f32 v20, v4;
	v41 =	vld.idx.msk [tilespmem:v42+s8+$0x0], $0xffff  }
0x18c: {  	v4 =	vsub.f32 v32, v4;
	v20 =	vmul.f32 v55, v55;
	v38 =	vmul.f32 v5, v5;
	v7 =	vld.idx.msk [tilespmem:v7+s3+$0x0], $0xffff  }
0x18d: {  	v19 =	vadd.f32 v29, v15;
	v21 =	vmul.f32 v62, v62;
	v25 =	vadd.f32 v11, v47  }
0x18e: {  	v35 =	vmul.f32 v48, v48;
	v48 =	vadd.f32 v23, v55;
	v16 =	vadd.f32 v30, v37  }
0x18f: {  	v23 =	vmul.f32 v24, v24;
	v5 =	vsub.f32 v52, v46;
	v62 =	vsub.f32 v63, v60  }
0x190: {  	[tilespmem:$0x1FFB0] =	vst v2;
	v30 =	vmul.f32 v44, v44;
	v17 =	vsub.f32 v41, v22;
	v22 =	vmul.f32 v4, v4  }
0x191: {  	v2 =	vld.idx.msk [tilespmem:v34+s11+$0x0], $0xffff;
	v46 =	vadd.f32 v11, v4;
	v4 =	vmul.f32 v5, v5;
	v29 =	vadd.f32 v7, v62  }
0x192: {  	v43 =	vld.idx.msk [tilespmem:v31+s11+$0x0], $0xffff;
	v58 =	vsub.f32 v52, v60;
	v63 =	vadd.f32 v7, v5;
	v52 =	vmul.f32 v62, v62  }
0x193: {  	v51 =	vld.idx.msk [tilespmem:v42+s9+$0x0], $0xffff;
	v44 =	vmul.f32 v6, v6;
	v6 =	vadd.f32 v4, v26;
	v29 =	vmul.f32 v29, v29  }
0x194: {  	v5 =	vld.idx.msk [tilespmem:v34+s9+$0x0], $0xffff;
	v55 =	vadd.f32 v7, v58;
	v33 =	vmul.f32 v63, v63;
	v31 =	vadd.f32 v52, v26  }
0x195: {  	v24 =	vmul.f32 v39, v39;
	v4 =	vld.idx.msk [tilespmem:v34+s8+$0x0], $0xffff;
	v49 =	vadd.f32 v50, v6;
	v34 =	vadd.f32 v29, v26  }
0x196: {  	v52 =	vld.idx.msk [tilespmem:v42+s10+$0x0], $0xffff;
	v29 =	vmul.f32 v61, v61;
	v60 =	vadd.f32 v33, v26;
	v33 =	vmul.f32 v57, v57  }
0x197: {  	v53 =	vadd.f32 v53, v31;
	v31 =	vimm.f32 $0.0e+00;
	v0 =	vadd.f32 v0, v34  }
0x198: {  	[tilespmem:$0x1FFC0] =	vst v2;
	v39 =	vadd.f32 v44, v49;
	v44 =	vmul.f32 v55, v55;
	v50 =	vadd.f32 v54, v60  }
0x199: {  	s18 =	simm.s32 $0x8;
	v36 =	vld.idx.msk [tilespmem:v36+s3+$0x0], $0xffff;
	v34 =	vmul.f32 v56, v56;
	v49 =	vmul.f32 v58, v58;
	v42 =	vadd.f32 v59, v0  }
.LBB2_8:
0x19a: {  	s20 =	sadd.s32 $0x1, s18  }
0x19b: {  	p0 =	slt.u32 s18, $0x18;
	v0 =	vmul.f32 v47, v47;
	v47 =	vmul.f32 v48, v48;
	v48 =	vsub.f32 v52, v51;
	s19 =	smov.u32 s18;
	s18 =	sadd.s32 $0x8, s18  }
0x19c: {  	v41 =	vsub.f32 v41, v51;
	v52 =	vmov s20;
	v45 =	vadd.f32 v45, v53  }
0x19d: {  	v27 =	vmul.f32 v27, v27;
	v51 =	vand.u32 $0x79, v52;
	v52 =	vsub.f32 v32, v43  }
0x19e: {  	s20 =	sadd.s32 $0x2, s19;
	v32 =	vbroadcast v51, $0x0;
	v0 =	vadd.f32 v0, v45;
	v45 =	vadd.f32 v36, v17  }
0x19f: {  	v43 =	vmov s20;
	v51 =	vmul.f32 v37, v37;
	v37 =	vadd.f32 v36, v41  }
0x1a0: {  	v27 =	vadd.f32 v27, v50;
	v53 =	vor.u32 v8, v32;
	v0 =	vadd.f32 v40, v0  }
0x1a1: {  	v11 =	vadd.f32 v11, v52;
	v40 =	vor.u32 v9, v32;
	v32 =	vmul.f32 v46, v46  }
0x1a2: {  	s20 =	sadd.s32 $0x4, s19;
	v46 =	vand.u32 $0x7A, v43;
	v43 =	vadd.f32 v36, v48;
	v0 =	vadd.f32 v51, v0  }
0x1a3: {  	s21 =	sadd.s32 $0x3, s19;
	v36 =	vbroadcast v46, $0x0;
	v46 =	vmov s20;
	v11 =	vmul.f32 v11, v11  }
0x1a4: {  	v50 =	vmov s21;
	s20 =	sadd.s32 $0x5, s19;
	v0 =	vadd.f32 v38, v0;
	v38 =	vmul.f32 v45, v45  }
0x1a5: {  	v46 =	vand.u32 $0x7C, v46;
	v51 =	vor.u32 v8, v36;
	v11 =	vadd.f32 v11, v27;
	v45 =	vld.idx.msk [tilespmem:v53+s10+$0x0], $0xffff  }
0x1a6: {  	s21 =	sadd.s32 $0x6, s19;
	v50 =	vand.u32 $0x7B, v50;
	v36 =	vor.u32 v9, v36;
	v46 =	vbroadcast v46, $0x0;
	v27 =	vld.idx.msk [tilespmem:v53+s11+$0x0], $0xffff  }
0x1a7: {  	v50 =	vbroadcast v50, $0x0;
	v55 =	vmov s20;
	v11 =	vadd.f32 v47, v11;
	v54 =	vld.idx.msk [tilespmem:v53+s8+$0x0], $0xffff  }
0x1a8: {  	v49 =	vadd.f32 v49, v26;
	v47 =	vld.idx.msk [tilespmem:v53+s9+$0x0], $0xffff;
	v53 =	vand.u32 $0x7D, v55;
	v55 =	vmov s21  }
0x1a9: {  	v26 =	vor.u32 v8, v50;
	v50 =	vor.u32 v9, v50;
	v11 =	vadd.f32 v35, v11;
	v56 =	vld.idx.msk [tilespmem:v40+s3+$0x0], $0xffff  }
0x1aa: {  	v58 =	vor.u32 v8, v46;
	v46 =	vor.u32 v9, v46;
	v35 =	vmul.f32 v48, v48;
	v57 =	vld.idx.msk [tilespmem:v51+s11+$0x0], $0xffff  }
0x1ab: {  	v53 =	vbroadcast v53, $0x0;
	v11 =	vadd.f32 v21, v11;
	v48 =	vld.idx.msk [tilespmem:v36+s3+$0x0], $0xffff;
	v36 =	vand.u32 $0x7E, v55  }
0x1ac: {  	v52 =	vmul.f32 v52, v52;
	v21 =	vld.idx.msk [tilespmem:v51+s10+$0x0], $0xffff;
	v55 =	vbroadcast v36, $0x0;
	v36 =	vadd.f32 v35, v0  }
0x1ad: {  	v59 =	vor.u32 v8, v53;
	v40 =	vadd.f32 v38, v11;
	v0 =	vsub.f32 v54, v27;
	v27 =	vld.idx.msk [tilespmem:v51+s9+$0x0], $0xffff  }
0x1ae: {  	v35 =	vsub.f32 v54, v47;
	v11 =	vld.idx.msk [tilespmem:v50+s3+$0x0], $0xffff;
	v38 =	vor.u32 v8, v55;
	v50 =	vadd.f32 v52, v39  }
0x1af: {  	v25 =	vmul.f32 v25, v25;
	v52 =	vadd.f32 v56, v0;
	v39 =	vld.idx.msk [tilespmem:v46+s3+$0x0], $0xffff;
	v46 =	vor.u32 v9, v53  }
0x1b0: {  	s20 =	sadd.s32 $0x7, s19;
	v55 =	vor.u32 v9, v55;
	v53 =	vadd.f32 v56, v35;
	v54 =	vld.idx.msk [tilespmem:v58+s11+$0x0], $0xffff;
	v20 =	vadd.f32 v20, v50  }
0x1b1: {  	v25 =	vadd.f32 v25, v42;
	v45 =	vsub.f32 v45, v47;
	v50 =	vmov s20;
	v47 =	vld.idx.msk [tilespmem:v51+s8+$0x0], $0xffff  }
0x1b2: {  	v13 =	vmul.f32 v13, v13;
	v28 =	vadd.f32 v28, v49;
	v17 =	vmul.f32 v17, v17;
	v42 =	vld.idx.msk [tilespmem:v59+s8+$0x0], $0xffff  }
0x1b3: {  	v16 =	vmul.f32 v16, v16;
	v25 =	vadd.f32 v33, v25;
	v49 =	vsub.f32 v21, v27;
	v21 =	vld.idx.msk [tilespmem:v59+s10+$0x0], $0xffff  }
0x1b4: {  	v10 =	vmul.f32 v10, v10;
	v51 =	vadd.f32 v56, v45;
	v13 =	vadd.f32 v13, v20;
	v56 =	vld.idx.msk [tilespmem:v38+s8+$0x0], $0xffff  }
0x1b5: {  	v12 =	vmul.f32 v12, v12;
	v16 =	vadd.f32 v16, v25;
	v33 =	vadd.f32 v48, v49;
	v55 =	vld.idx.msk [tilespmem:v55+s3+$0x0], $0xffff  }
0x1b6: {  	v31 =	vadd.f32 v44, v31;
	v20 =	vmov s19;
	v10 =	vadd.f32 v10, v13;
	v25 =	vld.idx.msk [tilespmem:v26+s10+$0x0], $0xffff  }
0x1b7: {  	v13 =	vand.u32 $0x78, v20;
	v20 =	vadd.f32 v30, v28;
	v44 =	vsub.f32 v47, v27;
	v46 =	vld.idx.msk [tilespmem:v46+s3+$0x0], $0xffff  }
0x1b8: {  	v18 =	vadd.f32 v18, v31;
	v13 =	vbroadcast v13, $0x0;
	v57 =	vsub.f32 v47, v57;
	v28 =	vld.idx.msk [tilespmem:v38+s11+$0x0], $0xffff  }
0x1b9: {  	v47 =	vand.u32 $0x7F, v50;
	v50 =	vadd.f32 v17, v10;
	v30 =	vadd.f32 v48, v44;
	v31 =	vld.idx.msk [tilespmem:v38+s10+$0x0], $0xffff  }
0x1ba: {  	v10 =	vadd.f32 v14, v18;
	v17 =	vor.u32 v8, v13;
	v60 =	vor.u32 v9, v13;
	v61 =	vld.idx.msk [tilespmem:v58+s10+$0x0], $0xffff  }
0x1bb: {  	v14 =	vadd.f32 v22, v20;
	v13 =	vbroadcast v47, $0x0;
	v27 =	vadd.f32 v48, v57;
	v38 =	vld.idx.msk [tilespmem:v38+s9+$0x0], $0xffff  }
0x1bc: {  	v12 =	vadd.f32 v12, v16;
	v16 =	vmul.f32 v43, v43;
	v20 =	vadd.f32 v32, v10;
	v18 =	vld.idx.msk [tilespmem:v59+s11+$0x0], $0xffff  }
0x1bd: {  	v62 =	vor.u32 v8, v13;
	v63 =	vor.u32 v9, v13;
	v13 =	vadd.f32 v34, v14;
	v43 =	vld.idx.msk [tilespmem:v26+s11+$0x0], $0xffff  }
0x1be: {  	v14 =	vadd.f32 v29, v20;
	v10 =	vsub.f32 v56, v28;
	v22 =	vld.idx.msk [tilespmem:v58+s9+$0x0], $0xffff  }
0x1bf: {  	v15 =	vmul.f32 v15, v15;
	v29 =	vadd.f32 v16, v12;
	v13 =	vadd.f32 v23, v13;
	v20 =	vld.idx.msk [tilespmem:v59+s9+$0x0], $0xffff  }
0x1c0: {  	v12 =	vadd.f32 v24, v14;
	v14 =	vmul.f32 v19, v19;
	v23 =	vadd.f32 v55, v10;
	v16 =	vld.idx.msk [tilespmem:v58+s8+$0x0], $0xffff  }
0x1c1: {  	v15 =	vadd.f32 v15, v13;
	v58 =	vmul.f32 v45, v45;
	v19 =	vsub.f32 v31, v38;
	v32 =	vld.idx.msk [tilespmem:v26+s8+$0x0], $0xffff  }
0x1c2: {  	v28 =	vmul.f32 v41, v41;
	v13 =	vsub.f32 v42, v18;
	v18 =	vadd.f32 v14, v12;
	v24 =	vld.idx.msk [tilespmem:v62+s11+$0x0], $0xffff  }
0x1c3: {  	v0 =	vmul.f32 v0, v0;
	v31 =	vmul.f32 v37, v37;
	v12 =	vadd.f32 v55, v19;
	v34 =	vld.idx.msk [tilespmem:v26+s9+$0x0], $0xffff  }
0x1c4: {  	v14 =	vmul.f32 v30, v30;
	v30 =	vadd.f32 v46, v13;
	v26 =	vadd.f32 v28, v15;
	v41 =	vld.idx.msk [tilespmem:v62+s8+$0x0], $0xffff  }
0x1c5: {  	v59 =	vmul.f32 v51, v51;
	v61 =	vsub.f32 v61, v22;
	v42 =	vsub.f32 v42, v20;
	v48 =	vld.idx.msk [tilespmem:v17+s11+$0x0], $0xffff  }
0x1c6: {  	v2 =	vmul.f32 v52, v52;
	v31 =	vadd.f32 v31, v18;
	v37 =	vsub.f32 v21, v20;
	v51 =	vld.idx.msk [tilespmem:v17+s10+$0x0], $0xffff  }
0x1c7: {  	v18 =	vmul.f32 v53, v53;
	v21 =	vmul.f32 v23, v23;
	v53 =	vadd.f32 v46, v42;
	v52 =	vld.idx.msk [tilespmem:v17+s8+$0x0], $0xffff  }
0x1c8: {  	v45 =	vmul.f32 v49, v49;
	v15 =	vsub.f32 v56, v38;
	v49 =	vsub.f32 v16, v54;
	v23 =	vld.idx.msk [tilespmem:v17+s9+$0x0], $0xffff  }
0x1c9: {  	v28 =	vmul.f32 v35, v35;
	v54 =	vsub.f32 v16, v22;
	v56 =	vadd.f32 v39, v61  }
0x1ca: {  	v20 =	vmul.f32 v49, v49;
	v22 =	vsub.f32 v32, v34;
	v47 =	vsub.f32 v25, v34;
	v60 =	vld.idx.msk [tilespmem:v60+s3+$0x0], $0xffff  }
0x1cb: {  	v38 =	vmul.f32 v19, v19;
	v16 =	vadd.f32 v46, v37;
	v17 =	vsub.f32 v41, v24  }
0x1cc: {  	v34 =	vadd.f32 v39, v54;
	v25 =	vadd.f32 v11, v47  }
0x1cd: {  	v46 =	vadd.f32 v11, v22;
	v22 =	vmul.f32 v22, v22;
	v24 =	vsub.f32 v52, v48  }
0x1ce: {  	v35 =	vmul.f32 v30, v30;
	v6 =	vsub.f32 v52, v23;
	v7 =	vsub.f32 v51, v23  }
0x1cf: {  	v30 =	vmul.f32 v44, v44;
	v19 =	vadd.f32 v55, v15;
	v23 =	vmul.f32 v24, v24  }
0x1d0: {  	v55 =	vmul.f32 v57, v57;
	v44 =	vadd.f32 v60, v7;
	v24 =	vadd.f32 v60, v24  }
0x1d1: {  	v48 =	vadd.f32 v39, v49;
	v50 =	vadd.f32 v23, v50;
	v23 =	vmul.f32 v42, v42  }
0x1d2: {  	v57 =	vmul.f32 v33, v33;
	v42 =	vadd.f32 v60, v6;
	v39 =	vmul.f32 v44, v44;
	v52 =	vld.idx.msk [tilespmem:v62+s10+$0x0], $0xffff  }
0x1d3: {  	v33 =	vmul.f32 v24, v24;
	v24 =	vmul.f32 v53, v53;
	v0 =	vadd.f32 v0, v50;
	v51 =	vld.idx.msk [tilespmem:v62+s9+$0x0], $0xffff  }
.Ltmp2:
0x1d4: {  	v7 =	vmul.f32 v7, v7;
	v44 =	vadd.f32 v39, v29;
	v29 =	vmul.f32 v34, v34;
	(pc) =	sbr.rel @p0 .LBB2_8-.Ltmp2, $4  }
0x1d5: {  	v34 =	vadd.f32 v33, v40;
	v40 =	vmul.f32 v61, v61;
	v39 =	vadd.f32 v55, v0  }
0x1d6: {  	v33 =	vmul.f32 v56, v56;
	v0 =	vadd.f32 v7, v36;
	v7 =	vadd.f32 v59, v44;
	v36 =	vld.idx.msk [tilespmem:v63+s3+$0x0], $0xffff  }
0x1d7: {  	v44 =	vmul.f32 v42, v42;
	v50 =	vadd.f32 v2, v34;
	v34 =	vmul.f32 v54, v54  }
0x1d8: {  	v49 =	vmul.f32 v6, v6;
	v53 =	vadd.f32 v58, v0;
	v42 =	vadd.f32 v57, v7  }
0x1d9: {  	v0 =	vsub.f32 v52, v51;
	v8 =	vmul.f32 v47, v47;
	v57 =	vmul.f32 v27, v27  }
0x1da: {  	v7 =	vadd.f32 v44, v31;
	v59 =	vmul.f32 v46, v46;
	v61 =	vmul.f32 v48, v48  }
0x1db: {  	v9 =	vsub.f32 v41, v51;
	v62 =	vmul.f32 v37, v37;
	v15 =	vmul.f32 v15, v15  }
0x1dc: {  	v56 =	vsub.f32 v32, v43;
	v19 =	vmul.f32 v19, v19;
	v13 =	vmul.f32 v13, v13  }
0x1dd: {  	v16 =	vmul.f32 v16, v16;
	v10 =	vmul.f32 v10, v10;
	v2 =	vadd.f32 v49, v26  }
0x1de: {  	v12 =	vmul.f32 v12, v12;
	v46 =	vand.u32 $0xFFFFFFFD, v3;
	v6 =	vadd.f32 v45, v53  }
0x1df: {  	vm1 =	veq.s32 v3, $0x3;
	v7 =	vadd.f32 v18, v7;
	v2 =	vadd.f32 v28, v2  }
0x1e0: {  	vm2 =	veq.s32 v3, $0x5;
	v58 =	vadd.f32 v36, v17;
	v60 =	vadd.f32 v36, v9  }
0x1e1: {  	vm15 =	vlt.u32 v3, $0x2;
	v18 =	vadd.f32 v57, v50;
	v2 =	vadd.f32 v30, v2  }
0x1e2: {  	v11 =	vadd.f32 v11, v56;
	v63 =	vadd.f32 v36, v0;
	v31 =	vmul.f32 v56, v56  }
0x1e3: {  	vm3 =	veq.s32 v3, $0xD;
	v7 =	vadd.f32 v14, v7;
	v2 =	vadd.f32 v22, v2  }
0x1e4: {  	v6 =	vadd.f32 v8, v6;
	v11 =	vmul.f32 v11, v11;
	v36 =	vadd.f32 v31, v39  }
0x1e5: {  	vm4 =	veq.s32 v3, $0x11;
	v7 =	vadd.f32 v59, v7;
	v2 =	vadd.f32 v34, v2  }
0x1e6: {  	vm0 =	veq.s32 v46, $0x4;
	v6 =	vadd.f32 v40, v6;
	v11 =	vadd.f32 v11, v18  }
0x1e7: {  	v9 =	vmul.f32 v9, v9;
	v7 =	vadd.f32 v29, v7;
	v2 =	vadd.f32 v23, v2  }
0x1e8: {  	v0 =	vmul.f32 v0, v0;
	v6 =	vadd.f32 v62, v6;
	v11 =	vadd.f32 v61, v11  }
0x1e9: {  	v14 =	vmul.f32 v60, v60;
	v7 =	vadd.f32 v24, v7;
	v2 =	vadd.f32 v15, v2  }
0x1ea: {  	v8 =	vmul.f32 v58, v58;
	v6 =	vadd.f32 v38, v6;
	v24 =	vadd.f32 v35, v11  }
0x1eb: {  	v34 =	vmul.f32 v25, v25;
	v7 =	vadd.f32 v19, v7;
	v2 =	vadd.f32 v9, v2  }
0x1ec: {  	v44 =	vmul.f32 v63, v63;
	v0 =	vadd.f32 v0, v6;
	v6 =	vadd.f32 v20, v36  }
0x1ed: {  	v38 =	vadd.f32 v34, v42;
	v7 =	vadd.f32 v14, v7;
	v2 =	vmax.f32 v2, $1.000000020e-24  }
0x1ee: {  	v6 =	vadd.f32 v13, v6;
	v27 =	vshrl.u32 v2, $0x1;
	v28 =	vmul.f32 $5.000000000e-01, v2  }
0x1ef: {  	v9 =	vadd.f32 v21, v24;
	v7 =	vmax.f32 v7, $1.000000020e-24;
	v11 =	vsub.s32 $0x5F3759DF, v27  }
0x1f0: {  	v29 =	vshrl.u32 v7, $0x1;
	v30 =	vmul.f32 $5.000000000e-01, v7;
	v32 =	vmul.f32 v11, v28  }
0x1f1: {  	v42 =	vmul.f32 v17, v17;
	v6 =	vadd.f32 v10, v6;
	v18 =	vsub.s32 $0x5F3759DF, v29  }
0x1f2: {  	v8 =	vadd.f32 v8, v9;
	v35 =	vmul.f32 v18, v30;
	v37 =	vmul.f32 v11, v32  }
0x1f3: {  	v0 =	vmax.f32 v0, $1.000000020e-24;
	v9 =	vadd.f32 v33, v38;
	v6 =	vadd.f32 v42, v6  }
0x1f4: {  	v48 =	vshrl.u32 v0, $0x1;
	v39 =	vmul.f32 v18, v35;
	v40 =	vsub.f32 $1.500000000e+00, v37  }
0x1f5: {  	v49 =	vmul.f32 $5.000000000e-01, v0;
	v9 =	vadd.f32 v16, v9;
	v6 =	vmax.f32 v6, $1.000000020e-24  }
0x1f6: {  	v8 =	vmax.f32 v8, $1.000000020e-24;
	v21 =	vsub.f32 $1.500000000e+00, v39;
	v11 =	vmul.f32 v11, v40  }
0x1f7: {  	v56 =	vshrl.u32 v6, $0x1;
	v57 =	vmul.f32 $5.000000000e-01, v6;
	v9 =	vadd.f32 v12, v9  }
0x1f8: {  	v59 =	vshrl.u32 v8, $0x1;
	v41 =	vmul.f32 v18, v21;
	v43 =	vmul.f32 v11, v28  }
0x1f9: {  	v60 =	vmul.f32 $5.000000000e-01, v8;
	v20 =	vsub.s32 $0x5F3759DF, v56;
	v9 =	vadd.f32 v44, v9  }
0x1fa: {  	v62 =	vsub.s32 $0x5F3759DF, v59;
	v45 =	vmul.f32 v41, v30;
	v10 =	vmul.f32 v43, v11  }
0x1fb: {  	v58 =	vmul.f32 v20, v57;
	v23 =	vmul.f32 v62, v60;
	v9 =	vmax.f32 v9, $1.000000020e-24  }
0x1fc: {  	v53 =	vshrl.u32 v9, $0x1;
	v47 =	vmul.f32 v45, v41;
	v10 =	vsub.f32 $1.500000000e+00, v10  }
0x1fd: {  	v22 =	vmul.f32 v20, v58;
	v54 =	vmul.f32 $5.000000000e-01, v9;
	v17 =	vsub.s32 $0x5F3759DF, v53  }
0x1fe: {  	v12 =	vsub.f32 $1.500000000e+00, v47;
	v10 =	vmul.f32 v10, v11;
	v11 =	vsub.s32 $0x5F3759DF, v48  }
0x1ff: {  	vm1 =	vmor vm1, vm2;
	v55 =	vmul.f32 v17, v54;
	v51 =	vmul.f32 v11, v49  }
0x200: {  	vm3 =	vmor vm3, vm4;
	v12 =	vmul.f32 v12, v41;
	v50 =	vmul.f32 v10, v28  }
0x201: {  	v19 =	vmul.f32 v17, v55;
	v28 =	vsub.f32 $1.500000000e+00, v22;
	v14 =	vmul.f32 v11, v51  }
0x202: {  	vm2 =	vmor vm3, vm15;
	v52 =	vmul.f32 v12, v30;
	v13 =	vmul.f32 v50, v10  }
0x203: {  	v29 =	vmul.f32 v62, v23;
	v32 =	vmul.f32 v20, v28;
	v14 =	vsub.f32 $1.500000000e+00, v14  }
0x204: {  	v61 =	vsub.f32 $1.500000000e+00, v19;
	v16 =	vmul.f32 v52, v12;
	v13 =	vsub.f32 $1.500000000e+00, v13  }
0x205: {  	v38 =	vsub.f32 v4, v5;
	v58 =	vld [tilespmem:$0x1FFC0];
	v3 =	vmul.f32 v32, v57;
	v11 =	vmul.f32 v11, v14  }
0x206: {  	v33 =	vsub.f32 $1.500000000e+00, v29;
	v14 =	vmul.f32 v17, v61;
	v10 =	vmul.f32 v13, v10  }
0x207: {  	v16 =	vsub.f32 $1.500000000e+00, v16;
	v3 =	vmul.f32 v3, v32;
	v63 =	vmul.f32 v11, v49  }
0x208: {  	v39 =	vsub.f32 v5, v4;
	v13 =	vmul.f32 v62, v33;
	v31 =	vmul.f32 v14, v54  }
0x209: {  	v12 =	vmul.f32 v16, v12;
	v3 =	vsub.f32 $1.500000000e+00, v3;
	v30 =	vmul.f32 v63, v11  }
0x20a: {  	v59 =	vsub.f32 v4, v58;
	v50 =	vld [tilespmem:$0x1FFB0];
	v37 =	vmul.f32 v13, v60;
	v35 =	vmul.f32 v31, v14  }
0x20b: {  	v61 =	vsub.f32 v58, v4;
	v3 =	vmul.f32 v3, v32;
	v34 =	vsub.f32 $1.500000000e+00, v30  }
0x20c: {  	v7 =	vmul.f32 v12, v7;
	v16 =	vmul.f32 v37, v13;
	v36 =	vsub.f32 $1.500000000e+00, v35  }
0x20d: {  	v62 =	vand.u32 $0x7FFFFFFF, v59;
	v44 =	vmul.f32 v3, v57;
	v11 =	vmul.f32 v34, v11  }
0x20e: {  	v2 =	vmul.f32 v10, v2;
	v41 =	vsub.f32 $1.500000000e+00, v16;
	v12 =	vmul.f32 v36, v14  }
0x20f: {  	v51 =	vsub.f32 v50, v5;
	v47 =	vmul.f32 v44, v3;
	v15 =	vmul.f32 v11, v49  }
0x210: {  	v40 =	vsub.f32 v2, v38;
	v42 =	vsub.f32 v2, v39;
	v10 =	vmul.f32 v41, v13  }
0x211: {  	v18 =	vmul.f32 v12, v54;
	v52 =	vsub.f32 $1.500000000e+00, v47;
	v15 =	vmul.f32 v15, v11  }
0x212: {  	v46 =	vmax.f32 v42, $0.0e+00;
	v14 =	vand.u32 $0x7FFFFFFF, v38;
	v48 =	vmul.f32 v10, v60  }
0x213: {  	v43 =	vmul.f32 v18, v12;
	v3 =	vmul.f32 v52, v3;
	v15 =	vsub.f32 $1.500000000e+00, v15  }
0x214: {  	v57 =	vsub.f32 v5, v50;
	v2 =	vadd.f32 v2, v14;
	v53 =	vmul.f32 v48, v10  }
0x215: {  	v45 =	vsub.f32 $1.500000000e+00, v43;
	v3 =	vmul.f32 v3, v6;
	v11 =	vmul.f32 v15, v11  }
0x216: {  	v54 =	vmax.f32 v40, $0.0e+00;
	v2 =	vsel vm2, v2, v7;
	v56 =	vsub.f32 $1.500000000e+00, v53  }
0x217: {  	v49 =	vmul.f32 v45, v12;
	v4 =	vsub.f32 v3, v61;
	v0 =	vmul.f32 v11, v0  }
0x218: {  	v60 =	vmul.f32 v56, v10;
	v63 =	vadd.f32 v3, v62;
	v3 =	vsub.f32 v3, v59  }
0x219: {  	v7 =	vmul.f32 v49, v9;
	v11 =	vand.u32 $0x7FFFFFFF, v51;
	v55 =	vsub.f32 v0, v51  }
0x21a: {  	v6 =	vmul.f32 v60, v8;
	v5 =	vsub.f32 v0, v57;
	v0 =	vadd.f32 v0, v11  }
0x21b: {  	v2 =	vsel vm1, v46, v2;
	v4 =	vmax.f32 v4, $0.0e+00;
	v3 =	vmax.f32 v3, $0.0e+00  }
0x21c: {  	v6 =	vsel vm2, v63, v6;
	v5 =	vmax.f32 v5, $0.0e+00;
	v0 =	vsel vm2, v0, v7  }
0x21d: {  	v9 =	vmax.f32 v55, $0.0e+00;
	v4 =	vsel vm1, v4, v6;
	v0 =	vsel vm1, v5, v0  }
0x21e: {  	v2 =	vsel vm0, v54, v2;
	v3 =	vsel vm0, v3, v4;
	v0 =	vsel vm0, v9, v0  }
0x21f: {  	v0 =	vsub.f32 v2, v0;
	v2 =	vsub.f32 v2, v3  }
0x220: {  	s17 =	sadd.s32 $0x1, s17  }
0x221: {  	p0 =	sne.s32 s17, $0x4;
	v0 =	vadd.f32 $1.000000000e+00, v0;
	v2 =	vadd.f32 $1.000000000e+00, v2  }
.Ltmp3:
0x222: {  	_ = 	snop;
	(pc) =	sbr.rel @p0 .LBB2_7-.Ltmp3, $3  }
0x223: {  	v0 =	vmax.f32 v0, $0.0e+00;
	v2 =	vmax.f32 v2, $0.0e+00  }
0x224: {  	v0 =	vadd.f32 v2, v0;
	_ =	sdelay $0x1  }
0x225: {  	v1 =	vadd.f32 v0, v1  }
0x226: {  	s15 =	sadd.s32 $0x1, s15  }
0x227: {  	p0 =	sne.s32 s15, $0x4  }
.Ltmp4:
0x228: {  	_ = 	snop;
	(pc) =	sbr.rel @p0 .LBB2_2-.Ltmp4, $1  }
0x229: {  	_ =	sdelay $0x3  }
0x22a: {  	s14 =	sadd.s32 $0x1, s14  }
0x22b: {  	p0 =	sne.s32 s14, s25  }
.Ltmp5:
0x22c: {  	[tilespmem:$0x11600] =	vst v1;
	s15 =	simm.s32 $0x11600;
	(pc) =	sbr.rel @p0 .LBB2_1-.Ltmp5, $4  }
0x22d: {  	[hbm4b:s24+s4] =	stream.linear.scatter [tilespmem:s15], [sflag:$0x4], $0x10, $0x38;
	[tilespmem:$0x11680] =	vst v63  }
0x22e: {  	_ =	swait.ge [sflag:s30], $0x10  }
0x22f: {  	[sflag:s30] =	ssyncset.done $0x0  }
0x230: {  	[sflag:s30] =	ssyncadd.s32 $0xFFFFFFF0  }
0x231: {  	_ =	sfence.sel $0x180000  }
0x232: {  	[bflag:$0x0] =	sbarrier.arrive $0xFFFF  }
0x233: {  	_ =	strace $0x90000047  }
0x234: {  	s0 =	stileid.u32;
	[bflag:$0x2] =	sbarrier.arrive $0xFFFF  }
0x235: {  	p0 =	sne.s32 s0, $0x0;
	s0 =	rddreg [dreg:$0x7]  }
0x236: {  	s0 =	sadd.s32 @!p0 $0x100000, s0  }
0x237: {  	[sflag:s0] =	ssyncadd.tile.s32 @!p0 $0x1;
	_ =	shalt  }
.Lfunc_end2:
_tile_overlayer_lowered:
.L_overlay_start_2:
0x238: {  	(tag) =	ssettag $0x2  }
0x239: {  	s0 =	rddreg [dreg:$0x0];
	s2 =	stileid.u32  }
0x23a: {  	s1 =	rddreg [dreg:$0x1];
	p0 =	sne.s32 s2, $0x0  }
0x23b: {  	s3 =	rddreg [dreg:$0x2];
	[bflag:$0x3] =	sbarrier.arrive $0xFFFF;
	s2 =	simm.s32 @!p0 $0x1C04  }
0x23c: {  	[timem:s3], [sflag:s2] =	dma.local @!p0 [hbm:s0], s1  }
0x23d: {  	s0 =	simm.s32 @!p0 $0x4  }
0x23e: {  	_ =	swait.ge @!p0 [sflag:s0], s1  }
0x23f: {  	s1 =	ssub.s32 @!p0 $0x0, s1;
	[sflag:s0] =	ssyncset.done @!p0 $0x0  }
0x240: {  	[sflag:s0] =	ssyncadd.s32 @!p0 s1  }
0x241: {  	[bflag:$0x3] =	sbarrier.arrive $0xFFFF  }
0x242: {  	_ =	shalt  }

</sc_bundles>
